<compile_context>
chip_gen: v7x
topology: tpu7x:2x2x1
jax: 0.10.2.dev20260603
libtpu: 0.0.44.dev20260713+nightly
codegen_flags: <defaults>
</compile_context>

<pallas_src>
import functools

import jax
import jax.numpy as jnp
from jax import lax
from jax.experimental import pallas as pl
from jax.experimental.pallas import tpu as pltpu
from jax.experimental.pallas import tpu_sc as plsc

STEPS_PER_DAY = 288
DOW_ROWS = 7
TE_DIM = 64
PAD_DIM = 128
B, T = 4096, 200
FUSED_ROWS = 8 * STEPS_PER_DAY
ROWS = B * T

NUM_CORES = 2
NUM_SUBCORES = 16
NW = NUM_CORES * NUM_SUBCORES
B_PER_W = B // NW
PER_W = ROWS // NW
N_PAIR = B_PER_W // 2
STAGE = 6400
UNROLL = 16
LANES = 16


def _fused_table_body(tod_ref, dow_ref, out_ref):
    tod = tod_ref[...].reshape(1, STEPS_PER_DAY, TE_DIM)
    dow = dow_ref[...].reshape(DOW_ROWS, 1, TE_DIM)
    out_ref[0:DOW_ROWS, :, 0:TE_DIM] = tod + dow
    out_ref[DOW_ROWS:8, :, 0:TE_DIM] = jnp.zeros(
        (8 - DOW_ROWS, STEPS_PER_DAY, TE_DIM), jnp.float32
    )
    out_ref[:, :, TE_DIM:PAD_DIM] = jnp.zeros(
        (8, STEPS_PER_DAY, PAD_DIM - TE_DIM), jnp.float32
    )


def _build_fused_table(tod_table, dow_table):
    f3 = pl.pallas_call(
        _fused_table_body,
        out_shape=jax.ShapeDtypeStruct((8, STEPS_PER_DAY, PAD_DIM), jnp.float32),
    )(tod_table, dow_table)
    return f3.reshape(FUSED_ROWS, PAD_DIM)


_MESH = plsc.VectorSubcoreMesh(core_axis_name="c", subcore_axis_name="s")


@functools.partial(
    pl.kernel,
    mesh=_MESH,
    out_type=jax.ShapeDtypeStruct((B, T, PAD_DIM), jnp.float32),
    scratch_types=[
        pltpu.VMEM((STAGE,), jnp.int32),
        pltpu.VMEM((STAGE,), jnp.int32),
        pltpu.VMEM((PER_W,), jnp.int32),
        pltpu.VMEM((T, PAD_DIM), jnp.float32),
        pltpu.VMEM((T, PAD_DIM), jnp.float32),
        pltpu.SemaphoreType.DMA,
        pltpu.SemaphoreType.DMA,
        pltpu.SemaphoreType.DMA,
        pltpu.SemaphoreType.DMA,
        pltpu.VMEM_SHARED((FUSED_ROWS, PAD_DIM), jnp.float32),
    ],
)
def _sc_gather(tod_hbm, dow_hbm, fused_hbm, out_hbm,
               tod_v, dow_v, idx_v, rows0, rows1, sg0, sg1, sw0, sw1, fshared):
    sid = lax.axis_index("s")
    wid = sid * NUM_CORES + lax.axis_index("c")
    base_w = wid * PER_W
    b_w = wid * B_PER_W

    rows_per_sub = FUSED_ROWS // NUM_SUBCORES
    pltpu.sync_copy(
        fused_hbm.at[pl.ds(sid * rows_per_sub, rows_per_sub), :],
        fshared.at[pl.ds(sid * rows_per_sub, rows_per_sub), :],
    )
    plsc.subcore_barrier()

    def compute_idx_block(sb):
        sbase = sb * STAGE
        pltpu.sync_copy(tod_hbm.at[pl.ds(base_w + sbase, STAGE)], tod_v)
        pltpu.sync_copy(dow_hbm.at[pl.ds(base_w + sbase, STAGE)], dow_v)

        def idx_body(k, carry):
            for i in range(UNROLL):
                off = k * (UNROLL * LANES) + i * LANES
                sl = pl.ds(off, LANES)
                idx_v[pl.ds(sbase + off, LANES)] = (
                    tod_v[sl]
                    + STEPS_PER_DAY * jnp.minimum(dow_v[sl], DOW_ROWS - 1)
                )
            return carry

        lax.fori_loop(0, STAGE // (UNROLL * LANES), idx_body, 0)

    compute_idx_block(0)

    def fire_gather(ci, rows, sem):
        pltpu.async_copy(
            fshared.at[idx_v.at[pl.ds(ci * T, T)]],
            rows,
            sem,
        )

    def wait_gather(rows, sem):
        pltpu.make_async_copy(fused_hbm.at[pl.ds(0, T), :], rows, sem).wait()

    def fire_write(ci, rows, sem):
        pltpu.async_copy(rows, out_hbm.at[b_w + ci], sem)

    def wait_write(rows, sem):
        pltpu.make_async_copy(rows, out_hbm.at[0], sem).wait()

    fire_gather(0, rows0, sg0)

    def pair_body(g, carry):
        c0 = 2 * g
        c1 = c0 + 1

        @pl.when(g > 0)
        def _():
            wait_write(rows1, sw1)

        fire_gather(c1, rows1, sg1)
        for trigger_g, blk in ((10, 1), (26, 2), (42, 3)):
            @pl.when(g == trigger_g)
            def _(blk=blk):
                compute_idx_block(blk)

        wait_gather(rows0, sg0)
        fire_write(c0, rows0, sw0)
        wait_gather(rows1, sg1)
        fire_write(c1, rows1, sw1)

        @pl.when(g < N_PAIR - 1)
        def _():
            wait_write(rows0, sw0)
            fire_gather(c0 + 2, rows0, sg0)

        return carry

    lax.fori_loop(0, N_PAIR, pair_body, 0)
    wait_write(rows0, sw0)
    wait_write(rows1, sw1)


def kernel(te, tod_table, dow_table):
    fused = _build_fused_table(tod_table, dow_table)
    tod_ids = te[..., 0].reshape(ROWS)
    dow_ids = te[..., 1].reshape(ROWS)
    return _sc_gather(tod_ids, dow_ids, fused)[..., :TE_DIM]

# --- scband reference (transcript-rebuilt; emitter-appended) ---
"""Pipeline reference for scband-temporal-embedding-48490180772621 (READ-ONLY COPY).

The authoritative reference and input builder live on the scoring server;
editing this copy changes nothing except your own understanding.
"""

import jax, jax.numpy as jnp
import numpy as np

STEPS_PER_DAY = 288
TE_DIM = 64
B, T = 4096, 200


def setup_inputs(seed: int = 0) -> dict:
    key = jax.random.key(seed)
    k1, k2, k3 = jax.random.split(key, 3)
    te = jax.random.randint(k1, (B, T, 2), 0, STEPS_PER_DAY, dtype=jnp.int32)
    tod_table = jax.random.normal(k2, (STEPS_PER_DAY, TE_DIM), dtype=jnp.float32)
    dow_table = jax.random.normal(k3, (7, TE_DIM), dtype=jnp.float32)
    return {"te": te, "tod_table": tod_table, "dow_table": dow_table}


def reference(te, tod_table, dow_table):
    tod_id = jnp.clip(te[..., 0], 0, STEPS_PER_DAY - 1)
    dow_id = jnp.clip(te[..., 1], 0, 6)
    emb = jnp.take(tod_table, tod_id, axis=0) + jnp.take(dow_table, dow_id, axis=0)
    return emb

if __name__ == "__main__":
    import jax
    _d = setup_inputs()
    print(jax.jit(kernel)(*tuple(_d.values())))

</pallas_src>

<mosaic_0001>
#map = affine_map<(d0, d1) -> (0)>
#map1 = affine_map<(d0, d1) -> (0, 0)>
#map2 = affine_map<(d0, d1) -> (0, 0, 0)>
module attributes {stable_mosaic.version = 14 : i64} {
  func.func @_sc_gather(%arg0: i32, %arg1: i32, %arg2: memref<819200xi32, #tpu.memory_space<hbm>>, %arg3: memref<819200xi32, #tpu.memory_space<hbm>>, %arg4: memref<2304x128xf32, #tpu.memory_space<hbm>>, %arg5: memref<4096x200x128xf32, #tpu.memory_space<hbm>>, %arg6: memref<6400xi32, #tpu.memory_space<vmem>>, %arg7: memref<6400xi32, #tpu.memory_space<vmem>>, %arg8: memref<25600xi32, #tpu.memory_space<vmem>>, %arg9: memref<200x128xf32, #tpu.memory_space<vmem>>, %arg10: memref<200x128xf32, #tpu.memory_space<vmem>>, %arg11: memref<!tpu.dma_semaphore, #tpu.memory_space<semaphore_mem>>, %arg12: memref<!tpu.dma_semaphore, #tpu.memory_space<semaphore_mem>>, %arg13: memref<!tpu.dma_semaphore, #tpu.memory_space<semaphore_mem>>, %arg14: memref<!tpu.dma_semaphore, #tpu.memory_space<semaphore_mem>>, %arg15: memref<2304x128xf32, #tpu.memory_space<vmem_shared>>) attributes {dimension_semantics = [#tpu.dimension_semantics<core_parallel>, #tpu.dimension_semantics<subcore_parallel>], iteration_bounds = array<i64: 2, 16>, scalar_prefetch = 0 : i64, scratch_operands = 10 : i64, tpu.core_type = #tpu.core_type<sc_vector_subcore>, window_params = [{transform_indices = #map}, {transform_indices = #map}, {transform_indices = #map1}, {transform_indices = #map2}]} {
    %mul3A = arith.constant 2 : i32
    %mul3A_0 = arith.muli %arg1, %mul3A : i32
    %add3A = arith.addi %mul3A_0, %arg0 : i32
    %mul3A_1 = arith.constant 25600 : i32
    %mul3A_2 = arith.muli %add3A, %mul3A_1 : i32
    %mul3A_3 = arith.constant 128 : i32
    %mul3A_4 = arith.muli %add3A, %mul3A_3 : i32
    %mul3A_5 = arith.constant 144 : i32
    %mul3A_6 = arith.muli %arg1, %mul3A_5 : i32
    %mul3A_7 = arith.constant 144 : i32
    %mul3A_8 = arith.muli %arg1, %mul3A_7 : i32
    "tpu.region"() ({
      %run_scoped3A = tpu.sem_alloc : memref<!tpu.dma_semaphore, #tpu.memory_space<semaphore_mem>>
      %dma_start3A_45 = arith.constant 0 : i32
      %dma_start3A_46 = tpu.memref_slice %arg15[%mul3A_8, %dma_start3A_45] : memref<2304x128xf32, #tpu.memory_space<vmem_shared>> -> memref<144x128xf32, #tpu.memory_space<vmem_shared>>
      %dma_start3A_47 = arith.constant 0 : i32
      %dma_start3A_48 = tpu.memref_slice %arg4[%mul3A_6, %dma_start3A_47] : memref<2304x128xf32, #tpu.memory_space<hbm>> -> memref<144x128xf32, #tpu.memory_space<hbm>>
      tpu.enqueue_dma source(%dma_start3A_48 : memref<144x128xf32, #tpu.memory_space<hbm>>) target(%dma_start3A_46 : memref<144x128xf32, #tpu.memory_space<vmem_shared>>) target_semaphore(%run_scoped3A : memref<!tpu.dma_semaphore, #tpu.memory_space<semaphore_mem>>)
      %dma_wait3A_49 = arith.constant 0 : i32
      %dma_wait3A_50 = tpu.memref_slice %arg15[%mul3A_8, %dma_wait3A_49] : memref<2304x128xf32, #tpu.memory_space<vmem_shared>> -> memref<144x128xf32, #tpu.memory_space<vmem_shared>>
      %dma_wait3A_51 = arith.constant 0 : i32
      %dma_wait3A_52 = tpu.memref_slice %arg4[%mul3A_6, %dma_wait3A_51] : memref<2304x128xf32, #tpu.memory_space<hbm>> -> memref<144x128xf32, #tpu.memory_space<hbm>>
      tpu.wait_dma2 semaphore(%run_scoped3A : memref<!tpu.dma_semaphore, #tpu.memory_space<semaphore_mem>>) src(%dma_wait3A_52 : memref<144x128xf32, #tpu.memory_space<hbm>>) dst(%dma_wait3A_50 : memref<144x128xf32, #tpu.memory_space<vmem_shared>>)
      tpu.yield
    }) : () -> ()
    %barrier3A = arith.constant 0 : index
    tpu.barrier barrier_id(%barrier3A)
    %add3A_9 = arith.constant 0 : i32
    %add3A_10 = arith.addi %mul3A_2, %add3A_9 : i32
    "tpu.region"() ({
      %run_scoped3A = tpu.sem_alloc : memref<!tpu.dma_semaphore, #tpu.memory_space<semaphore_mem>>
      %dma_start3A_45 = tpu.memref_slice %arg2[%add3A_10] : memref<819200xi32, #tpu.memory_space<hbm>> -> memref<6400xi32, #tpu.memory_space<hbm>>
      %dma_start3A_46 = tpu.memref_slice %arg2[%add3A_10] : memref<819200xi32, #tpu.memory_space<hbm>> -> memref<6400xi32, #tpu.memory_space<hbm>>
      tpu.enqueue_dma source(%dma_start3A_46 : memref<6400xi32, #tpu.memory_space<hbm>>) target(%arg6 : memref<6400xi32, #tpu.memory_space<vmem>>) target_semaphore(%run_scoped3A : memref<!tpu.dma_semaphore, #tpu.memory_space<semaphore_mem>>)
      %dma_wait3A_47 = tpu.memref_slice %arg2[%add3A_10] : memref<819200xi32, #tpu.memory_space<hbm>> -> memref<6400xi32, #tpu.memory_space<hbm>>
      %dma_wait3A_48 = tpu.memref_slice %arg2[%add3A_10] : memref<819200xi32, #tpu.memory_space<hbm>> -> memref<6400xi32, #tpu.memory_space<hbm>>
      tpu.wait_dma2 semaphore(%run_scoped3A : memref<!tpu.dma_semaphore, #tpu.memory_space<semaphore_mem>>) src(%dma_wait3A_48 : memref<6400xi32, #tpu.memory_space<hbm>>) dst(%arg6 : memref<6400xi32, #tpu.memory_space<vmem>>)
      tpu.yield
    }) : () -> ()
    %add3A_11 = arith.constant 0 : i32
    %add3A_12 = arith.addi %mul3A_2, %add3A_11 : i32
    "tpu.region"() ({
      %run_scoped3A = tpu.sem_alloc : memref<!tpu.dma_semaphore, #tpu.memory_space<semaphore_mem>>
      %dma_start3A_45 = tpu.memref_slice %arg3[%add3A_12] : memref<819200xi32, #tpu.memory_space<hbm>> -> memref<6400xi32, #tpu.memory_space<hbm>>
      %dma_start3A_46 = tpu.memref_slice %arg3[%add3A_12] : memref<819200xi32, #tpu.memory_space<hbm>> -> memref<6400xi32, #tpu.memory_space<hbm>>
      tpu.enqueue_dma source(%dma_start3A_46 : memref<6400xi32, #tpu.memory_space<hbm>>) target(%arg7 : memref<6400xi32, #tpu.memory_space<vmem>>) target_semaphore(%run_scoped3A : memref<!tpu.dma_semaphore, #tpu.memory_space<semaphore_mem>>)
      %dma_wait3A_47 = tpu.memref_slice %arg3[%add3A_12] : memref<819200xi32, #tpu.memory_space<hbm>> -> memref<6400xi32, #tpu.memory_space<hbm>>
      %dma_wait3A_48 = tpu.memref_slice %arg3[%add3A_12] : memref<819200xi32, #tpu.memory_space<hbm>> -> memref<6400xi32, #tpu.memory_space<hbm>>
      tpu.wait_dma2 semaphore(%run_scoped3A : memref<!tpu.dma_semaphore, #tpu.memory_space<semaphore_mem>>) src(%dma_wait3A_48 : memref<6400xi32, #tpu.memory_space<hbm>>) dst(%arg7 : memref<6400xi32, #tpu.memory_space<vmem>>)
      tpu.yield
    }) : () -> ()
    %scan3A = arith.constant 0 : i32
    %scan3A_13 = arith.constant 0 : i32
    %scan3A_14 = arith.constant 25 : i32
    %scan3A_15 = arith.addi %scan3A_13, %scan3A_14 : i32
    %scan3A_16 = arith.constant 1 : i32
    scf.for %scan3A_45 = %scan3A_13 to %scan3A_15 step %scan3A_16  : i32 {
      %mul3A_46 = arith.constant 256 : i32
      %mul3A_47 = arith.muli %scan3A_45, %mul3A_46 : i32
      %add3A_48 = arith.constant 0 : i32
      %add3A_49 = arith.addi %mul3A_47, %add3A_48 : i32
      %get3A = arith.index_cast %add3A_49 : i32 to index
      %get3A_50 = tpu.vector_load %arg6[%get3A] {strides = array<i32>} : memref<6400xi32, #tpu.memory_space<vmem>>, vector<16xi32>,
      %get3A_51 = vector.shape_cast %get3A_50 : vector<16xi32> to vector<16xi32>
      %get3A_52 = arith.index_cast %add3A_49 : i32 to index
      %get3A_53 = tpu.vector_load %arg7[%get3A_52] {strides = array<i32>} : memref<6400xi32, #tpu.memory_space<vmem>>, vector<16xi32>,
      %get3A_54 = vector.shape_cast %get3A_53 : vector<16xi32> to vector<16xi32>
      %min3A = arith.constant 6 : i32
      %min3A_55 = vector.broadcast %min3A : i32 to vector<16xi32>
      %min3A_56 = arith.minsi %get3A_54, %min3A_55 : vector<16xi32>
      %mul3A_57 = arith.constant 288 : i32
      %mul3A_58 = vector.broadcast %mul3A_57 : i32 to vector<16xi32>
      %mul3A_59 = arith.muli %mul3A_58, %min3A_56 : vector<16xi32>
      %add3A_60 = arith.addi %get3A_51, %mul3A_59 : vector<16xi32>
      %add3A_61 = arith.constant 0 : i32
      %add3A_62 = arith.addi %add3A_61, %add3A_49 : i32
      %swap3A = arith.index_cast %add3A_62 : i32 to index
      %swap3A_63 = tpu.vector_load %arg8[%swap3A] {strides = array<i32>} : memref<25600xi32, #tpu.memory_space<vmem>>, vector<16xi32>,
      %swap3A_64 = vector.shape_cast %swap3A_63 : vector<16xi32> to vector<16xi32>
      %swap3A_65 = vector.shape_cast %add3A_60 : vector<16xi32> to vector<16xi32>
      tpu.vector_store %arg8[%swap3A], %swap3A_65 {strides = array<i32>} : memref<25600xi32, #tpu.memory_space<vmem>>, vector<16xi32>,
      %mul3A_66 = arith.constant 256 : i32
      %mul3A_67 = arith.muli %scan3A_45, %mul3A_66 : i32
      %add3A_68 = arith.constant 16 : i32
      %add3A_69 = arith.addi %mul3A_67, %add3A_68 : i32
      %get3A_70 = arith.index_cast %add3A_69 : i32 to index
      %get3A_71 = tpu.vector_load %arg6[%get3A_70] {strides = array<i32>} : memref<6400xi32, #tpu.memory_space<vmem>>, vector<16xi32>,
      %get3A_72 = vector.shape_cast %get3A_71 : vector<16xi32> to vector<16xi32>
      %get3A_73 = arith.index_cast %add3A_69 : i32 to index
      %get3A_74 = tpu.vector_load %arg7[%get3A_73] {strides = array<i32>} : memref<6400xi32, #tpu.memory_space<vmem>>, vector<16xi32>,
      %get3A_75 = vector.shape_cast %get3A_74 : vector<16xi32> to vector<16xi32>
      %min3A_76 = arith.constant 6 : i32
      %min3A_77 = vector.broadcast %min3A_76 : i32 to vector<16xi32>
      %min3A_78 = arith.minsi %get3A_75, %min3A_77 : vector<16xi32>
      %mul3A_79 = arith.constant 288 : i32
      %mul3A_80 = vector.broadcast %mul3A_79 : i32 to vector<16xi32>
      %mul3A_81 = arith.muli %mul3A_80, %min3A_78 : vector<16xi32>
      %add3A_82 = arith.addi %get3A_72, %mul3A_81 : vector<16xi32>
      %add3A_83 = arith.constant 0 : i32
      %add3A_84 = arith.addi %add3A_83, %add3A_69 : i32
      %swap3A_85 = arith.index_cast %add3A_84 : i32 to index
      %swap3A_86 = tpu.vector_load %arg8[%swap3A_85] {strides = array<i32>} : memref<25600xi32, #tpu.memory_space<vmem>>, vector<16xi32>,
      %swap3A_87 = vector.shape_cast %swap3A_86 : vector<16xi32> to vector<16xi32>
      %swap3A_88 = vector.shape_cast %add3A_82 : vector<16xi32> to vector<16xi32>
      tpu.vector_store %arg8[%swap3A_85], %swap3A_88 {strides = array<i32>} : memref<25600xi32, #tpu.memory_space<vmem>>, vector<16xi32>,
      %mul3A_89 = arith.constant 256 : i32
      %mul3A_90 = arith.muli %scan3A_45, %mul3A_89 : i32
      %add3A_91 = arith.constant 32 : i32
      %add3A_92 = arith.addi %mul3A_90, %add3A_91 : i32
      %get3A_93 = arith.index_cast %add3A_92 : i32 to index
      %get3A_94 = tpu.vector_load %arg6[%get3A_93] {strides = array<i32>} : memref<6400xi32, #tpu.memory_space<vmem>>, vector<16xi32>,
      %get3A_95 = vector.shape_cast %get3A_94 : vector<16xi32> to vector<16xi32>
      %get3A_96 = arith.index_cast %add3A_92 : i32 to index
      %get3A_97 = tpu.vector_load %arg7[%get3A_96] {strides = array<i32>} : memref<6400xi32, #tpu.memory_space<vmem>>, vector<16xi32>,
      %get3A_98 = vector.shape_cast %get3A_97 : vector<16xi32> to vector<16xi32>
      %min3A_99 = arith.constant 6 : i32
      %min3A_100 = vector.broadcast %min3A_99 : i32 to vector<16xi32>
      %min3A_101 = arith.minsi %get3A_98, %min3A_100 : vector<16xi32>
      %mul3A_102 = arith.constant 288 : i32
      %mul3A_103 = vector.broadcast %mul3A_102 : i32 to vector<16xi32>
      %mul3A_104 = arith.muli %mul3A_103, %min3A_101 : vector<16xi32>
      %add3A_105 = arith.addi %get3A_95, %mul3A_104 : vector<16xi32>
      %add3A_106 = arith.constant 0 : i32
      %add3A_107 = arith.addi %add3A_106, %add3A_92 : i32
      %swap3A_108 = arith.index_cast %add3A_107 : i32 to index
      %swap3A_109 = tpu.vector_load %arg8[%swap3A_108] {strides = array<i32>} : memref<25600xi32, #tpu.memory_space<vmem>>, vector<16xi32>,
      %swap3A_110 = vector.shape_cast %swap3A_109 : vector<16xi32> to vector<16xi32>
      %swap3A_111 = vector.shape_cast %add3A_105 : vector<16xi32> to vector<16xi32>
      tpu.vector_store %arg8[%swap3A_108], %swap3A_111 {strides = array<i32>} : memref<25600xi32, #tpu.memory_space<vmem>>, vector<16xi32>,
      %mul3A_112 = arith.constant 256 : i32
      %mul3A_113 = arith.muli %scan3A_45, %mul3A_112 : i32
      %add3A_114 = arith.constant 48 : i32
      %add3A_115 = arith.addi %mul3A_113, %add3A_114 : i32
      %get3A_116 = arith.index_cast %add3A_115 : i32 to index
      %get3A_117 = tpu.vector_load %arg6[%get3A_116] {strides = array<i32>} : memref<6400xi32, #tpu.memory_space<vmem>>, vector<16xi32>,
      %get3A_118 = vector.shape_cast %get3A_117 : vector<16xi32> to vector<16xi32>
      %get3A_119 = arith.index_cast %add3A_115 : i32 to index
      %get3A_120 = tpu.vector_load %arg7[%get3A_119] {strides = array<i32>} : memref<6400xi32, #tpu.memory_space<vmem>>, vector<16xi32>,
      %get3A_121 = vector.shape_cast %get3A_120 : vector<16xi32> to vector<16xi32>
      %min3A_122 = arith.constant 6 : i32
      %min3A_123 = vector.broadcast %min3A_122 : i32 to vector<16xi32>
      %min3A_124 = arith.minsi %get3A_121, %min3A_123 : vector<16xi32>
      %mul3A_125 = arith.constant 288 : i32
      %mul3A_126 = vector.broadcast %mul3A_125 : i32 to vector<16xi32>
      %mul3A_127 = arith.muli %mul3A_126, %min3A_124 : vector<16xi32>
      %add3A_128 = arith.addi %get3A_118, %mul3A_127 : vector<16xi32>
      %add3A_129 = arith.constant 0 : i32
      %add3A_130 = arith.addi %add3A_129, %add3A_115 : i32
      %swap3A_131 = arith.index_cast %add3A_130 : i32 to index
      %swap3A_132 = tpu.vector_load %arg8[%swap3A_131] {strides = array<i32>} : memref<25600xi32, #tpu.memory_space<vmem>>, vector<16xi32>,
      %swap3A_133 = vector.shape_cast %swap3A_132 : vector<16xi32> to vector<16xi32>
      %swap3A_134 = vector.shape_cast %add3A_128 : vector<16xi32> to vector<16xi32>
      tpu.vector_store %arg8[%swap3A_131], %swap3A_134 {strides = array<i32>} : memref<25600xi32, #tpu.memory_space<vmem>>, vector<16xi32>,
      %mul3A_135 = arith.constant 256 : i32
      %mul3A_136 = arith.muli %scan3A_45, %mul3A_135 : i32
      %add3A_137 = arith.constant 64 : i32
      %add3A_138 = arith.addi %mul3A_136, %add3A_137 : i32
      %get3A_139 = arith.index_cast %add3A_138 : i32 to index
      %get3A_140 = tpu.vector_load %arg6[%get3A_139] {strides = array<i32>} : memref<6400xi32, #tpu.memory_space<vmem>>, vector<16xi32>,
      %get3A_141 = vector.shape_cast %get3A_140 : vector<16xi32> to vector<16xi32>
      %get3A_142 = arith.index_cast %add3A_138 : i32 to index
      %get3A_143 = tpu.vector_load %arg7[%get3A_142] {strides = array<i32>} : memref<6400xi32, #tpu.memory_space<vmem>>, vector<16xi32>,
      %get3A_144 = vector.shape_cast %get3A_143 : vector<16xi32> to vector<16xi32>
      %min3A_145 = arith.constant 6 : i32
      %min3A_146 = vector.broadcast %min3A_145 : i32 to vector<16xi32>
      %min3A_147 = arith.minsi %get3A_144, %min3A_146 : vector<16xi32>
      %mul3A_148 = arith.constant 288 : i32
      %mul3A_149 = vector.broadcast %mul3A_148 : i32 to vector<16xi32>
      %mul3A_150 = arith.muli %mul3A_149, %min3A_147 : vector<16xi32>
      %add3A_151 = arith.addi %get3A_141, %mul3A_150 : vector<16xi32>
      %add3A_152 = arith.constant 0 : i32
      %add3A_153 = arith.addi %add3A_152, %add3A_138 : i32
      %swap3A_154 = arith.index_cast %add3A_153 : i32 to index
      %swap3A_155 = tpu.vector_load %arg8[%swap3A_154] {strides = array<i32>} : memref<25600xi32, #tpu.memory_space<vmem>>, vector<16xi32>,
      %swap3A_156 = vector.shape_cast %swap3A_155 : vector<16xi32> to vector<16xi32>
      %swap3A_157 = vector.shape_cast %add3A_151 : vector<16xi32> to vector<16xi32>
      tpu.vector_store %arg8[%swap3A_154], %swap3A_157 {strides = array<i32>} : memref<25600xi32, #tpu.memory_space<vmem>>, vector<16xi32>,
      %mul3A_158 = arith.constant 256 : i32
      %mul3A_159 = arith.muli %scan3A_45, %mul3A_158 : i32
      %add3A_160 = arith.constant 80 : i32
      %add3A_161 = arith.addi %mul3A_159, %add3A_160 : i32
      %get3A_162 = arith.index_cast %add3A_161 : i32 to index
      %get3A_163 = tpu.vector_load %arg6[%get3A_162] {strides = array<i32>} : memref<6400xi32, #tpu.memory_space<vmem>>, vector<16xi32>,
      %get3A_164 = vector.shape_cast %get3A_163 : vector<16xi32> to vector<16xi32>
      %get3A_165 = arith.index_cast %add3A_161 : i32 to index
      %get3A_166 = tpu.vector_load %arg7[%get3A_165] {strides = array<i32>} : memref<6400xi32, #tpu.memory_space<vmem>>, vector<16xi32>,
      %get3A_167 = vector.shape_cast %get3A_166 : vector<16xi32> to vector<16xi32>
      %min3A_168 = arith.constant 6 : i32
      %min3A_169 = vector.broadcast %min3A_168 : i32 to vector<16xi32>
      %min3A_170 = arith.minsi %get3A_167, %min3A_169 : vector<16xi32>
      %mul3A_171 = arith.constant 288 : i32
      %mul3A_172 = vector.broadcast %mul3A_171 : i32 to vector<16xi32>
      %mul3A_173 = arith.muli %mul3A_172, %min3A_170 : vector<16xi32>
      %add3A_174 = arith.addi %get3A_164, %mul3A_173 : vector<16xi32>
      %add3A_175 = arith.constant 0 : i32
      %add3A_176 = arith.addi %add3A_175, %add3A_161 : i32
      %swap3A_177 = arith.index_cast %add3A_176 : i32 to index
      %swap3A_178 = tpu.vector_load %arg8[%swap3A_177] {strides = array<i32>} : memref<25600xi32, #tpu.memory_space<vmem>>, vector<16xi32>,
      %swap3A_179 = vector.shape_cast %swap3A_178 : vector<16xi32> to vector<16xi32>
      %swap3A_180 = vector.shape_cast %add3A_174 : vector<16xi32> to vector<16xi32>
      tpu.vector_store %arg8[%swap3A_177], %swap3A_180 {strides = array<i32>} : memref<25600xi32, #tpu.memory_space<vmem>>, vector<16xi32>,
      %mul3A_181 = arith.constant 256 : i32
      %mul3A_182 = arith.muli %scan3A_45, %mul3A_181 : i32
      %add3A_183 = arith.constant 96 : i32
      %add3A_184 = arith.addi %mul3A_182, %add3A_183 : i32
      %get3A_185 = arith.index_cast %add3A_184 : i32 to index
      %get3A_186 = tpu.vector_load %arg6[%get3A_185] {strides = array<i32>} : memref<6400xi32, #tpu.memory_space<vmem>>, vector<16xi32>,
      %get3A_187 = vector.shape_cast %get3A_186 : vector<16xi32> to vector<16xi32>
      %get3A_188 = arith.index_cast %add3A_184 : i32 to index
      %get3A_189 = tpu.vector_load %arg7[%get3A_188] {strides = array<i32>} : memref<6400xi32, #tpu.memory_space<vmem>>, vector<16xi32>,
      %get3A_190 = vector.shape_cast %get3A_189 : vector<16xi32> to vector<16xi32>
      %min3A_191 = arith.constant 6 : i32
      %min3A_192 = vector.broadcast %min3A_191 : i32 to vector<16xi32>
      %min3A_193 = arith.minsi %get3A_190, %min3A_192 : vector<16xi32>
      %mul3A_194 = arith.constant 288 : i32
      %mul3A_195 = vector.broadcast %mul3A_194 : i32 to vector<16xi32>
      %mul3A_196 = arith.muli %mul3A_195, %min3A_193 : vector<16xi32>
      %add3A_197 = arith.addi %get3A_187, %mul3A_196 : vector<16xi32>
      %add3A_198 = arith.constant 0 : i32
      %add3A_199 = arith.addi %add3A_198, %add3A_184 : i32
      %swap3A_200 = arith.index_cast %add3A_199 : i32 to index
      %swap3A_201 = tpu.vector_load %arg8[%swap3A_200] {strides = array<i32>} : memref<25600xi32, #tpu.memory_space<vmem>>, vector<16xi32>,
      %swap3A_202 = vector.shape_cast %swap3A_201 : vector<16xi32> to vector<16xi32>
      %swap3A_203 = vector.shape_cast %add3A_197 : vector<16xi32> to vector<16xi32>
      tpu.vector_store %arg8[%swap3A_200], %swap3A_203 {strides = array<i32>} : memref<25600xi32, #tpu.memory_space<vmem>>, vector<16xi32>,
      %mul3A_204 = arith.constant 256 : i32
      %mul3A_205 = arith.muli %scan3A_45, %mul3A_204 : i32
      %add3A_206 = arith.constant 112 : i32
      %add3A_207 = arith.addi %mul3A_205, %add3A_206 : i32
      %get3A_208 = arith.index_cast %add3A_207 : i32 to index
      %get3A_209 = tpu.vector_load %arg6[%get3A_208] {strides = array<i32>} : memref<6400xi32, #tpu.memory_space<vmem>>, vector<16xi32>,
      %get3A_210 = vector.shape_cast %get3A_209 : vector<16xi32> to vector<16xi32>
      %get3A_211 = arith.index_cast %add3A_207 : i32 to index
      %get3A_212 = tpu.vector_load %arg7[%get3A_211] {strides = array<i32>} : memref<6400xi32, #tpu.memory_space<vmem>>, vector<16xi32>,
      %get3A_213 = vector.shape_cast %get3A_212 : vector<16xi32> to vector<16xi32>
      %min3A_214 = arith.constant 6 : i32
      %min3A_215 = vector.broadcast %min3A_214 : i32 to vector<16xi32>
      %min3A_216 = arith.minsi %get3A_213, %min3A_215 : vector<16xi32>
      %mul3A_217 = arith.constant 288 : i32
      %mul3A_218 = vector.broadcast %mul3A_217 : i32 to vector<16xi32>
      %mul3A_219 = arith.muli %mul3A_218, %min3A_216 : vector<16xi32>
      %add3A_220 = arith.addi %get3A_210, %mul3A_219 : vector<16xi32>
      %add3A_221 = arith.constant 0 : i32
      %add3A_222 = arith.addi %add3A_221, %add3A_207 : i32
      %swap3A_223 = arith.index_cast %add3A_222 : i32 to index
      %swap3A_224 = tpu.vector_load %arg8[%swap3A_223] {strides = array<i32>} : memref<25600xi32, #tpu.memory_space<vmem>>, vector<16xi32>,
      %swap3A_225 = vector.shape_cast %swap3A_224 : vector<16xi32> to vector<16xi32>
      %swap3A_226 = vector.shape_cast %add3A_220 : vector<16xi32> to vector<16xi32>
      tpu.vector_store %arg8[%swap3A_223], %swap3A_226 {strides = array<i32>} : memref<25600xi32, #tpu.memory_space<vmem>>, vector<16xi32>,
      %mul3A_227 = arith.constant 256 : i32
      %mul3A_228 = arith.muli %scan3A_45, %mul3A_227 : i32
      %add3A_229 = arith.constant 128 : i32
      %add3A_230 = arith.addi %mul3A_228, %add3A_229 : i32
      %get3A_231 = arith.index_cast %add3A_230 : i32 to index
      %get3A_232 = tpu.vector_load %arg6[%get3A_231] {strides = array<i32>} : memref<6400xi32, #tpu.memory_space<vmem>>, vector<16xi32>,
      %get3A_233 = vector.shape_cast %get3A_232 : vector<16xi32> to vector<16xi32>
      %get3A_234 = arith.index_cast %add3A_230 : i32 to index
      %get3A_235 = tpu.vector_load %arg7[%get3A_234] {strides = array<i32>} : memref<6400xi32, #tpu.memory_space<vmem>>, vector<16xi32>,
      %get3A_236 = vector.shape_cast %get3A_235 : vector<16xi32> to vector<16xi32>
      %min3A_237 = arith.constant 6 : i32
      %min3A_238 = vector.broadcast %min3A_237 : i32 to vector<16xi32>
      %min3A_239 = arith.minsi %get3A_236, %min3A_238 : vector<16xi32>
      %mul3A_240 = arith.constant 288 : i32
      %mul3A_241 = vector.broadcast %mul3A_240 : i32 to vector<16xi32>
      %mul3A_242 = arith.muli %mul3A_241, %min3A_239 : vector<16xi32>
      %add3A_243 = arith.addi %get3A_233, %mul3A_242 : vector<16xi32>
      %add3A_244 = arith.constant 0 : i32
      %add3A_245 = arith.addi %add3A_244, %add3A_230 : i32
      %swap3A_246 = arith.index_cast %add3A_245 : i32 to index
      %swap3A_247 = tpu.vector_load %arg8[%swap3A_246] {strides = array<i32>} : memref<25600xi32, #tpu.memory_space<vmem>>, vector<16xi32>,
      %swap3A_248 = vector.shape_cast %swap3A_247 : vector<16xi32> to vector<16xi32>
      %swap3A_249 = vector.shape_cast %add3A_243 : vector<16xi32> to vector<16xi32>
      tpu.vector_store %arg8[%swap3A_246], %swap3A_249 {strides = array<i32>} : memref<25600xi32, #tpu.memory_space<vmem>>, vector<16xi32>,
      %mul3A_250 = arith.constant 256 : i32
      %mul3A_251 = arith.muli %scan3A_45, %mul3A_250 : i32
      %add3A_252 = arith.constant 144 : i32
      %add3A_253 = arith.addi %mul3A_251, %add3A_252 : i32
      %get3A_254 = arith.index_cast %add3A_253 : i32 to index
      %get3A_255 = tpu.vector_load %arg6[%get3A_254] {strides = array<i32>} : memref<6400xi32, #tpu.memory_space<vmem>>, vector<16xi32>,
      %get3A_256 = vector.shape_cast %get3A_255 : vector<16xi32> to vector<16xi32>
      %get3A_257 = arith.index_cast %add3A_253 : i32 to index
      %get3A_258 = tpu.vector_load %arg7[%get3A_257] {strides = array<i32>} : memref<6400xi32, #tpu.memory_space<vmem>>, vector<16xi32>,
      %get3A_259 = vector.shape_cast %get3A_258 : vector<16xi32> to vector<16xi32>
      %min3A_260 = arith.constant 6 : i32
      %min3A_261 = vector.broadcast %min3A_260 : i32 to vector<16xi32>
      %min3A_262 = arith.minsi %get3A_259, %min3A_261 : vector<16xi32>
      %mul3A_263 = arith.constant 288 : i32
      %mul3A_264 = vector.broadcast %mul3A_263 : i32 to vector<16xi32>
      %mul3A_265 = arith.muli %mul3A_264, %min3A_262 : vector<16xi32>
      %add3A_266 = arith.addi %get3A_256, %mul3A_265 : vector<16xi32>
      %add3A_267 = arith.constant 0 : i32
      %add3A_268 = arith.addi %add3A_267, %add3A_253 : i32
      %swap3A_269 = arith.index_cast %add3A_268 : i32 to index
      %swap3A_270 = tpu.vector_load %arg8[%swap3A_269] {strides = array<i32>} : memref<25600xi32, #tpu.memory_space<vmem>>, vector<16xi32>,
      %swap3A_271 = vector.shape_cast %swap3A_270 : vector<16xi32> to vector<16xi32>
      %swap3A_272 = vector.shape_cast %add3A_266 : vector<16xi32> to vector<16xi32>
      tpu.vector_store %arg8[%swap3A_269], %swap3A_272 {strides = array<i32>} : memref<25600xi32, #tpu.memory_space<vmem>>, vector<16xi32>,
      %mul3A_273 = arith.constant 256 : i32
      %mul3A_274 = arith.muli %scan3A_45, %mul3A_273 : i32
      %add3A_275 = arith.constant 160 : i32
      %add3A_276 = arith.addi %mul3A_274, %add3A_275 : i32
      %get3A_277 = arith.index_cast %add3A_276 : i32 to index
      %get3A_278 = tpu.vector_load %arg6[%get3A_277] {strides = array<i32>} : memref<6400xi32, #tpu.memory_space<vmem>>, vector<16xi32>,
      %get3A_279 = vector.shape_cast %get3A_278 : vector<16xi32> to vector<16xi32>
      %get3A_280 = arith.index_cast %add3A_276 : i32 to index
      %get3A_281 = tpu.vector_load %arg7[%get3A_280] {strides = array<i32>} : memref<6400xi32, #tpu.memory_space<vmem>>, vector<16xi32>,
      %get3A_282 = vector.shape_cast %get3A_281 : vector<16xi32> to vector<16xi32>
      %min3A_283 = arith.constant 6 : i32
      %min3A_284 = vector.broadcast %min3A_283 : i32 to vector<16xi32>
      %min3A_285 = arith.minsi %get3A_282, %min3A_284 : vector<16xi32>
      %mul3A_286 = arith.constant 288 : i32
      %mul3A_287 = vector.broadcast %mul3A_286 : i32 to vector<16xi32>
      %mul3A_288 = arith.muli %mul3A_287, %min3A_285 : vector<16xi32>
      %add3A_289 = arith.addi %get3A_279, %mul3A_288 : vector<16xi32>
      %add3A_290 = arith.constant 0 : i32
      %add3A_291 = arith.addi %add3A_290, %add3A_276 : i32
      %swap3A_292 = arith.index_cast %add3A_291 : i32 to index
      %swap3A_293 = tpu.vector_load %arg8[%swap3A_292] {strides = array<i32>} : memref<25600xi32, #tpu.memory_space<vmem>>, vector<16xi32>,
      %swap3A_294 = vector.shape_cast %swap3A_293 : vector<16xi32> to vector<16xi32>
      %swap3A_295 = vector.shape_cast %add3A_289 : vector<16xi32> to vector<16xi32>
      tpu.vector_store %arg8[%swap3A_292], %swap3A_295 {strides = array<i32>} : memref<25600xi32, #tpu.memory_space<vmem>>, vector<16xi32>,
      %mul3A_296 = arith.constant 256 : i32
      %mul3A_297 = arith.muli %scan3A_45, %mul3A_296 : i32
      %add3A_298 = arith.constant 176 : i32
      %add3A_299 = arith.addi %mul3A_297, %add3A_298 : i32
      %get3A_300 = arith.index_cast %add3A_299 : i32 to index
      %get3A_301 = tpu.vector_load %arg6[%get3A_300] {strides = array<i32>} : memref<6400xi32, #tpu.memory_space<vmem>>, vector<16xi32>,
      %get3A_302 = vector.shape_cast %get3A_301 : vector<16xi32> to vector<16xi32>
      %get3A_303 = arith.index_cast %add3A_299 : i32 to index
      %get3A_304 = tpu.vector_load %arg7[%get3A_303] {strides = array<i32>} : memref<6400xi32, #tpu.memory_space<vmem>>, vector<16xi32>,
      %get3A_305 = vector.shape_cast %get3A_304 : vector<16xi32> to vector<16xi32>
      %min3A_306 = arith.constant 6 : i32
      %min3A_307 = vector.broadcast %min3A_306 : i32 to vector<16xi32>
      %min3A_308 = arith.minsi %get3A_305, %min3A_307 : vector<16xi32>
      %mul3A_309 = arith.constant 288 : i32
      %mul3A_310 = vector.broadcast %mul3A_309 : i32 to vector<16xi32>
      %mul3A_311 = arith.muli %mul3A_310, %min3A_308 : vector<16xi32>
      %add3A_312 = arith.addi %get3A_302, %mul3A_311 : vector<16xi32>
      %add3A_313 = arith.constant 0 : i32
      %add3A_314 = arith.addi %add3A_313, %add3A_299 : i32
      %swap3A_315 = arith.index_cast %add3A_314 : i32 to index
      %swap3A_316 = tpu.vector_load %arg8[%swap3A_315] {strides = array<i32>} : memref<25600xi32, #tpu.memory_space<vmem>>, vector<16xi32>,
      %swap3A_317 = vector.shape_cast %swap3A_316 : vector<16xi32> to vector<16xi32>
      %swap3A_318 = vector.shape_cast %add3A_312 : vector<16xi32> to vector<16xi32>
      tpu.vector_store %arg8[%swap3A_315], %swap3A_318 {strides = array<i32>} : memref<25600xi32, #tpu.memory_space<vmem>>, vector<16xi32>,
      %mul3A_319 = arith.constant 256 : i32
      %mul3A_320 = arith.muli %scan3A_45, %mul3A_319 : i32
      %add3A_321 = arith.constant 192 : i32
      %add3A_322 = arith.addi %mul3A_320, %add3A_321 : i32
      %get3A_323 = arith.index_cast %add3A_322 : i32 to index
      %get3A_324 = tpu.vector_load %arg6[%get3A_323] {strides = array<i32>} : memref<6400xi32, #tpu.memory_space<vmem>>, vector<16xi32>,
      %get3A_325 = vector.shape_cast %get3A_324 : vector<16xi32> to vector<16xi32>
      %get3A_326 = arith.index_cast %add3A_322 : i32 to index
      %get3A_327 = tpu.vector_load %arg7[%get3A_326] {strides = array<i32>} : memref<6400xi32, #tpu.memory_space<vmem>>, vector<16xi32>,
      %get3A_328 = vector.shape_cast %get3A_327 : vector<16xi32> to vector<16xi32>
      %min3A_329 = arith.constant 6 : i32
      %min3A_330 = vector.broadcast %min3A_329 : i32 to vector<16xi32>
      %min3A_331 = arith.minsi %get3A_328, %min3A_330 : vector<16xi32>
      %mul3A_332 = arith.constant 288 : i32
      %mul3A_333 = vector.broadcast %mul3A_332 : i32 to vector<16xi32>
      %mul3A_334 = arith.muli %mul3A_333, %min3A_331 : vector<16xi32>
      %add3A_335 = arith.addi %get3A_325, %mul3A_334 : vector<16xi32>
      %add3A_336 = arith.constant 0 : i32
      %add3A_337 = arith.addi %add3A_336, %add3A_322 : i32
      %swap3A_338 = arith.index_cast %add3A_337 : i32 to index
      %swap3A_339 = tpu.vector_load %arg8[%swap3A_338] {strides = array<i32>} : memref<25600xi32, #tpu.memory_space<vmem>>, vector<16xi32>,
      %swap3A_340 = vector.shape_cast %swap3A_339 : vector<16xi32> to vector<16xi32>
      %swap3A_341 = vector.shape_cast %add3A_335 : vector<16xi32> to vector<16xi32>
      tpu.vector_store %arg8[%swap3A_338], %swap3A_341 {strides = array<i32>} : memref<25600xi32, #tpu.memory_space<vmem>>, vector<16xi32>,
      %mul3A_342 = arith.constant 256 : i32
      %mul3A_343 = arith.muli %scan3A_45, %mul3A_342 : i32
      %add3A_344 = arith.constant 208 : i32
      %add3A_345 = arith.addi %mul3A_343, %add3A_344 : i32
      %get3A_346 = arith.index_cast %add3A_345 : i32 to index
      %get3A_347 = tpu.vector_load %arg6[%get3A_346] {strides = array<i32>} : memref<6400xi32, #tpu.memory_space<vmem>>, vector<16xi32>,
      %get3A_348 = vector.shape_cast %get3A_347 : vector<16xi32> to vector<16xi32>
      %get3A_349 = arith.index_cast %add3A_345 : i32 to index
      %get3A_350 = tpu.vector_load %arg7[%get3A_349] {strides = array<i32>} : memref<6400xi32, #tpu.memory_space<vmem>>, vector<16xi32>,
      %get3A_351 = vector.shape_cast %get3A_350 : vector<16xi32> to vector<16xi32>
      %min3A_352 = arith.constant 6 : i32
      %min3A_353 = vector.broadcast %min3A_352 : i32 to vector<16xi32>
      %min3A_354 = arith.minsi %get3A_351, %min3A_353 : vector<16xi32>
      %mul3A_355 = arith.constant 288 : i32
      %mul3A_356 = vector.broadcast %mul3A_355 : i32 to vector<16xi32>
      %mul3A_357 = arith.muli %mul3A_356, %min3A_354 : vector<16xi32>
      %add3A_358 = arith.addi %get3A_348, %mul3A_357 : vector<16xi32>
      %add3A_359 = arith.constant 0 : i32
      %add3A_360 = arith.addi %add3A_359, %add3A_345 : i32
      %swap3A_361 = arith.index_cast %add3A_360 : i32 to index
      %swap3A_362 = tpu.vector_load %arg8[%swap3A_361] {strides = array<i32>} : memref<25600xi32, #tpu.memory_space<vmem>>, vector<16xi32>,
      %swap3A_363 = vector.shape_cast %swap3A_362 : vector<16xi32> to vector<16xi32>
      %swap3A_364 = vector.shape_cast %add3A_358 : vector<16xi32> to vector<16xi32>
      tpu.vector_store %arg8[%swap3A_361], %swap3A_364 {strides = array<i32>} : memref<25600xi32, #tpu.memory_space<vmem>>, vector<16xi32>,
      %mul3A_365 = arith.constant 256 : i32
      %mul3A_366 = arith.muli %scan3A_45, %mul3A_365 : i32
      %add3A_367 = arith.constant 224 : i32
      %add3A_368 = arith.addi %mul3A_366, %add3A_367 : i32
      %get3A_369 = arith.index_cast %add3A_368 : i32 to index
      %get3A_370 = tpu.vector_load %arg6[%get3A_369] {strides = array<i32>} : memref<6400xi32, #tpu.memory_space<vmem>>, vector<16xi32>,
      %get3A_371 = vector.shape_cast %get3A_370 : vector<16xi32> to vector<16xi32>
      %get3A_372 = arith.index_cast %add3A_368 : i32 to index
      %get3A_373 = tpu.vector_load %arg7[%get3A_372] {strides = array<i32>} : memref<6400xi32, #tpu.memory_space<vmem>>, vector<16xi32>,
      %get3A_374 = vector.shape_cast %get3A_373 : vector<16xi32> to vector<16xi32>
      %min3A_375 = arith.constant 6 : i32
      %min3A_376 = vector.broadcast %min3A_375 : i32 to vector<16xi32>
      %min3A_377 = arith.minsi %get3A_374, %min3A_376 : vector<16xi32>
      %mul3A_378 = arith.constant 288 : i32
      %mul3A_379 = vector.broadcast %mul3A_378 : i32 to vector<16xi32>
      %mul3A_380 = arith.muli %mul3A_379, %min3A_377 : vector<16xi32>
      %add3A_381 = arith.addi %get3A_371, %mul3A_380 : vector<16xi32>
      %add3A_382 = arith.constant 0 : i32
      %add3A_383 = arith.addi %add3A_382, %add3A_368 : i32
      %swap3A_384 = arith.index_cast %add3A_383 : i32 to index
      %swap3A_385 = tpu.vector_load %arg8[%swap3A_384] {strides = array<i32>} : memref<25600xi32, #tpu.memory_space<vmem>>, vector<16xi32>,
      %swap3A_386 = vector.shape_cast %swap3A_385 : vector<16xi32> to vector<16xi32>
      %swap3A_387 = vector.shape_cast %add3A_381 : vector<16xi32> to vector<16xi32>
      tpu.vector_store %arg8[%swap3A_384], %swap3A_387 {strides = array<i32>} : memref<25600xi32, #tpu.memory_space<vmem>>, vector<16xi32>,
      %mul3A_388 = arith.constant 256 : i32
      %mul3A_389 = arith.muli %scan3A_45, %mul3A_388 : i32
      %add3A_390 = arith.constant 240 : i32
      %add3A_391 = arith.addi %mul3A_389, %add3A_390 : i32
      %get3A_392 = arith.index_cast %add3A_391 : i32 to index
      %get3A_393 = tpu.vector_load %arg6[%get3A_392] {strides = array<i32>} : memref<6400xi32, #tpu.memory_space<vmem>>, vector<16xi32>,
      %get3A_394 = vector.shape_cast %get3A_393 : vector<16xi32> to vector<16xi32>
      %get3A_395 = arith.index_cast %add3A_391 : i32 to index
      %get3A_396 = tpu.vector_load %arg7[%get3A_395] {strides = array<i32>} : memref<6400xi32, #tpu.memory_space<vmem>>, vector<16xi32>,
      %get3A_397 = vector.shape_cast %get3A_396 : vector<16xi32> to vector<16xi32>
      %min3A_398 = arith.constant 6 : i32
      %min3A_399 = vector.broadcast %min3A_398 : i32 to vector<16xi32>
      %min3A_400 = arith.minsi %get3A_397, %min3A_399 : vector<16xi32>
      %mul3A_401 = arith.constant 288 : i32
      %mul3A_402 = vector.broadcast %mul3A_401 : i32 to vector<16xi32>
      %mul3A_403 = arith.muli %mul3A_402, %min3A_400 : vector<16xi32>
      %add3A_404 = arith.addi %get3A_394, %mul3A_403 : vector<16xi32>
      %add3A_405 = arith.constant 0 : i32
      %add3A_406 = arith.addi %add3A_405, %add3A_391 : i32
      %swap3A_407 = arith.index_cast %add3A_406 : i32 to index
      %swap3A_408 = tpu.vector_load %arg8[%swap3A_407] {strides = array<i32>} : memref<25600xi32, #tpu.memory_space<vmem>>, vector<16xi32>,
      %swap3A_409 = vector.shape_cast %swap3A_408 : vector<16xi32> to vector<16xi32>
      %swap3A_410 = vector.shape_cast %add3A_404 : vector<16xi32> to vector<16xi32>
      tpu.vector_store %arg8[%swap3A_407], %swap3A_410 {strides = array<i32>} : memref<25600xi32, #tpu.memory_space<vmem>>, vector<16xi32>,
    }
    %scan3A_17 = arith.constant 25 : i32
    %dma_start3A = arith.constant 0 : i32
    %dma_start3A_18 = tpu.memref_slice %arg8[%dma_start3A] : memref<25600xi32, #tpu.memory_space<vmem>> -> memref<200xi32, #tpu.memory_space<vmem>>
    %dma_start3A_19 = arith.constant 0 : i32
    %dma_start3A_20 = arith.constant 0 : i32
    %dma_start3A_21 = tpu.memref_slice %arg15[%dma_start3A_19, %dma_start3A_20] : memref<2304x128xf32, #tpu.memory_space<vmem_shared>> -> memref<2304x128xf32, #tpu.memory_space<vmem_shared>>
    tpu.enqueue_indirect_dma source(%dma_start3A_21 : memref<2304x128xf32, #tpu.memory_space<vmem_shared>>) target(%arg9 : memref<200x128xf32, #tpu.memory_space<vmem>>) offsets(%dma_start3A_18 : memref<200xi32, #tpu.memory_space<vmem>>) semaphore(%arg11 : memref<!tpu.dma_semaphore, #tpu.memory_space<semaphore_mem>>)
    %scan3A_22 = arith.constant 0 : i32
    %scan3A_23 = arith.constant 0 : i32
    %scan3A_24 = arith.constant 64 : i32
    %scan3A_25 = arith.addi %scan3A_23, %scan3A_24 : i32
    %scan3A_26 = arith.constant 1 : i32
    scf.for %scan3A_45 = %scan3A_23 to %scan3A_25 step %scan3A_26  : i32 {
      %mul3A_46 = arith.constant 2 : i32
      %mul3A_47 = arith.muli %mul3A_46, %scan3A_45 : i32
      %add3A_48 = arith.constant 1 : i32
      %add3A_49 = arith.addi %mul3A_47, %add3A_48 : i32
      %gt3A = arith.constant 0 : i32
      %gt3A_50 = arith.cmpi sgt, %scan3A_45, %gt3A : i32
      %convert_element_type3A = arith.extui %gt3A_50 : i1 to i32
      %cond3A = arith.constant 0 : i32
      %cond3A_51 = arith.cmpi ne, %convert_element_type3A, %cond3A : i32
      scf.if %cond3A_51 {
        %dma_wait3A_106 = arith.constant 0 : i32
        %dma_wait3A_107 = arith.constant 0 : i32
        %dma_wait3A_108 = arith.constant 0 : i32
        %dma_wait3A_109 = tpu.memref_slice %arg5[%dma_wait3A_106, %dma_wait3A_107, %dma_wait3A_108] : memref<4096x200x128xf32, #tpu.memory_space<hbm>> -> memref<1x200x128xf32, #tpu.memory_space<hbm>>
        %dma_wait3A_110 = tpu.memref_squeeze %dma_wait3A_109 : memref<1x200x128xf32, #tpu.memory_space<hbm>> -> memref<200x128xf32, #tpu.memory_space<hbm>>
        %dma_wait3A_111 = arith.constant 0 : i32
        %dma_wait3A_112 = arith.constant 0 : i32
        %dma_wait3A_113 = tpu.memref_slice %arg5[%dma_wait3A_106, %dma_wait3A_111, %dma_wait3A_112] : memref<4096x200x128xf32, #tpu.memory_space<hbm>> -> memref<1x200x128xf32, #tpu.memory_space<hbm>>
        %dma_wait3A_114 = tpu.memref_squeeze %dma_wait3A_113 : memref<1x200x128xf32, #tpu.memory_space<hbm>> -> memref<200x128xf32, #tpu.memory_space<hbm>>
        tpu.wait_dma2 semaphore(%arg14 : memref<!tpu.dma_semaphore, #tpu.memory_space<semaphore_mem>>) src(%arg10 : memref<200x128xf32, #tpu.memory_space<vmem>>) dst(%dma_wait3A_114 : memref<200x128xf32, #tpu.memory_space<hbm>>)
      } else {
      }
      %mul3A_52 = arith.constant 200 : i32
      %mul3A_53 = arith.muli %add3A_49, %mul3A_52 : i32
      %dma_start3A_54 = tpu.memref_slice %arg8[%mul3A_53] : memref<25600xi32, #tpu.memory_space<vmem>> -> memref<200xi32, #tpu.memory_space<vmem>>
      %dma_start3A_55 = arith.constant 0 : i32
      %dma_start3A_56 = arith.constant 0 : i32
      %dma_start3A_57 = tpu.memref_slice %arg15[%dma_start3A_55, %dma_start3A_56] : memref<2304x128xf32, #tpu.memory_space<vmem_shared>> -> memref<2304x128xf32, #tpu.memory_space<vmem_shared>>
      tpu.enqueue_indirect_dma source(%dma_start3A_57 : memref<2304x128xf32, #tpu.memory_space<vmem_shared>>) target(%arg10 : memref<200x128xf32, #tpu.memory_space<vmem>>) offsets(%dma_start3A_54 : memref<200xi32, #tpu.memory_space<vmem>>) semaphore(%arg12 : memref<!tpu.dma_semaphore, #tpu.memory_space<semaphore_mem>>)
      %eq3A = arith.constant 10 : i32
      %eq3A_58 = arith.cmpi eq, %scan3A_45, %eq3A : i32
      %convert_element_type3A_59 = arith.extui %eq3A_58 : i1 to i32
      %cond3A_60 = arith.constant 0 : i32
      %cond3A_61 = arith.cmpi ne, %convert_element_type3A_59, %cond3A_60 : i32
      scf.if %cond3A_61 {
        %add3A_106 = arith.constant 6400 : i32
        %add3A_107 = arith.addi %mul3A_2, %add3A_106 : i32
        "tpu.region"() ({
          %run_scoped3A = tpu.sem_alloc : memref<!tpu.dma_semaphore, #tpu.memory_space<semaphore_mem>>
          %dma_start3A_116 = tpu.memref_slice %arg2[%add3A_107] : memref<819200xi32, #tpu.memory_space<hbm>> -> memref<6400xi32, #tpu.memory_space<hbm>>
          %dma_start3A_117 = tpu.memref_slice %arg2[%add3A_107] : memref<819200xi32, #tpu.memory_space<hbm>> -> memref<6400xi32, #tpu.memory_space<hbm>>
          tpu.enqueue_dma source(%dma_start3A_117 : memref<6400xi32, #tpu.memory_space<hbm>>) target(%arg6 : memref<6400xi32, #tpu.memory_space<vmem>>) target_semaphore(%run_scoped3A : memref<!tpu.dma_semaphore, #tpu.memory_space<semaphore_mem>>)
          %dma_wait3A_118 = tpu.memref_slice %arg2[%add3A_107] : memref<819200xi32, #tpu.memory_space<hbm>> -> memref<6400xi32, #tpu.memory_space<hbm>>
          %dma_wait3A_119 = tpu.memref_slice %arg2[%add3A_107] : memref<819200xi32, #tpu.memory_space<hbm>> -> memref<6400xi32, #tpu.memory_space<hbm>>
          tpu.wait_dma2 semaphore(%run_scoped3A : memref<!tpu.dma_semaphore, #tpu.memory_space<semaphore_mem>>) src(%dma_wait3A_119 : memref<6400xi32, #tpu.memory_space<hbm>>) dst(%arg6 : memref<6400xi32, #tpu.memory_space<vmem>>)
          tpu.yield
        }) : () -> ()
        %add3A_108 = arith.constant 6400 : i32
        %add3A_109 = arith.addi %mul3A_2, %add3A_108 : i32
        "tpu.region"() ({
          %run_scoped3A = tpu.sem_alloc : memref<!tpu.dma_semaphore, #tpu.memory_space<semaphore_mem>>
          %dma_start3A_116 = tpu.memref_slice %arg3[%add3A_109] : memref<819200xi32, #tpu.memory_space<hbm>> -> memref<6400xi32, #tpu.memory_space<hbm>>
          %dma_start3A_117 = tpu.memref_slice %arg3[%add3A_109] : memref<819200xi32, #tpu.memory_space<hbm>> -> memref<6400xi32, #tpu.memory_space<hbm>>
          tpu.enqueue_dma source(%dma_start3A_117 : memref<6400xi32, #tpu.memory_space<hbm>>) target(%arg7 : memref<6400xi32, #tpu.memory_space<vmem>>) target_semaphore(%run_scoped3A : memref<!tpu.dma_semaphore, #tpu.memory_space<semaphore_mem>>)
          %dma_wait3A_118 = tpu.memref_slice %arg3[%add3A_109] : memref<819200xi32, #tpu.memory_space<hbm>> -> memref<6400xi32, #tpu.memory_space<hbm>>
          %dma_wait3A_119 = tpu.memref_slice %arg3[%add3A_109] : memref<819200xi32, #tpu.memory_space<hbm>> -> memref<6400xi32, #tpu.memory_space<hbm>>
          tpu.wait_dma2 semaphore(%run_scoped3A : memref<!tpu.dma_semaphore, #tpu.memory_space<semaphore_mem>>) src(%dma_wait3A_119 : memref<6400xi32, #tpu.memory_space<hbm>>) dst(%arg7 : memref<6400xi32, #tpu.memory_space<vmem>>)
          tpu.yield
        }) : () -> ()
        %scan3A_110 = arith.constant 0 : i32
        %scan3A_111 = arith.constant 0 : i32
        %scan3A_112 = arith.constant 25 : i32
        %scan3A_113 = arith.addi %scan3A_111, %scan3A_112 : i32
        %scan3A_114 = arith.constant 1 : i32
        scf.for %scan3A_116 = %scan3A_111 to %scan3A_113 step %scan3A_114  : i32 {
          %mul3A_117 = arith.constant 256 : i32
          %mul3A_118 = arith.muli %scan3A_116, %mul3A_117 : i32
          %add3A_119 = arith.constant 0 : i32
          %add3A_120 = arith.addi %mul3A_118, %add3A_119 : i32
          %get3A = arith.index_cast %add3A_120 : i32 to index
          %get3A_121 = tpu.vector_load %arg6[%get3A] {strides = array<i32>} : memref<6400xi32, #tpu.memory_space<vmem>>, vector<16xi32>,
          %get3A_122 = vector.shape_cast %get3A_121 : vector<16xi32> to vector<16xi32>
          %get3A_123 = arith.index_cast %add3A_120 : i32 to index
          %get3A_124 = tpu.vector_load %arg7[%get3A_123] {strides = array<i32>} : memref<6400xi32, #tpu.memory_space<vmem>>, vector<16xi32>,
          %get3A_125 = vector.shape_cast %get3A_124 : vector<16xi32> to vector<16xi32>
          %min3A = arith.constant 6 : i32
          %min3A_126 = vector.broadcast %min3A : i32 to vector<16xi32>
          %min3A_127 = arith.minsi %get3A_125, %min3A_126 : vector<16xi32>
          %mul3A_128 = arith.constant 288 : i32
          %mul3A_129 = vector.broadcast %mul3A_128 : i32 to vector<16xi32>
          %mul3A_130 = arith.muli %mul3A_129, %min3A_127 : vector<16xi32>
          %add3A_131 = arith.addi %get3A_122, %mul3A_130 : vector<16xi32>
          %add3A_132 = arith.constant 6400 : i32
          %add3A_133 = arith.addi %add3A_132, %add3A_120 : i32
          %swap3A = arith.index_cast %add3A_133 : i32 to index
          %swap3A_134 = tpu.vector_load %arg8[%swap3A] {strides = array<i32>} : memref<25600xi32, #tpu.memory_space<vmem>>, vector<16xi32>,
          %swap3A_135 = vector.shape_cast %swap3A_134 : vector<16xi32> to vector<16xi32>
          %swap3A_136 = vector.shape_cast %add3A_131 : vector<16xi32> to vector<16xi32>
          tpu.vector_store %arg8[%swap3A], %swap3A_136 {strides = array<i32>} : memref<25600xi32, #tpu.memory_space<vmem>>, vector<16xi32>,
          %mul3A_137 = arith.constant 256 : i32
          %mul3A_138 = arith.muli %scan3A_116, %mul3A_137 : i32
          %add3A_139 = arith.constant 16 : i32
          %add3A_140 = arith.addi %mul3A_138, %add3A_139 : i32
          %get3A_141 = arith.index_cast %add3A_140 : i32 to index
          %get3A_142 = tpu.vector_load %arg6[%get3A_141] {strides = array<i32>} : memref<6400xi32, #tpu.memory_space<vmem>>, vector<16xi32>,
          %get3A_143 = vector.shape_cast %get3A_142 : vector<16xi32> to vector<16xi32>
          %get3A_144 = arith.index_cast %add3A_140 : i32 to index
          %get3A_145 = tpu.vector_load %arg7[%get3A_144] {strides = array<i32>} : memref<6400xi32, #tpu.memory_space<vmem>>, vector<16xi32>,
          %get3A_146 = vector.shape_cast %get3A_145 : vector<16xi32> to vector<16xi32>
          %min3A_147 = arith.constant 6 : i32
          %min3A_148 = vector.broadcast %min3A_147 : i32 to vector<16xi32>
          %min3A_149 = arith.minsi %get3A_146, %min3A_148 : vector<16xi32>
          %mul3A_150 = arith.constant 288 : i32
          %mul3A_151 = vector.broadcast %mul3A_150 : i32 to vector<16xi32>
          %mul3A_152 = arith.muli %mul3A_151, %min3A_149 : vector<16xi32>
          %add3A_153 = arith.addi %get3A_143, %mul3A_152 : vector<16xi32>
          %add3A_154 = arith.constant 6400 : i32
          %add3A_155 = arith.addi %add3A_154, %add3A_140 : i32
          %swap3A_156 = arith.index_cast %add3A_155 : i32 to index
          %swap3A_157 = tpu.vector_load %arg8[%swap3A_156] {strides = array<i32>} : memref<25600xi32, #tpu.memory_space<vmem>>, vector<16xi32>,
          %swap3A_158 = vector.shape_cast %swap3A_157 : vector<16xi32> to vector<16xi32>
          %swap3A_159 = vector.shape_cast %add3A_153 : vector<16xi32> to vector<16xi32>
          tpu.vector_store %arg8[%swap3A_156], %swap3A_159 {strides = array<i32>} : memref<25600xi32, #tpu.memory_space<vmem>>, vector<16xi32>,
          %mul3A_160 = arith.constant 256 : i32
          %mul3A_161 = arith.muli %scan3A_116, %mul3A_160 : i32
          %add3A_162 = arith.constant 32 : i32
          %add3A_163 = arith.addi %mul3A_161, %add3A_162 : i32
          %get3A_164 = arith.index_cast %add3A_163 : i32 to index
          %get3A_165 = tpu.vector_load %arg6[%get3A_164] {strides = array<i32>} : memref<6400xi32, #tpu.memory_space<vmem>>, vector<16xi32>,
          %get3A_166 = vector.shape_cast %get3A_165 : vector<16xi32> to vector<16xi32>
          %get3A_167 = arith.index_cast %add3A_163 : i32 to index
          %get3A_168 = tpu.vector_load %arg7[%get3A_167] {strides = array<i32>} : memref<6400xi32, #tpu.memory_space<vmem>>, vector<16xi32>,
          %get3A_169 = vector.shape_cast %get3A_168 : vector<16xi32> to vector<16xi32>
          %min3A_170 = arith.constant 6 : i32
          %min3A_171 = vector.broadcast %min3A_170 : i32 to vector<16xi32>
          %min3A_172 = arith.minsi %get3A_169, %min3A_171 : vector<16xi32>
          %mul3A_173 = arith.constant 288 : i32
          %mul3A_174 = vector.broadcast %mul3A_173 : i32 to vector<16xi32>
          %mul3A_175 = arith.muli %mul3A_174, %min3A_172 : vector<16xi32>
          %add3A_176 = arith.addi %get3A_166, %mul3A_175 : vector<16xi32>
          %add3A_177 = arith.constant 6400 : i32
          %add3A_178 = arith.addi %add3A_177, %add3A_163 : i32
          %swap3A_179 = arith.index_cast %add3A_178 : i32 to index
          %swap3A_180 = tpu.vector_load %arg8[%swap3A_179] {strides = array<i32>} : memref<25600xi32, #tpu.memory_space<vmem>>, vector<16xi32>,
          %swap3A_181 = vector.shape_cast %swap3A_180 : vector<16xi32> to vector<16xi32>
          %swap3A_182 = vector.shape_cast %add3A_176 : vector<16xi32> to vector<16xi32>
          tpu.vector_store %arg8[%swap3A_179], %swap3A_182 {strides = array<i32>} : memref<25600xi32, #tpu.memory_space<vmem>>, vector<16xi32>,
          %mul3A_183 = arith.constant 256 : i32
          %mul3A_184 = arith.muli %scan3A_116, %mul3A_183 : i32
          %add3A_185 = arith.constant 48 : i32
          %add3A_186 = arith.addi %mul3A_184, %add3A_185 : i32
          %get3A_187 = arith.index_cast %add3A_186 : i32 to index
          %get3A_188 = tpu.vector_load %arg6[%get3A_187] {strides = array<i32>} : memref<6400xi32, #tpu.memory_space<vmem>>, vector<16xi32>,
          %get3A_189 = vector.shape_cast %get3A_188 : vector<16xi32> to vector<16xi32>
          %get3A_190 = arith.index_cast %add3A_186 : i32 to index
          %get3A_191 = tpu.vector_load %arg7[%get3A_190] {strides = array<i32>} : memref<6400xi32, #tpu.memory_space<vmem>>, vector<16xi32>,
          %get3A_192 = vector.shape_cast %get3A_191 : vector<16xi32> to vector<16xi32>
          %min3A_193 = arith.constant 6 : i32
          %min3A_194 = vector.broadcast %min3A_193 : i32 to vector<16xi32>
          %min3A_195 = arith.minsi %get3A_192, %min3A_194 : vector<16xi32>
          %mul3A_196 = arith.constant 288 : i32
          %mul3A_197 = vector.broadcast %mul3A_196 : i32 to vector<16xi32>
          %mul3A_198 = arith.muli %mul3A_197, %min3A_195 : vector<16xi32>
          %add3A_199 = arith.addi %get3A_189, %mul3A_198 : vector<16xi32>
          %add3A_200 = arith.constant 6400 : i32
          %add3A_201 = arith.addi %add3A_200, %add3A_186 : i32
          %swap3A_202 = arith.index_cast %add3A_201 : i32 to index
          %swap3A_203 = tpu.vector_load %arg8[%swap3A_202] {strides = array<i32>} : memref<25600xi32, #tpu.memory_space<vmem>>, vector<16xi32>,
          %swap3A_204 = vector.shape_cast %swap3A_203 : vector<16xi32> to vector<16xi32>
          %swap3A_205 = vector.shape_cast %add3A_199 : vector<16xi32> to vector<16xi32>
          tpu.vector_store %arg8[%swap3A_202], %swap3A_205 {strides = array<i32>} : memref<25600xi32, #tpu.memory_space<vmem>>, vector<16xi32>,
          %mul3A_206 = arith.constant 256 : i32
          %mul3A_207 = arith.muli %scan3A_116, %mul3A_206 : i32
          %add3A_208 = arith.constant 64 : i32
          %add3A_209 = arith.addi %mul3A_207, %add3A_208 : i32
          %get3A_210 = arith.index_cast %add3A_209 : i32 to index
          %get3A_211 = tpu.vector_load %arg6[%get3A_210] {strides = array<i32>} : memref<6400xi32, #tpu.memory_space<vmem>>, vector<16xi32>,
          %get3A_212 = vector.shape_cast %get3A_211 : vector<16xi32> to vector<16xi32>
          %get3A_213 = arith.index_cast %add3A_209 : i32 to index
          %get3A_214 = tpu.vector_load %arg7[%get3A_213] {strides = array<i32>} : memref<6400xi32, #tpu.memory_space<vmem>>, vector<16xi32>,
          %get3A_215 = vector.shape_cast %get3A_214 : vector<16xi32> to vector<16xi32>
          %min3A_216 = arith.constant 6 : i32
          %min3A_217 = vector.broadcast %min3A_216 : i32 to vector<16xi32>
          %min3A_218 = arith.minsi %get3A_215, %min3A_217 : vector<16xi32>
          %mul3A_219 = arith.constant 288 : i32
          %mul3A_220 = vector.broadcast %mul3A_219 : i32 to vector<16xi32>
          %mul3A_221 = arith.muli %mul3A_220, %min3A_218 : vector<16xi32>
          %add3A_222 = arith.addi %get3A_212, %mul3A_221 : vector<16xi32>
          %add3A_223 = arith.constant 6400 : i32
          %add3A_224 = arith.addi %add3A_223, %add3A_209 : i32
          %swap3A_225 = arith.index_cast %add3A_224 : i32 to index
          %swap3A_226 = tpu.vector_load %arg8[%swap3A_225] {strides = array<i32>} : memref<25600xi32, #tpu.memory_space<vmem>>, vector<16xi32>,
          %swap3A_227 = vector.shape_cast %swap3A_226 : vector<16xi32> to vector<16xi32>
          %swap3A_228 = vector.shape_cast %add3A_222 : vector<16xi32> to vector<16xi32>
          tpu.vector_store %arg8[%swap3A_225], %swap3A_228 {strides = array<i32>} : memref<25600xi32, #tpu.memory_space<vmem>>, vector<16xi32>,
          %mul3A_229 = arith.constant 256 : i32
          %mul3A_230 = arith.muli %scan3A_116, %mul3A_229 : i32
          %add3A_231 = arith.constant 80 : i32
          %add3A_232 = arith.addi %mul3A_230, %add3A_231 : i32
          %get3A_233 = arith.index_cast %add3A_232 : i32 to index
          %get3A_234 = tpu.vector_load %arg6[%get3A_233] {strides = array<i32>} : memref<6400xi32, #tpu.memory_space<vmem>>, vector<16xi32>,
          %get3A_235 = vector.shape_cast %get3A_234 : vector<16xi32> to vector<16xi32>
          %get3A_236 = arith.index_cast %add3A_232 : i32 to index
          %get3A_237 = tpu.vector_load %arg7[%get3A_236] {strides = array<i32>} : memref<6400xi32, #tpu.memory_space<vmem>>, vector<16xi32>,
          %get3A_238 = vector.shape_cast %get3A_237 : vector<16xi32> to vector<16xi32>
          %min3A_239 = arith.constant 6 : i32
          %min3A_240 = vector.broadcast %min3A_239 : i32 to vector<16xi32>
          %min3A_241 = arith.minsi %get3A_238, %min3A_240 : vector<16xi32>
          %mul3A_242 = arith.constant 288 : i32
          %mul3A_243 = vector.broadcast %mul3A_242 : i32 to vector<16xi32>
          %mul3A_244 = arith.muli %mul3A_243, %min3A_241 : vector<16xi32>
          %add3A_245 = arith.addi %get3A_235, %mul3A_244 : vector<16xi32>
          %add3A_246 = arith.constant 6400 : i32
          %add3A_247 = arith.addi %add3A_246, %add3A_232 : i32
          %swap3A_248 = arith.index_cast %add3A_247 : i32 to index
          %swap3A_249 = tpu.vector_load %arg8[%swap3A_248] {strides = array<i32>} : memref<25600xi32, #tpu.memory_space<vmem>>, vector<16xi32>,
          %swap3A_250 = vector.shape_cast %swap3A_249 : vector<16xi32> to vector<16xi32>
          %swap3A_251 = vector.shape_cast %add3A_245 : vector<16xi32> to vector<16xi32>
          tpu.vector_store %arg8[%swap3A_248], %swap3A_251 {strides = array<i32>} : memref<25600xi32, #tpu.memory_space<vmem>>, vector<16xi32>,
          %mul3A_252 = arith.constant 256 : i32
          %mul3A_253 = arith.muli %scan3A_116, %mul3A_252 : i32
          %add3A_254 = arith.constant 96 : i32
          %add3A_255 = arith.addi %mul3A_253, %add3A_254 : i32
          %get3A_256 = arith.index_cast %add3A_255 : i32 to index
          %get3A_257 = tpu.vector_load %arg6[%get3A_256] {strides = array<i32>} : memref<6400xi32, #tpu.memory_space<vmem>>, vector<16xi32>,
          %get3A_258 = vector.shape_cast %get3A_257 : vector<16xi32> to vector<16xi32>
          %get3A_259 = arith.index_cast %add3A_255 : i32 to index
          %get3A_260 = tpu.vector_load %arg7[%get3A_259] {strides = array<i32>} : memref<6400xi32, #tpu.memory_space<vmem>>, vector<16xi32>,
          %get3A_261 = vector.shape_cast %get3A_260 : vector<16xi32> to vector<16xi32>
          %min3A_262 = arith.constant 6 : i32
          %min3A_263 = vector.broadcast %min3A_262 : i32 to vector<16xi32>
          %min3A_264 = arith.minsi %get3A_261, %min3A_263 : vector<16xi32>
          %mul3A_265 = arith.constant 288 : i32
          %mul3A_266 = vector.broadcast %mul3A_265 : i32 to vector<16xi32>
          %mul3A_267 = arith.muli %mul3A_266, %min3A_264 : vector<16xi32>
          %add3A_268 = arith.addi %get3A_258, %mul3A_267 : vector<16xi32>
          %add3A_269 = arith.constant 6400 : i32
          %add3A_270 = arith.addi %add3A_269, %add3A_255 : i32
          %swap3A_271 = arith.index_cast %add3A_270 : i32 to index
          %swap3A_272 = tpu.vector_load %arg8[%swap3A_271] {strides = array<i32>} : memref<25600xi32, #tpu.memory_space<vmem>>, vector<16xi32>,
          %swap3A_273 = vector.shape_cast %swap3A_272 : vector<16xi32> to vector<16xi32>
          %swap3A_274 = vector.shape_cast %add3A_268 : vector<16xi32> to vector<16xi32>
          tpu.vector_store %arg8[%swap3A_271], %swap3A_274 {strides = array<i32>} : memref<25600xi32, #tpu.memory_space<vmem>>, vector<16xi32>,
          %mul3A_275 = arith.constant 256 : i32
          %mul3A_276 = arith.muli %scan3A_116, %mul3A_275 : i32
          %add3A_277 = arith.constant 112 : i32
          %add3A_278 = arith.addi %mul3A_276, %add3A_277 : i32
          %get3A_279 = arith.index_cast %add3A_278 : i32 to index
          %get3A_280 = tpu.vector_load %arg6[%get3A_279] {strides = array<i32>} : memref<6400xi32, #tpu.memory_space<vmem>>, vector<16xi32>,
          %get3A_281 = vector.shape_cast %get3A_280 : vector<16xi32> to vector<16xi32>
          %get3A_282 = arith.index_cast %add3A_278 : i32 to index
          %get3A_283 = tpu.vector_load %arg7[%get3A_282] {strides = array<i32>} : memref<6400xi32, #tpu.memory_space<vmem>>, vector<16xi32>,
          %get3A_284 = vector.shape_cast %get3A_283 : vector<16xi32> to vector<16xi32>
          %min3A_285 = arith.constant 6 : i32
          %min3A_286 = vector.broadcast %min3A_285 : i32 to vector<16xi32>
          %min3A_287 = arith.minsi %get3A_284, %min3A_286 : vector<16xi32>
          %mul3A_288 = arith.constant 288 : i32
          %mul3A_289 = vector.broadcast %mul3A_288 : i32 to vector<16xi32>
          %mul3A_290 = arith.muli %mul3A_289, %min3A_287 : vector<16xi32>
          %add3A_291 = arith.addi %get3A_281, %mul3A_290 : vector<16xi32>
          %add3A_292 = arith.constant 6400 : i32
          %add3A_293 = arith.addi %add3A_292, %add3A_278 : i32
          %swap3A_294 = arith.index_cast %add3A_293 : i32 to index
          %swap3A_295 = tpu.vector_load %arg8[%swap3A_294] {strides = array<i32>} : memref<25600xi32, #tpu.memory_space<vmem>>, vector<16xi32>,
          %swap3A_296 = vector.shape_cast %swap3A_295 : vector<16xi32> to vector<16xi32>
          %swap3A_297 = vector.shape_cast %add3A_291 : vector<16xi32> to vector<16xi32>
          tpu.vector_store %arg8[%swap3A_294], %swap3A_297 {strides = array<i32>} : memref<25600xi32, #tpu.memory_space<vmem>>, vector<16xi32>,
          %mul3A_298 = arith.constant 256 : i32
          %mul3A_299 = arith.muli %scan3A_116, %mul3A_298 : i32
          %add3A_300 = arith.constant 128 : i32
          %add3A_301 = arith.addi %mul3A_299, %add3A_300 : i32
          %get3A_302 = arith.index_cast %add3A_301 : i32 to index
          %get3A_303 = tpu.vector_load %arg6[%get3A_302] {strides = array<i32>} : memref<6400xi32, #tpu.memory_space<vmem>>, vector<16xi32>,
          %get3A_304 = vector.shape_cast %get3A_303 : vector<16xi32> to vector<16xi32>
          %get3A_305 = arith.index_cast %add3A_301 : i32 to index
          %get3A_306 = tpu.vector_load %arg7[%get3A_305] {strides = array<i32>} : memref<6400xi32, #tpu.memory_space<vmem>>, vector<16xi32>,
          %get3A_307 = vector.shape_cast %get3A_306 : vector<16xi32> to vector<16xi32>
          %min3A_308 = arith.constant 6 : i32
          %min3A_309 = vector.broadcast %min3A_308 : i32 to vector<16xi32>
          %min3A_310 = arith.minsi %get3A_307, %min3A_309 : vector<16xi32>
          %mul3A_311 = arith.constant 288 : i32
          %mul3A_312 = vector.broadcast %mul3A_311 : i32 to vector<16xi32>
          %mul3A_313 = arith.muli %mul3A_312, %min3A_310 : vector<16xi32>
          %add3A_314 = arith.addi %get3A_304, %mul3A_313 : vector<16xi32>
          %add3A_315 = arith.constant 6400 : i32
          %add3A_316 = arith.addi %add3A_315, %add3A_301 : i32
          %swap3A_317 = arith.index_cast %add3A_316 : i32 to index
          %swap3A_318 = tpu.vector_load %arg8[%swap3A_317] {strides = array<i32>} : memref<25600xi32, #tpu.memory_space<vmem>>, vector<16xi32>,
          %swap3A_319 = vector.shape_cast %swap3A_318 : vector<16xi32> to vector<16xi32>
          %swap3A_320 = vector.shape_cast %add3A_314 : vector<16xi32> to vector<16xi32>
          tpu.vector_store %arg8[%swap3A_317], %swap3A_320 {strides = array<i32>} : memref<25600xi32, #tpu.memory_space<vmem>>, vector<16xi32>,
          %mul3A_321 = arith.constant 256 : i32
          %mul3A_322 = arith.muli %scan3A_116, %mul3A_321 : i32
          %add3A_323 = arith.constant 144 : i32
          %add3A_324 = arith.addi %mul3A_322, %add3A_323 : i32
          %get3A_325 = arith.index_cast %add3A_324 : i32 to index
          %get3A_326 = tpu.vector_load %arg6[%get3A_325] {strides = array<i32>} : memref<6400xi32, #tpu.memory_space<vmem>>, vector<16xi32>,
          %get3A_327 = vector.shape_cast %get3A_326 : vector<16xi32> to vector<16xi32>
          %get3A_328 = arith.index_cast %add3A_324 : i32 to index
          %get3A_329 = tpu.vector_load %arg7[%get3A_328] {strides = array<i32>} : memref<6400xi32, #tpu.memory_space<vmem>>, vector<16xi32>,
          %get3A_330 = vector.shape_cast %get3A_329 : vector<16xi32> to vector<16xi32>
          %min3A_331 = arith.constant 6 : i32
          %min3A_332 = vector.broadcast %min3A_331 : i32 to vector<16xi32>
          %min3A_333 = arith.minsi %get3A_330, %min3A_332 : vector<16xi32>
          %mul3A_334 = arith.constant 288 : i32
          %mul3A_335 = vector.broadcast %mul3A_334 : i32 to vector<16xi32>
          %mul3A_336 = arith.muli %mul3A_335, %min3A_333 : vector<16xi32>
          %add3A_337 = arith.addi %get3A_327, %mul3A_336 : vector<16xi32>
          %add3A_338 = arith.constant 6400 : i32
          %add3A_339 = arith.addi %add3A_338, %add3A_324 : i32
          %swap3A_340 = arith.index_cast %add3A_339 : i32 to index
          %swap3A_341 = tpu.vector_load %arg8[%swap3A_340] {strides = array<i32>} : memref<25600xi32, #tpu.memory_space<vmem>>, vector<16xi32>,
          %swap3A_342 = vector.shape_cast %swap3A_341 : vector<16xi32> to vector<16xi32>
          %swap3A_343 = vector.shape_cast %add3A_337 : vector<16xi32> to vector<16xi32>
          tpu.vector_store %arg8[%swap3A_340], %swap3A_343 {strides = array<i32>} : memref<25600xi32, #tpu.memory_space<vmem>>, vector<16xi32>,
          %mul3A_344 = arith.constant 256 : i32
          %mul3A_345 = arith.muli %scan3A_116, %mul3A_344 : i32
          %add3A_346 = arith.constant 160 : i32
          %add3A_347 = arith.addi %mul3A_345, %add3A_346 : i32
          %get3A_348 = arith.index_cast %add3A_347 : i32 to index
          %get3A_349 = tpu.vector_load %arg6[%get3A_348] {strides = array<i32>} : memref<6400xi32, #tpu.memory_space<vmem>>, vector<16xi32>,
          %get3A_350 = vector.shape_cast %get3A_349 : vector<16xi32> to vector<16xi32>
          %get3A_351 = arith.index_cast %add3A_347 : i32 to index
          %get3A_352 = tpu.vector_load %arg7[%get3A_351] {strides = array<i32>} : memref<6400xi32, #tpu.memory_space<vmem>>, vector<16xi32>,
          %get3A_353 = vector.shape_cast %get3A_352 : vector<16xi32> to vector<16xi32>
          %min3A_354 = arith.constant 6 : i32
          %min3A_355 = vector.broadcast %min3A_354 : i32 to vector<16xi32>
          %min3A_356 = arith.minsi %get3A_353, %min3A_355 : vector<16xi32>
          %mul3A_357 = arith.constant 288 : i32
          %mul3A_358 = vector.broadcast %mul3A_357 : i32 to vector<16xi32>
          %mul3A_359 = arith.muli %mul3A_358, %min3A_356 : vector<16xi32>
          %add3A_360 = arith.addi %get3A_350, %mul3A_359 : vector<16xi32>
          %add3A_361 = arith.constant 6400 : i32
          %add3A_362 = arith.addi %add3A_361, %add3A_347 : i32
          %swap3A_363 = arith.index_cast %add3A_362 : i32 to index
          %swap3A_364 = tpu.vector_load %arg8[%swap3A_363] {strides = array<i32>} : memref<25600xi32, #tpu.memory_space<vmem>>, vector<16xi32>,
          %swap3A_365 = vector.shape_cast %swap3A_364 : vector<16xi32> to vector<16xi32>
          %swap3A_366 = vector.shape_cast %add3A_360 : vector<16xi32> to vector<16xi32>
          tpu.vector_store %arg8[%swap3A_363], %swap3A_366 {strides = array<i32>} : memref<25600xi32, #tpu.memory_space<vmem>>, vector<16xi32>,
          %mul3A_367 = arith.constant 256 : i32
          %mul3A_368 = arith.muli %scan3A_116, %mul3A_367 : i32
          %add3A_369 = arith.constant 176 : i32
          %add3A_370 = arith.addi %mul3A_368, %add3A_369 : i32
          %get3A_371 = arith.index_cast %add3A_370 : i32 to index
          %get3A_372 = tpu.vector_load %arg6[%get3A_371] {strides = array<i32>} : memref<6400xi32, #tpu.memory_space<vmem>>, vector<16xi32>,
          %get3A_373 = vector.shape_cast %get3A_372 : vector<16xi32> to vector<16xi32>
          %get3A_374 = arith.index_cast %add3A_370 : i32 to index
          %get3A_375 = tpu.vector_load %arg7[%get3A_374] {strides = array<i32>} : memref<6400xi32, #tpu.memory_space<vmem>>, vector<16xi32>,
          %get3A_376 = vector.shape_cast %get3A_375 : vector<16xi32> to vector<16xi32>
          %min3A_377 = arith.constant 6 : i32
          %min3A_378 = vector.broadcast %min3A_377 : i32 to vector<16xi32>
          %min3A_379 = arith.minsi %get3A_376, %min3A_378 : vector<16xi32>
          %mul3A_380 = arith.constant 288 : i32
          %mul3A_381 = vector.broadcast %mul3A_380 : i32 to vector<16xi32>
          %mul3A_382 = arith.muli %mul3A_381, %min3A_379 : vector<16xi32>
          %add3A_383 = arith.addi %get3A_373, %mul3A_382 : vector<16xi32>
          %add3A_384 = arith.constant 6400 : i32
          %add3A_385 = arith.addi %add3A_384, %add3A_370 : i32
          %swap3A_386 = arith.index_cast %add3A_385 : i32 to index
          %swap3A_387 = tpu.vector_load %arg8[%swap3A_386] {strides = array<i32>} : memref<25600xi32, #tpu.memory_space<vmem>>, vector<16xi32>,
          %swap3A_388 = vector.shape_cast %swap3A_387 : vector<16xi32> to vector<16xi32>
          %swap3A_389 = vector.shape_cast %add3A_383 : vector<16xi32> to vector<16xi32>
          tpu.vector_store %arg8[%swap3A_386], %swap3A_389 {strides = array<i32>} : memref<25600xi32, #tpu.memory_space<vmem>>, vector<16xi32>,
          %mul3A_390 = arith.constant 256 : i32
          %mul3A_391 = arith.muli %scan3A_116, %mul3A_390 : i32
          %add3A_392 = arith.constant 192 : i32
          %add3A_393 = arith.addi %mul3A_391, %add3A_392 : i32
          %get3A_394 = arith.index_cast %add3A_393 : i32 to index
          %get3A_395 = tpu.vector_load %arg6[%get3A_394] {strides = array<i32>} : memref<6400xi32, #tpu.memory_space<vmem>>, vector<16xi32>,
          %get3A_396 = vector.shape_cast %get3A_395 : vector<16xi32> to vector<16xi32>
          %get3A_397 = arith.index_cast %add3A_393 : i32 to index
          %get3A_398 = tpu.vector_load %arg7[%get3A_397] {strides = array<i32>} : memref<6400xi32, #tpu.memory_space<vmem>>, vector<16xi32>,
          %get3A_399 = vector.shape_cast %get3A_398 : vector<16xi32> to vector<16xi32>
          %min3A_400 = arith.constant 6 : i32
          %min3A_401 = vector.broadcast %min3A_400 : i32 to vector<16xi32>
          %min3A_402 = arith.minsi %get3A_399, %min3A_401 : vector<16xi32>
          %mul3A_403 = arith.constant 288 : i32
          %mul3A_404 = vector.broadcast %mul3A_403 : i32 to vector<16xi32>
          %mul3A_405 = arith.muli %mul3A_404, %min3A_402 : vector<16xi32>
          %add3A_406 = arith.addi %get3A_396, %mul3A_405 : vector<16xi32>
          %add3A_407 = arith.constant 6400 : i32
          %add3A_408 = arith.addi %add3A_407, %add3A_393 : i32
          %swap3A_409 = arith.index_cast %add3A_408 : i32 to index
          %swap3A_410 = tpu.vector_load %arg8[%swap3A_409] {strides = array<i32>} : memref<25600xi32, #tpu.memory_space<vmem>>, vector<16xi32>,
          %swap3A_411 = vector.shape_cast %swap3A_410 : vector<16xi32> to vector<16xi32>
          %swap3A_412 = vector.shape_cast %add3A_406 : vector<16xi32> to vector<16xi32>
          tpu.vector_store %arg8[%swap3A_409], %swap3A_412 {strides = array<i32>} : memref<25600xi32, #tpu.memory_space<vmem>>, vector<16xi32>,
          %mul3A_413 = arith.constant 256 : i32
          %mul3A_414 = arith.muli %scan3A_116, %mul3A_413 : i32
          %add3A_415 = arith.constant 208 : i32
          %add3A_416 = arith.addi %mul3A_414, %add3A_415 : i32
          %get3A_417 = arith.index_cast %add3A_416 : i32 to index
          %get3A_418 = tpu.vector_load %arg6[%get3A_417] {strides = array<i32>} : memref<6400xi32, #tpu.memory_space<vmem>>, vector<16xi32>,
          %get3A_419 = vector.shape_cast %get3A_418 : vector<16xi32> to vector<16xi32>
          %get3A_420 = arith.index_cast %add3A_416 : i32 to index
          %get3A_421 = tpu.vector_load %arg7[%get3A_420] {strides = array<i32>} : memref<6400xi32, #tpu.memory_space<vmem>>, vector<16xi32>,
          %get3A_422 = vector.shape_cast %get3A_421 : vector<16xi32> to vector<16xi32>
          %min3A_423 = arith.constant 6 : i32
          %min3A_424 = vector.broadcast %min3A_423 : i32 to vector<16xi32>
          %min3A_425 = arith.minsi %get3A_422, %min3A_424 : vector<16xi32>
          %mul3A_426 = arith.constant 288 : i32
          %mul3A_427 = vector.broadcast %mul3A_426 : i32 to vector<16xi32>
          %mul3A_428 = arith.muli %mul3A_427, %min3A_425 : vector<16xi32>
          %add3A_429 = arith.addi %get3A_419, %mul3A_428 : vector<16xi32>
          %add3A_430 = arith.constant 6400 : i32
          %add3A_431 = arith.addi %add3A_430, %add3A_416 : i32
          %swap3A_432 = arith.index_cast %add3A_431 : i32 to index
          %swap3A_433 = tpu.vector_load %arg8[%swap3A_432] {strides = array<i32>} : memref<25600xi32, #tpu.memory_space<vmem>>, vector<16xi32>,
          %swap3A_434 = vector.shape_cast %swap3A_433 : vector<16xi32> to vector<16xi32>
          %swap3A_435 = vector.shape_cast %add3A_429 : vector<16xi32> to vector<16xi32>
          tpu.vector_store %arg8[%swap3A_432], %swap3A_435 {strides = array<i32>} : memref<25600xi32, #tpu.memory_space<vmem>>, vector<16xi32>,
          %mul3A_436 = arith.constant 256 : i32
          %mul3A_437 = arith.muli %scan3A_116, %mul3A_436 : i32
          %add3A_438 = arith.constant 224 : i32
          %add3A_439 = arith.addi %mul3A_437, %add3A_438 : i32
          %get3A_440 = arith.index_cast %add3A_439 : i32 to index
          %get3A_441 = tpu.vector_load %arg6[%get3A_440] {strides = array<i32>} : memref<6400xi32, #tpu.memory_space<vmem>>, vector<16xi32>,
          %get3A_442 = vector.shape_cast %get3A_441 : vector<16xi32> to vector<16xi32>
          %get3A_443 = arith.index_cast %add3A_439 : i32 to index
          %get3A_444 = tpu.vector_load %arg7[%get3A_443] {strides = array<i32>} : memref<6400xi32, #tpu.memory_space<vmem>>, vector<16xi32>,
          %get3A_445 = vector.shape_cast %get3A_444 : vector<16xi32> to vector<16xi32>
          %min3A_446 = arith.constant 6 : i32
          %min3A_447 = vector.broadcast %min3A_446 : i32 to vector<16xi32>
          %min3A_448 = arith.minsi %get3A_445, %min3A_447 : vector<16xi32>
          %mul3A_449 = arith.constant 288 : i32
          %mul3A_450 = vector.broadcast %mul3A_449 : i32 to vector<16xi32>
          %mul3A_451 = arith.muli %mul3A_450, %min3A_448 : vector<16xi32>
          %add3A_452 = arith.addi %get3A_442, %mul3A_451 : vector<16xi32>
          %add3A_453 = arith.constant 6400 : i32
          %add3A_454 = arith.addi %add3A_453, %add3A_439 : i32
          %swap3A_455 = arith.index_cast %add3A_454 : i32 to index
          %swap3A_456 = tpu.vector_load %arg8[%swap3A_455] {strides = array<i32>} : memref<25600xi32, #tpu.memory_space<vmem>>, vector<16xi32>,
          %swap3A_457 = vector.shape_cast %swap3A_456 : vector<16xi32> to vector<16xi32>
          %swap3A_458 = vector.shape_cast %add3A_452 : vector<16xi32> to vector<16xi32>
          tpu.vector_store %arg8[%swap3A_455], %swap3A_458 {strides = array<i32>} : memref<25600xi32, #tpu.memory_space<vmem>>, vector<16xi32>,
          %mul3A_459 = arith.constant 256 : i32
          %mul3A_460 = arith.muli %scan3A_116, %mul3A_459 : i32
          %add3A_461 = arith.constant 240 : i32
          %add3A_462 = arith.addi %mul3A_460, %add3A_461 : i32
          %get3A_463 = arith.index_cast %add3A_462 : i32 to index
          %get3A_464 = tpu.vector_load %arg6[%get3A_463] {strides = array<i32>} : memref<6400xi32, #tpu.memory_space<vmem>>, vector<16xi32>,
          %get3A_465 = vector.shape_cast %get3A_464 : vector<16xi32> to vector<16xi32>
          %get3A_466 = arith.index_cast %add3A_462 : i32 to index
          %get3A_467 = tpu.vector_load %arg7[%get3A_466] {strides = array<i32>} : memref<6400xi32, #tpu.memory_space<vmem>>, vector<16xi32>,
          %get3A_468 = vector.shape_cast %get3A_467 : vector<16xi32> to vector<16xi32>
          %min3A_469 = arith.constant 6 : i32
          %min3A_470 = vector.broadcast %min3A_469 : i32 to vector<16xi32>
          %min3A_471 = arith.minsi %get3A_468, %min3A_470 : vector<16xi32>
          %mul3A_472 = arith.constant 288 : i32
          %mul3A_473 = vector.broadcast %mul3A_472 : i32 to vector<16xi32>
          %mul3A_474 = arith.muli %mul3A_473, %min3A_471 : vector<16xi32>
          %add3A_475 = arith.addi %get3A_465, %mul3A_474 : vector<16xi32>
          %add3A_476 = arith.constant 6400 : i32
          %add3A_477 = arith.addi %add3A_476, %add3A_462 : i32
          %swap3A_478 = arith.index_cast %add3A_477 : i32 to index
          %swap3A_479 = tpu.vector_load %arg8[%swap3A_478] {strides = array<i32>} : memref<25600xi32, #tpu.memory_space<vmem>>, vector<16xi32>,
          %swap3A_480 = vector.shape_cast %swap3A_479 : vector<16xi32> to vector<16xi32>
          %swap3A_481 = vector.shape_cast %add3A_475 : vector<16xi32> to vector<16xi32>
          tpu.vector_store %arg8[%swap3A_478], %swap3A_481 {strides = array<i32>} : memref<25600xi32, #tpu.memory_space<vmem>>, vector<16xi32>,
        }
        %scan3A_115 = arith.constant 25 : i32
      } else {
      }
      %eq3A_62 = arith.constant 26 : i32
      %eq3A_63 = arith.cmpi eq, %scan3A_45, %eq3A_62 : i32
      %convert_element_type3A_64 = arith.extui %eq3A_63 : i1 to i32
      %cond3A_65 = arith.constant 0 : i32
      %cond3A_66 = arith.cmpi ne, %convert_element_type3A_64, %cond3A_65 : i32
      scf.if %cond3A_66 {
        %add3A_106 = arith.constant 12800 : i32
        %add3A_107 = arith.addi %mul3A_2, %add3A_106 : i32
        "tpu.region"() ({
          %run_scoped3A = tpu.sem_alloc : memref<!tpu.dma_semaphore, #tpu.memory_space<semaphore_mem>>
          %dma_start3A_116 = tpu.memref_slice %arg2[%add3A_107] : memref<819200xi32, #tpu.memory_space<hbm>> -> memref<6400xi32, #tpu.memory_space<hbm>>
          %dma_start3A_117 = tpu.memref_slice %arg2[%add3A_107] : memref<819200xi32, #tpu.memory_space<hbm>> -> memref<6400xi32, #tpu.memory_space<hbm>>
          tpu.enqueue_dma source(%dma_start3A_117 : memref<6400xi32, #tpu.memory_space<hbm>>) target(%arg6 : memref<6400xi32, #tpu.memory_space<vmem>>) target_semaphore(%run_scoped3A : memref<!tpu.dma_semaphore, #tpu.memory_space<semaphore_mem>>)
          %dma_wait3A_118 = tpu.memref_slice %arg2[%add3A_107] : memref<819200xi32, #tpu.memory_space<hbm>> -> memref<6400xi32, #tpu.memory_space<hbm>>
          %dma_wait3A_119 = tpu.memref_slice %arg2[%add3A_107] : memref<819200xi32, #tpu.memory_space<hbm>> -> memref<6400xi32, #tpu.memory_space<hbm>>
          tpu.wait_dma2 semaphore(%run_scoped3A : memref<!tpu.dma_semaphore, #tpu.memory_space<semaphore_mem>>) src(%dma_wait3A_119 : memref<6400xi32, #tpu.memory_space<hbm>>) dst(%arg6 : memref<6400xi32, #tpu.memory_space<vmem>>)
          tpu.yield
        }) : () -> ()
        %add3A_108 = arith.constant 12800 : i32
        %add3A_109 = arith.addi %mul3A_2, %add3A_108 : i32
        "tpu.region"() ({
          %run_scoped3A = tpu.sem_alloc : memref<!tpu.dma_semaphore, #tpu.memory_space<semaphore_mem>>
          %dma_start3A_116 = tpu.memref_slice %arg3[%add3A_109] : memref<819200xi32, #tpu.memory_space<hbm>> -> memref<6400xi32, #tpu.memory_space<hbm>>
          %dma_start3A_117 = tpu.memref_slice %arg3[%add3A_109] : memref<819200xi32, #tpu.memory_space<hbm>> -> memref<6400xi32, #tpu.memory_space<hbm>>
          tpu.enqueue_dma source(%dma_start3A_117 : memref<6400xi32, #tpu.memory_space<hbm>>) target(%arg7 : memref<6400xi32, #tpu.memory_space<vmem>>) target_semaphore(%run_scoped3A : memref<!tpu.dma_semaphore, #tpu.memory_space<semaphore_mem>>)
          %dma_wait3A_118 = tpu.memref_slice %arg3[%add3A_109] : memref<819200xi32, #tpu.memory_space<hbm>> -> memref<6400xi32, #tpu.memory_space<hbm>>
          %dma_wait3A_119 = tpu.memref_slice %arg3[%add3A_109] : memref<819200xi32, #tpu.memory_space<hbm>> -> memref<6400xi32, #tpu.memory_space<hbm>>
          tpu.wait_dma2 semaphore(%run_scoped3A : memref<!tpu.dma_semaphore, #tpu.memory_space<semaphore_mem>>) src(%dma_wait3A_119 : memref<6400xi32, #tpu.memory_space<hbm>>) dst(%arg7 : memref<6400xi32, #tpu.memory_space<vmem>>)
          tpu.yield
        }) : () -> ()
        %scan3A_110 = arith.constant 0 : i32
        %scan3A_111 = arith.constant 0 : i32
        %scan3A_112 = arith.constant 25 : i32
        %scan3A_113 = arith.addi %scan3A_111, %scan3A_112 : i32
        %scan3A_114 = arith.constant 1 : i32
        scf.for %scan3A_116 = %scan3A_111 to %scan3A_113 step %scan3A_114  : i32 {
          %mul3A_117 = arith.constant 256 : i32
          %mul3A_118 = arith.muli %scan3A_116, %mul3A_117 : i32
          %add3A_119 = arith.constant 0 : i32
          %add3A_120 = arith.addi %mul3A_118, %add3A_119 : i32
          %get3A = arith.index_cast %add3A_120 : i32 to index
          %get3A_121 = tpu.vector_load %arg6[%get3A] {strides = array<i32>} : memref<6400xi32, #tpu.memory_space<vmem>>, vector<16xi32>,
          %get3A_122 = vector.shape_cast %get3A_121 : vector<16xi32> to vector<16xi32>
          %get3A_123 = arith.index_cast %add3A_120 : i32 to index
          %get3A_124 = tpu.vector_load %arg7[%get3A_123] {strides = array<i32>} : memref<6400xi32, #tpu.memory_space<vmem>>, vector<16xi32>,
          %get3A_125 = vector.shape_cast %get3A_124 : vector<16xi32> to vector<16xi32>
          %min3A = arith.constant 6 : i32
          %min3A_126 = vector.broadcast %min3A : i32 to vector<16xi32>
          %min3A_127 = arith.minsi %get3A_125, %min3A_126 : vector<16xi32>
          %mul3A_128 = arith.constant 288 : i32
          %mul3A_129 = vector.broadcast %mul3A_128 : i32 to vector<16xi32>
          %mul3A_130 = arith.muli %mul3A_129, %min3A_127 : vector<16xi32>
          %add3A_131 = arith.addi %get3A_122, %mul3A_130 : vector<16xi32>
          %add3A_132 = arith.constant 12800 : i32
          %add3A_133 = arith.addi %add3A_132, %add3A_120 : i32
          %swap3A = arith.index_cast %add3A_133 : i32 to index
          %swap3A_134 = tpu.vector_load %arg8[%swap3A] {strides = array<i32>} : memref<25600xi32, #tpu.memory_space<vmem>>, vector<16xi32>,
          %swap3A_135 = vector.shape_cast %swap3A_134 : vector<16xi32> to vector<16xi32>
          %swap3A_136 = vector.shape_cast %add3A_131 : vector<16xi32> to vector<16xi32>
          tpu.vector_store %arg8[%swap3A], %swap3A_136 {strides = array<i32>} : memref<25600xi32, #tpu.memory_space<vmem>>, vector<16xi32>,
          %mul3A_137 = arith.constant 256 : i32
          %mul3A_138 = arith.muli %scan3A_116, %mul3A_137 : i32
          %add3A_139 = arith.constant 16 : i32
          %add3A_140 = arith.addi %mul3A_138, %add3A_139 : i32
          %get3A_141 = arith.index_cast %add3A_140 : i32 to index
          %get3A_142 = tpu.vector_load %arg6[%get3A_141] {strides = array<i32>} : memref<6400xi32, #tpu.memory_space<vmem>>, vector<16xi32>,
          %get3A_143 = vector.shape_cast %get3A_142 : vector<16xi32> to vector<16xi32>
          %get3A_144 = arith.index_cast %add3A_140 : i32 to index
          %get3A_145 = tpu.vector_load %arg7[%get3A_144] {strides = array<i32>} : memref<6400xi32, #tpu.memory_space<vmem>>, vector<16xi32>,
          %get3A_146 = vector.shape_cast %get3A_145 : vector<16xi32> to vector<16xi32>
          %min3A_147 = arith.constant 6 : i32
          %min3A_148 = vector.broadcast %min3A_147 : i32 to vector<16xi32>
          %min3A_149 = arith.minsi %get3A_146, %min3A_148 : vector<16xi32>
          %mul3A_150 = arith.constant 288 : i32
          %mul3A_151 = vector.broadcast %mul3A_150 : i32 to vector<16xi32>
          %mul3A_152 = arith.muli %mul3A_151, %min3A_149 : vector<16xi32>
          %add3A_153 = arith.addi %get3A_143, %mul3A_152 : vector<16xi32>
          %add3A_154 = arith.constant 12800 : i32
          %add3A_155 = arith.addi %add3A_154, %add3A_140 : i32
          %swap3A_156 = arith.index_cast %add3A_155 : i32 to index
          %swap3A_157 = tpu.vector_load %arg8[%swap3A_156] {strides = array<i32>} : memref<25600xi32, #tpu.memory_space<vmem>>, vector<16xi32>,
          %swap3A_158 = vector.shape_cast %swap3A_157 : vector<16xi32> to vector<16xi32>
          %swap3A_159 = vector.shape_cast %add3A_153 : vector<16xi32> to vector<16xi32>
          tpu.vector_store %arg8[%swap3A_156], %swap3A_159 {strides = array<i32>} : memref<25600xi32, #tpu.memory_space<vmem>>, vector<16xi32>,
          %mul3A_160 = arith.constant 256 : i32
          %mul3A_161 = arith.muli %scan3A_116, %mul3A_160 : i32
          %add3A_162 = arith.constant 32 : i32
          %add3A_163 = arith.addi %mul3A_161, %add3A_162 : i32
          %get3A_164 = arith.index_cast %add3A_163 : i32 to index
          %get3A_165 = tpu.vector_load %arg6[%get3A_164] {strides = array<i32>} : memref<6400xi32, #tpu.memory_space<vmem>>, vector<16xi32>,
          %get3A_166 = vector.shape_cast %get3A_165 : vector<16xi32> to vector<16xi32>
          %get3A_167 = arith.index_cast %add3A_163 : i32 to index
          %get3A_168 = tpu.vector_load %arg7[%get3A_167] {strides = array<i32>} : memref<6400xi32, #tpu.memory_space<vmem>>, vector<16xi32>,
          %get3A_169 = vector.shape_cast %get3A_168 : vector<16xi32> to vector<16xi32>
          %min3A_170 = arith.constant 6 : i32
          %min3A_171 = vector.broadcast %min3A_170 : i32 to vector<16xi32>
          %min3A_172 = arith.minsi %get3A_169, %min3A_171 : vector<16xi32>
          %mul3A_173 = arith.constant 288 : i32
          %mul3A_174 = vector.broadcast %mul3A_173 : i32 to vector<16xi32>
          %mul3A_175 = arith.muli %mul3A_174, %min3A_172 : vector<16xi32>
          %add3A_176 = arith.addi %get3A_166, %mul3A_175 : vector<16xi32>
          %add3A_177 = arith.constant 12800 : i32
          %add3A_178 = arith.addi %add3A_177, %add3A_163 : i32
          %swap3A_179 = arith.index_cast %add3A_178 : i32 to index
          %swap3A_180 = tpu.vector_load %arg8[%swap3A_179] {strides = array<i32>} : memref<25600xi32, #tpu.memory_space<vmem>>, vector<16xi32>,
          %swap3A_181 = vector.shape_cast %swap3A_180 : vector<16xi32> to vector<16xi32>
          %swap3A_182 = vector.shape_cast %add3A_176 : vector<16xi32> to vector<16xi32>
          tpu.vector_store %arg8[%swap3A_179], %swap3A_182 {strides = array<i32>} : memref<25600xi32, #tpu.memory_space<vmem>>, vector<16xi32>,
          %mul3A_183 = arith.constant 256 : i32
          %mul3A_184 = arith.muli %scan3A_116, %mul3A_183 : i32
          %add3A_185 = arith.constant 48 : i32
          %add3A_186 = arith.addi %mul3A_184, %add3A_185 : i32
          %get3A_187 = arith.index_cast %add3A_186 : i32 to index
          %get3A_188 = tpu.vector_load %arg6[%get3A_187] {strides = array<i32>} : memref<6400xi32, #tpu.memory_space<vmem>>, vector<16xi32>,
          %get3A_189 = vector.shape_cast %get3A_188 : vector<16xi32> to vector<16xi32>
          %get3A_190 = arith.index_cast %add3A_186 : i32 to index
          %get3A_191 = tpu.vector_load %arg7[%get3A_190] {strides = array<i32>} : memref<6400xi32, #tpu.memory_space<vmem>>, vector<16xi32>,
          %get3A_192 = vector.shape_cast %get3A_191 : vector<16xi32> to vector<16xi32>
          %min3A_193 = arith.constant 6 : i32
          %min3A_194 = vector.broadcast %min3A_193 : i32 to vector<16xi32>
          %min3A_195 = arith.minsi %get3A_192, %min3A_194 : vector<16xi32>
          %mul3A_196 = arith.constant 288 : i32
          %mul3A_197 = vector.broadcast %mul3A_196 : i32 to vector<16xi32>
          %mul3A_198 = arith.muli %mul3A_197, %min3A_195 : vector<16xi32>
          %add3A_199 = arith.addi %get3A_189, %mul3A_198 : vector<16xi32>
          %add3A_200 = arith.constant 12800 : i32
          %add3A_201 = arith.addi %add3A_200, %add3A_186 : i32
          %swap3A_202 = arith.index_cast %add3A_201 : i32 to index
          %swap3A_203 = tpu.vector_load %arg8[%swap3A_202] {strides = array<i32>} : memref<25600xi32, #tpu.memory_space<vmem>>, vector<16xi32>,
          %swap3A_204 = vector.shape_cast %swap3A_203 : vector<16xi32> to vector<16xi32>
          %swap3A_205 = vector.shape_cast %add3A_199 : vector<16xi32> to vector<16xi32>
          tpu.vector_store %arg8[%swap3A_202], %swap3A_205 {strides = array<i32>} : memref<25600xi32, #tpu.memory_space<vmem>>, vector<16xi32>,
          %mul3A_206 = arith.constant 256 : i32
          %mul3A_207 = arith.muli %scan3A_116, %mul3A_206 : i32
          %add3A_208 = arith.constant 64 : i32
          %add3A_209 = arith.addi %mul3A_207, %add3A_208 : i32
          %get3A_210 = arith.index_cast %add3A_209 : i32 to index
          %get3A_211 = tpu.vector_load %arg6[%get3A_210] {strides = array<i32>} : memref<6400xi32, #tpu.memory_space<vmem>>, vector<16xi32>,
          %get3A_212 = vector.shape_cast %get3A_211 : vector<16xi32> to vector<16xi32>
          %get3A_213 = arith.index_cast %add3A_209 : i32 to index
          %get3A_214 = tpu.vector_load %arg7[%get3A_213] {strides = array<i32>} : memref<6400xi32, #tpu.memory_space<vmem>>, vector<16xi32>,
          %get3A_215 = vector.shape_cast %get3A_214 : vector<16xi32> to vector<16xi32>
          %min3A_216 = arith.constant 6 : i32
          %min3A_217 = vector.broadcast %min3A_216 : i32 to vector<16xi32>
          %min3A_218 = arith.minsi %get3A_215, %min3A_217 : vector<16xi32>
          %mul3A_219 = arith.constant 288 : i32
          %mul3A_220 = vector.broadcast %mul3A_219 : i32 to vector<16xi32>
          %mul3A_221 = arith.muli %mul3A_220, %min3A_218 : vector<16xi32>
          %add3A_222 = arith.addi %get3A_212, %mul3A_221 : vector<16xi32>
          %add3A_223 = arith.constant 12800 : i32
          %add3A_224 = arith.addi %add3A_223, %add3A_209 : i32
          %swap3A_225 = arith.index_cast %add3A_224 : i32 to index
          %swap3A_226 = tpu.vector_load %arg8[%swap3A_225] {strides = array<i32>} : memref<25600xi32, #tpu.memory_space<vmem>>, vector<16xi32>,
          %swap3A_227 = vector.shape_cast %swap3A_226 : vector<16xi32> to vector<16xi32>
          %swap3A_228 = vector.shape_cast %add3A_222 : vector<16xi32> to vector<16xi32>
          tpu.vector_store %arg8[%swap3A_225], %swap3A_228 {strides = array<i32>} : memref<25600xi32, #tpu.memory_space<vmem>>, vector<16xi32>,
          %mul3A_229 = arith.constant 256 : i32
          %mul3A_230 = arith.muli %scan3A_116, %mul3A_229 : i32
          %add3A_231 = arith.constant 80 : i32
          %add3A_232 = arith.addi %mul3A_230, %add3A_231 : i32
          %get3A_233 = arith.index_cast %add3A_232 : i32 to index
          %get3A_234 = tpu.vector_load %arg6[%get3A_233] {strides = array<i32>} : memref<6400xi32, #tpu.memory_space<vmem>>, vector<16xi32>,
          %get3A_235 = vector.shape_cast %get3A_234 : vector<16xi32> to vector<16xi32>
          %get3A_236 = arith.index_cast %add3A_232 : i32 to index
          %get3A_237 = tpu.vector_load %arg7[%get3A_236] {strides = array<i32>} : memref<6400xi32, #tpu.memory_space<vmem>>, vector<16xi32>,
          %get3A_238 = vector.shape_cast %get3A_237 : vector<16xi32> to vector<16xi32>
          %min3A_239 = arith.constant 6 : i32
          %min3A_240 = vector.broadcast %min3A_239 : i32 to vector<16xi32>
          %min3A_241 = arith.minsi %get3A_238, %min3A_240 : vector<16xi32>
          %mul3A_242 = arith.constant 288 : i32
          %mul3A_243 = vector.broadcast %mul3A_242 : i32 to vector<16xi32>
          %mul3A_244 = arith.muli %mul3A_243, %min3A_241 : vector<16xi32>
          %add3A_245 = arith.addi %get3A_235, %mul3A_244 : vector<16xi32>
          %add3A_246 = arith.constant 12800 : i32
          %add3A_247 = arith.addi %add3A_246, %add3A_232 : i32
          %swap3A_248 = arith.index_cast %add3A_247 : i32 to index
          %swap3A_249 = tpu.vector_load %arg8[%swap3A_248] {strides = array<i32>} : memref<25600xi32, #tpu.memory_space<vmem>>, vector<16xi32>,
          %swap3A_250 = vector.shape_cast %swap3A_249 : vector<16xi32> to vector<16xi32>
          %swap3A_251 = vector.shape_cast %add3A_245 : vector<16xi32> to vector<16xi32>
          tpu.vector_store %arg8[%swap3A_248], %swap3A_251 {strides = array<i32>} : memref<25600xi32, #tpu.memory_space<vmem>>, vector<16xi32>,
          %mul3A_252 = arith.constant 256 : i32
          %mul3A_253 = arith.muli %scan3A_116, %mul3A_252 : i32
          %add3A_254 = arith.constant 96 : i32
          %add3A_255 = arith.addi %mul3A_253, %add3A_254 : i32
          %get3A_256 = arith.index_cast %add3A_255 : i32 to index
          %get3A_257 = tpu.vector_load %arg6[%get3A_256] {strides = array<i32>} : memref<6400xi32, #tpu.memory_space<vmem>>, vector<16xi32>,
          %get3A_258 = vector.shape_cast %get3A_257 : vector<16xi32> to vector<16xi32>
          %get3A_259 = arith.index_cast %add3A_255 : i32 to index
          %get3A_260 = tpu.vector_load %arg7[%get3A_259] {strides = array<i32>} : memref<6400xi32, #tpu.memory_space<vmem>>, vector<16xi32>,
          %get3A_261 = vector.shape_cast %get3A_260 : vector<16xi32> to vector<16xi32>
          %min3A_262 = arith.constant 6 : i32
          %min3A_263 = vector.broadcast %min3A_262 : i32 to vector<16xi32>
          %min3A_264 = arith.minsi %get3A_261, %min3A_263 : vector<16xi32>
          %mul3A_265 = arith.constant 288 : i32
          %mul3A_266 = vector.broadcast %mul3A_265 : i32 to vector<16xi32>
          %mul3A_267 = arith.muli %mul3A_266, %min3A_264 : vector<16xi32>
          %add3A_268 = arith.addi %get3A_258, %mul3A_267 : vector<16xi32>
          %add3A_269 = arith.constant 12800 : i32
          %add3A_270 = arith.addi %add3A_269, %add3A_255 : i32
          %swap3A_271 = arith.index_cast %add3A_270 : i32 to index
          %swap3A_272 = tpu.vector_load %arg8[%swap3A_271] {strides = array<i32>} : memref<25600xi32, #tpu.memory_space<vmem>>, vector<16xi32>,
          %swap3A_273 = vector.shape_cast %swap3A_272 : vector<16xi32> to vector<16xi32>
          %swap3A_274 = vector.shape_cast %add3A_268 : vector<16xi32> to vector<16xi32>
          tpu.vector_store %arg8[%swap3A_271], %swap3A_274 {strides = array<i32>} : memref<25600xi32, #tpu.memory_space<vmem>>, vector<16xi32>,
          %mul3A_275 = arith.constant 256 : i32
          %mul3A_276 = arith.muli %scan3A_116, %mul3A_275 : i32
          %add3A_277 = arith.constant 112 : i32
          %add3A_278 = arith.addi %mul3A_276, %add3A_277 : i32
          %get3A_279 = arith.index_cast %add3A_278 : i32 to index
          %get3A_280 = tpu.vector_load %arg6[%get3A_279] {strides = array<i32>} : memref<6400xi32, #tpu.memory_space<vmem>>, vector<16xi32>,
          %get3A_281 = vector.shape_cast %get3A_280 : vector<16xi32> to vector<16xi32>
          %get3A_282 = arith.index_cast %add3A_278 : i32 to index
          %get3A_283 = tpu.vector_load %arg7[%get3A_282] {strides = array<i32>} : memref<6400xi32, #tpu.memory_space<vmem>>, vector<16xi32>,
          %get3A_284 = vector.shape_cast %get3A_283 : vector<16xi32> to vector<16xi32>
          %min3A_285 = arith.constant 6 : i32
          %min3A_286 = vector.broadcast %min3A_285 : i32 to vector<16xi32>
          %min3A_287 = arith.minsi %get3A_284, %min3A_286 : vector<16xi32>
          %mul3A_288 = arith.constant 288 : i32
          %mul3A_289 = vector.broadcast %mul3A_288 : i32 to vector<16xi32>
          %mul3A_290 = arith.muli %mul3A_289, %min3A_287 : vector<16xi32>
          %add3A_291 = arith.addi %get3A_281, %mul3A_290 : vector<16xi32>
          %add3A_292 = arith.constant 12800 : i32
          %add3A_293 = arith.addi %add3A_292, %add3A_278 : i32
          %swap3A_294 = arith.index_cast %add3A_293 : i32 to index
          %swap3A_295 = tpu.vector_load %arg8[%swap3A_294] {strides = array<i32>} : memref<25600xi32, #tpu.memory_space<vmem>>, vector<16xi32>,
          %swap3A_296 = vector.shape_cast %swap3A_295 : vector<16xi32> to vector<16xi32>
          %swap3A_297 = vector.shape_cast %add3A_291 : vector<16xi32> to vector<16xi32>
          tpu.vector_store %arg8[%swap3A_294], %swap3A_297 {strides = array<i32>} : memref<25600xi32, #tpu.memory_space<vmem>>, vector<16xi32>,
          %mul3A_298 = arith.constant 256 : i32
          %mul3A_299 = arith.muli %scan3A_116, %mul3A_298 : i32
          %add3A_300 = arith.constant 128 : i32
          %add3A_301 = arith.addi %mul3A_299, %add3A_300 : i32
          %get3A_302 = arith.index_cast %add3A_301 : i32 to index
          %get3A_303 = tpu.vector_load %arg6[%get3A_302] {strides = array<i32>} : memref<6400xi32, #tpu.memory_space<vmem>>, vector<16xi32>,
          %get3A_304 = vector.shape_cast %get3A_303 : vector<16xi32> to vector<16xi32>
          %get3A_305 = arith.index_cast %add3A_301 : i32 to index
          %get3A_306 = tpu.vector_load %arg7[%get3A_305] {strides = array<i32>} : memref<6400xi32, #tpu.memory_space<vmem>>, vector<16xi32>,
          %get3A_307 = vector.shape_cast %get3A_306 : vector<16xi32> to vector<16xi32>
          %min3A_308 = arith.constant 6 : i32
          %min3A_309 = vector.broadcast %min3A_308 : i32 to vector<16xi32>
          %min3A_310 = arith.minsi %get3A_307, %min3A_309 : vector<16xi32>
          %mul3A_311 = arith.constant 288 : i32
          %mul3A_312 = vector.broadcast %mul3A_311 : i32 to vector<16xi32>
          %mul3A_313 = arith.muli %mul3A_312, %min3A_310 : vector<16xi32>
          %add3A_314 = arith.addi %get3A_304, %mul3A_313 : vector<16xi32>
          %add3A_315 = arith.constant 12800 : i32
          %add3A_316 = arith.addi %add3A_315, %add3A_301 : i32
          %swap3A_317 = arith.index_cast %add3A_316 : i32 to index
          %swap3A_318 = tpu.vector_load %arg8[%swap3A_317] {strides = array<i32>} : memref<25600xi32, #tpu.memory_space<vmem>>, vector<16xi32>,
          %swap3A_319 = vector.shape_cast %swap3A_318 : vector<16xi32> to vector<16xi32>
          %swap3A_320 = vector.shape_cast %add3A_314 : vector<16xi32> to vector<16xi32>
          tpu.vector_store %arg8[%swap3A_317], %swap3A_320 {strides = array<i32>} : memref<25600xi32, #tpu.memory_space<vmem>>, vector<16xi32>,
          %mul3A_321 = arith.constant 256 : i32
          %mul3A_322 = arith.muli %scan3A_116, %mul3A_321 : i32
          %add3A_323 = arith.constant 144 : i32
          %add3A_324 = arith.addi %mul3A_322, %add3A_323 : i32
          %get3A_325 = arith.index_cast %add3A_324 : i32 to index
          %get3A_326 = tpu.vector_load %arg6[%get3A_325] {strides = array<i32>} : memref<6400xi32, #tpu.memory_space<vmem>>, vector<16xi32>,
          %get3A_327 = vector.shape_cast %get3A_326 : vector<16xi32> to vector<16xi32>
          %get3A_328 = arith.index_cast %add3A_324 : i32 to index
          %get3A_329 = tpu.vector_load %arg7[%get3A_328] {strides = array<i32>} : memref<6400xi32, #tpu.memory_space<vmem>>, vector<16xi32>,
          %get3A_330 = vector.shape_cast %get3A_329 : vector<16xi32> to vector<16xi32>
          %min3A_331 = arith.constant 6 : i32
          %min3A_332 = vector.broadcast %min3A_331 : i32 to vector<16xi32>
          %min3A_333 = arith.minsi %get3A_330, %min3A_332 : vector<16xi32>
          %mul3A_334 = arith.constant 288 : i32
          %mul3A_335 = vector.broadcast %mul3A_334 : i32 to vector<16xi32>
          %mul3A_336 = arith.muli %mul3A_335, %min3A_333 : vector<16xi32>
          %add3A_337 = arith.addi %get3A_327, %mul3A_336 : vector<16xi32>
          %add3A_338 = arith.constant 12800 : i32
          %add3A_339 = arith.addi %add3A_338, %add3A_324 : i32
          %swap3A_340 = arith.index_cast %add3A_339 : i32 to index
          %swap3A_341 = tpu.vector_load %arg8[%swap3A_340] {strides = array<i32>} : memref<25600xi32, #tpu.memory_space<vmem>>, vector<16xi32>,
          %swap3A_342 = vector.shape_cast %swap3A_341 : vector<16xi32> to vector<16xi32>
          %swap3A_343 = vector.shape_cast %add3A_337 : vector<16xi32> to vector<16xi32>
          tpu.vector_store %arg8[%swap3A_340], %swap3A_343 {strides = array<i32>} : memref<25600xi32, #tpu.memory_space<vmem>>, vector<16xi32>,
          %mul3A_344 = arith.constant 256 : i32
          %mul3A_345 = arith.muli %scan3A_116, %mul3A_344 : i32
          %add3A_346 = arith.constant 160 : i32
          %add3A_347 = arith.addi %mul3A_345, %add3A_346 : i32
          %get3A_348 = arith.index_cast %add3A_347 : i32 to index
          %get3A_349 = tpu.vector_load %arg6[%get3A_348] {strides = array<i32>} : memref<6400xi32, #tpu.memory_space<vmem>>, vector<16xi32>,
          %get3A_350 = vector.shape_cast %get3A_349 : vector<16xi32> to vector<16xi32>
          %get3A_351 = arith.index_cast %add3A_347 : i32 to index
          %get3A_352 = tpu.vector_load %arg7[%get3A_351] {strides = array<i32>} : memref<6400xi32, #tpu.memory_space<vmem>>, vector<16xi32>,
          %get3A_353 = vector.shape_cast %get3A_352 : vector<16xi32> to vector<16xi32>
          %min3A_354 = arith.constant 6 : i32
          %min3A_355 = vector.broadcast %min3A_354 : i32 to vector<16xi32>
          %min3A_356 = arith.minsi %get3A_353, %min3A_355 : vector<16xi32>
          %mul3A_357 = arith.constant 288 : i32
          %mul3A_358 = vector.broadcast %mul3A_357 : i32 to vector<16xi32>
          %mul3A_359 = arith.muli %mul3A_358, %min3A_356 : vector<16xi32>
          %add3A_360 = arith.addi %get3A_350, %mul3A_359 : vector<16xi32>
          %add3A_361 = arith.constant 12800 : i32
          %add3A_362 = arith.addi %add3A_361, %add3A_347 : i32
          %swap3A_363 = arith.index_cast %add3A_362 : i32 to index
          %swap3A_364 = tpu.vector_load %arg8[%swap3A_363] {strides = array<i32>} : memref<25600xi32, #tpu.memory_space<vmem>>, vector<16xi32>,
          %swap3A_365 = vector.shape_cast %swap3A_364 : vector<16xi32> to vector<16xi32>
          %swap3A_366 = vector.shape_cast %add3A_360 : vector<16xi32> to vector<16xi32>
          tpu.vector_store %arg8[%swap3A_363], %swap3A_366 {strides = array<i32>} : memref<25600xi32, #tpu.memory_space<vmem>>, vector<16xi32>,
          %mul3A_367 = arith.constant 256 : i32
          %mul3A_368 = arith.muli %scan3A_116, %mul3A_367 : i32
          %add3A_369 = arith.constant 176 : i32
          %add3A_370 = arith.addi %mul3A_368, %add3A_369 : i32
          %get3A_371 = arith.index_cast %add3A_370 : i32 to index
          %get3A_372 = tpu.vector_load %arg6[%get3A_371] {strides = array<i32>} : memref<6400xi32, #tpu.memory_space<vmem>>, vector<16xi32>,
          %get3A_373 = vector.shape_cast %get3A_372 : vector<16xi32> to vector<16xi32>
          %get3A_374 = arith.index_cast %add3A_370 : i32 to index
          %get3A_375 = tpu.vector_load %arg7[%get3A_374] {strides = array<i32>} : memref<6400xi32, #tpu.memory_space<vmem>>, vector<16xi32>,
          %get3A_376 = vector.shape_cast %get3A_375 : vector<16xi32> to vector<16xi32>
          %min3A_377 = arith.constant 6 : i32
          %min3A_378 = vector.broadcast %min3A_377 : i32 to vector<16xi32>
          %min3A_379 = arith.minsi %get3A_376, %min3A_378 : vector<16xi32>
          %mul3A_380 = arith.constant 288 : i32
          %mul3A_381 = vector.broadcast %mul3A_380 : i32 to vector<16xi32>
          %mul3A_382 = arith.muli %mul3A_381, %min3A_379 : vector<16xi32>
          %add3A_383 = arith.addi %get3A_373, %mul3A_382 : vector<16xi32>
          %add3A_384 = arith.constant 12800 : i32
          %add3A_385 = arith.addi %add3A_384, %add3A_370 : i32
          %swap3A_386 = arith.index_cast %add3A_385 : i32 to index
          %swap3A_387 = tpu.vector_load %arg8[%swap3A_386] {strides = array<i32>} : memref<25600xi32, #tpu.memory_space<vmem>>, vector<16xi32>,
          %swap3A_388 = vector.shape_cast %swap3A_387 : vector<16xi32> to vector<16xi32>
          %swap3A_389 = vector.shape_cast %add3A_383 : vector<16xi32> to vector<16xi32>
          tpu.vector_store %arg8[%swap3A_386], %swap3A_389 {strides = array<i32>} : memref<25600xi32, #tpu.memory_space<vmem>>, vector<16xi32>,
          %mul3A_390 = arith.constant 256 : i32
          %mul3A_391 = arith.muli %scan3A_116, %mul3A_390 : i32
          %add3A_392 = arith.constant 192 : i32
          %add3A_393 = arith.addi %mul3A_391, %add3A_392 : i32
          %get3A_394 = arith.index_cast %add3A_393 : i32 to index
          %get3A_395 = tpu.vector_load %arg6[%get3A_394] {strides = array<i32>} : memref<6400xi32, #tpu.memory_space<vmem>>, vector<16xi32>,
          %get3A_396 = vector.shape_cast %get3A_395 : vector<16xi32> to vector<16xi32>
          %get3A_397 = arith.index_cast %add3A_393 : i32 to index
          %get3A_398 = tpu.vector_load %arg7[%get3A_397] {strides = array<i32>} : memref<6400xi32, #tpu.memory_space<vmem>>, vector<16xi32>,
          %get3A_399 = vector.shape_cast %get3A_398 : vector<16xi32> to vector<16xi32>
          %min3A_400 = arith.constant 6 : i32
          %min3A_401 = vector.broadcast %min3A_400 : i32 to vector<16xi32>
          %min3A_402 = arith.minsi %get3A_399, %min3A_401 : vector<16xi32>
          %mul3A_403 = arith.constant 288 : i32
          %mul3A_404 = vector.broadcast %mul3A_403 : i32 to vector<16xi32>
          %mul3A_405 = arith.muli %mul3A_404, %min3A_402 : vector<16xi32>
          %add3A_406 = arith.addi %get3A_396, %mul3A_405 : vector<16xi32>
          %add3A_407 = arith.constant 12800 : i32
          %add3A_408 = arith.addi %add3A_407, %add3A_393 : i32
          %swap3A_409 = arith.index_cast %add3A_408 : i32 to index
          %swap3A_410 = tpu.vector_load %arg8[%swap3A_409] {strides = array<i32>} : memref<25600xi32, #tpu.memory_space<vmem>>, vector<16xi32>,
          %swap3A_411 = vector.shape_cast %swap3A_410 : vector<16xi32> to vector<16xi32>
          %swap3A_412 = vector.shape_cast %add3A_406 : vector<16xi32> to vector<16xi32>
          tpu.vector_store %arg8[%swap3A_409], %swap3A_412 {strides = array<i32>} : memref<25600xi32, #tpu.memory_space<vmem>>, vector<16xi32>,
          %mul3A_413 = arith.constant 256 : i32
          %mul3A_414 = arith.muli %scan3A_116, %mul3A_413 : i32
          %add3A_415 = arith.constant 208 : i32
          %add3A_416 = arith.addi %mul3A_414, %add3A_415 : i32
          %get3A_417 = arith.index_cast %add3A_416 : i32 to index
          %get3A_418 = tpu.vector_load %arg6[%get3A_417] {strides = array<i32>} : memref<6400xi32, #tpu.memory_space<vmem>>, vector<16xi32>,
          %get3A_419 = vector.shape_cast %get3A_418 : vector<16xi32> to vector<16xi32>
          %get3A_420 = arith.index_cast %add3A_416 : i32 to index
          %get3A_421 = tpu.vector_load %arg7[%get3A_420] {strides = array<i32>} : memref<6400xi32, #tpu.memory_space<vmem>>, vector<16xi32>,
          %get3A_422 = vector.shape_cast %get3A_421 : vector<16xi32> to vector<16xi32>
          %min3A_423 = arith.constant 6 : i32
          %min3A_424 = vector.broadcast %min3A_423 : i32 to vector<16xi32>
          %min3A_425 = arith.minsi %get3A_422, %min3A_424 : vector<16xi32>
          %mul3A_426 = arith.constant 288 : i32
          %mul3A_427 = vector.broadcast %mul3A_426 : i32 to vector<16xi32>
          %mul3A_428 = arith.muli %mul3A_427, %min3A_425 : vector<16xi32>
          %add3A_429 = arith.addi %get3A_419, %mul3A_428 : vector<16xi32>
          %add3A_430 = arith.constant 12800 : i32
          %add3A_431 = arith.addi %add3A_430, %add3A_416 : i32
          %swap3A_432 = arith.index_cast %add3A_431 : i32 to index
          %swap3A_433 = tpu.vector_load %arg8[%swap3A_432] {strides = array<i32>} : memref<25600xi32, #tpu.memory_space<vmem>>, vector<16xi32>,
          %swap3A_434 = vector.shape_cast %swap3A_433 : vector<16xi32> to vector<16xi32>
          %swap3A_435 = vector.shape_cast %add3A_429 : vector<16xi32> to vector<16xi32>
          tpu.vector_store %arg8[%swap3A_432], %swap3A_435 {strides = array<i32>} : memref<25600xi32, #tpu.memory_space<vmem>>, vector<16xi32>,
          %mul3A_436 = arith.constant 256 : i32
          %mul3A_437 = arith.muli %scan3A_116, %mul3A_436 : i32
          %add3A_438 = arith.constant 224 : i32
          %add3A_439 = arith.addi %mul3A_437, %add3A_438 : i32
          %get3A_440 = arith.index_cast %add3A_439 : i32 to index
          %get3A_441 = tpu.vector_load %arg6[%get3A_440] {strides = array<i32>} : memref<6400xi32, #tpu.memory_space<vmem>>, vector<16xi32>,
          %get3A_442 = vector.shape_cast %get3A_441 : vector<16xi32> to vector<16xi32>
          %get3A_443 = arith.index_cast %add3A_439 : i32 to index
          %get3A_444 = tpu.vector_load %arg7[%get3A_443] {strides = array<i32>} : memref<6400xi32, #tpu.memory_space<vmem>>, vector<16xi32>,
          %get3A_445 = vector.shape_cast %get3A_444 : vector<16xi32> to vector<16xi32>
          %min3A_446 = arith.constant 6 : i32
          %min3A_447 = vector.broadcast %min3A_446 : i32 to vector<16xi32>
          %min3A_448 = arith.minsi %get3A_445, %min3A_447 : vector<16xi32>
          %mul3A_449 = arith.constant 288 : i32
          %mul3A_450 = vector.broadcast %mul3A_449 : i32 to vector<16xi32>
          %mul3A_451 = arith.muli %mul3A_450, %min3A_448 : vector<16xi32>
          %add3A_452 = arith.addi %get3A_442, %mul3A_451 : vector<16xi32>
          %add3A_453 = arith.constant 12800 : i32
          %add3A_454 = arith.addi %add3A_453, %add3A_439 : i32
          %swap3A_455 = arith.index_cast %add3A_454 : i32 to index
          %swap3A_456 = tpu.vector_load %arg8[%swap3A_455] {strides = array<i32>} : memref<25600xi32, #tpu.memory_space<vmem>>, vector<16xi32>,
          %swap3A_457 = vector.shape_cast %swap3A_456 : vector<16xi32> to vector<16xi32>
          %swap3A_458 = vector.shape_cast %add3A_452 : vector<16xi32> to vector<16xi32>
          tpu.vector_store %arg8[%swap3A_455], %swap3A_458 {strides = array<i32>} : memref<25600xi32, #tpu.memory_space<vmem>>, vector<16xi32>,
          %mul3A_459 = arith.constant 256 : i32
          %mul3A_460 = arith.muli %scan3A_116, %mul3A_459 : i32
          %add3A_461 = arith.constant 240 : i32
          %add3A_462 = arith.addi %mul3A_460, %add3A_461 : i32
          %get3A_463 = arith.index_cast %add3A_462 : i32 to index
          %get3A_464 = tpu.vector_load %arg6[%get3A_463] {strides = array<i32>} : memref<6400xi32, #tpu.memory_space<vmem>>, vector<16xi32>,
          %get3A_465 = vector.shape_cast %get3A_464 : vector<16xi32> to vector<16xi32>
          %get3A_466 = arith.index_cast %add3A_462 : i32 to index
          %get3A_467 = tpu.vector_load %arg7[%get3A_466] {strides = array<i32>} : memref<6400xi32, #tpu.memory_space<vmem>>, vector<16xi32>,
          %get3A_468 = vector.shape_cast %get3A_467 : vector<16xi32> to vector<16xi32>
          %min3A_469 = arith.constant 6 : i32
          %min3A_470 = vector.broadcast %min3A_469 : i32 to vector<16xi32>
          %min3A_471 = arith.minsi %get3A_468, %min3A_470 : vector<16xi32>
          %mul3A_472 = arith.constant 288 : i32
          %mul3A_473 = vector.broadcast %mul3A_472 : i32 to vector<16xi32>
          %mul3A_474 = arith.muli %mul3A_473, %min3A_471 : vector<16xi32>
          %add3A_475 = arith.addi %get3A_465, %mul3A_474 : vector<16xi32>
          %add3A_476 = arith.constant 12800 : i32
          %add3A_477 = arith.addi %add3A_476, %add3A_462 : i32
          %swap3A_478 = arith.index_cast %add3A_477 : i32 to index
          %swap3A_479 = tpu.vector_load %arg8[%swap3A_478] {strides = array<i32>} : memref<25600xi32, #tpu.memory_space<vmem>>, vector<16xi32>,
          %swap3A_480 = vector.shape_cast %swap3A_479 : vector<16xi32> to vector<16xi32>
          %swap3A_481 = vector.shape_cast %add3A_475 : vector<16xi32> to vector<16xi32>
          tpu.vector_store %arg8[%swap3A_478], %swap3A_481 {strides = array<i32>} : memref<25600xi32, #tpu.memory_space<vmem>>, vector<16xi32>,
        }
        %scan3A_115 = arith.constant 25 : i32
      } else {
      }
      %eq3A_67 = arith.constant 42 : i32
      %eq3A_68 = arith.cmpi eq, %scan3A_45, %eq3A_67 : i32
      %convert_element_type3A_69 = arith.extui %eq3A_68 : i1 to i32
      %cond3A_70 = arith.constant 0 : i32
      %cond3A_71 = arith.cmpi ne, %convert_element_type3A_69, %cond3A_70 : i32
      scf.if %cond3A_71 {
        %add3A_106 = arith.constant 19200 : i32
        %add3A_107 = arith.addi %mul3A_2, %add3A_106 : i32
        "tpu.region"() ({
          %run_scoped3A = tpu.sem_alloc : memref<!tpu.dma_semaphore, #tpu.memory_space<semaphore_mem>>
          %dma_start3A_116 = tpu.memref_slice %arg2[%add3A_107] : memref<819200xi32, #tpu.memory_space<hbm>> -> memref<6400xi32, #tpu.memory_space<hbm>>
          %dma_start3A_117 = tpu.memref_slice %arg2[%add3A_107] : memref<819200xi32, #tpu.memory_space<hbm>> -> memref<6400xi32, #tpu.memory_space<hbm>>
          tpu.enqueue_dma source(%dma_start3A_117 : memref<6400xi32, #tpu.memory_space<hbm>>) target(%arg6 : memref<6400xi32, #tpu.memory_space<vmem>>) target_semaphore(%run_scoped3A : memref<!tpu.dma_semaphore, #tpu.memory_space<semaphore_mem>>)
          %dma_wait3A_118 = tpu.memref_slice %arg2[%add3A_107] : memref<819200xi32, #tpu.memory_space<hbm>> -> memref<6400xi32, #tpu.memory_space<hbm>>
          %dma_wait3A_119 = tpu.memref_slice %arg2[%add3A_107] : memref<819200xi32, #tpu.memory_space<hbm>> -> memref<6400xi32, #tpu.memory_space<hbm>>
          tpu.wait_dma2 semaphore(%run_scoped3A : memref<!tpu.dma_semaphore, #tpu.memory_space<semaphore_mem>>) src(%dma_wait3A_119 : memref<6400xi32, #tpu.memory_space<hbm>>) dst(%arg6 : memref<6400xi32, #tpu.memory_space<vmem>>)
          tpu.yield
        }) : () -> ()
        %add3A_108 = arith.constant 19200 : i32
        %add3A_109 = arith.addi %mul3A_2, %add3A_108 : i32
        "tpu.region"() ({
          %run_scoped3A = tpu.sem_alloc : memref<!tpu.dma_semaphore, #tpu.memory_space<semaphore_mem>>
          %dma_start3A_116 = tpu.memref_slice %arg3[%add3A_109] : memref<819200xi32, #tpu.memory_space<hbm>> -> memref<6400xi32, #tpu.memory_space<hbm>>
          %dma_start3A_117 = tpu.memref_slice %arg3[%add3A_109] : memref<819200xi32, #tpu.memory_space<hbm>> -> memref<6400xi32, #tpu.memory_space<hbm>>
          tpu.enqueue_dma source(%dma_start3A_117 : memref<6400xi32, #tpu.memory_space<hbm>>) target(%arg7 : memref<6400xi32, #tpu.memory_space<vmem>>) target_semaphore(%run_scoped3A : memref<!tpu.dma_semaphore, #tpu.memory_space<semaphore_mem>>)
          %dma_wait3A_118 = tpu.memref_slice %arg3[%add3A_109] : memref<819200xi32, #tpu.memory_space<hbm>> -> memref<6400xi32, #tpu.memory_space<hbm>>
          %dma_wait3A_119 = tpu.memref_slice %arg3[%add3A_109] : memref<819200xi32, #tpu.memory_space<hbm>> -> memref<6400xi32, #tpu.memory_space<hbm>>
          tpu.wait_dma2 semaphore(%run_scoped3A : memref<!tpu.dma_semaphore, #tpu.memory_space<semaphore_mem>>) src(%dma_wait3A_119 : memref<6400xi32, #tpu.memory_space<hbm>>) dst(%arg7 : memref<6400xi32, #tpu.memory_space<vmem>>)
          tpu.yield
        }) : () -> ()
        %scan3A_110 = arith.constant 0 : i32
        %scan3A_111 = arith.constant 0 : i32
        %scan3A_112 = arith.constant 25 : i32
        %scan3A_113 = arith.addi %scan3A_111, %scan3A_112 : i32
        %scan3A_114 = arith.constant 1 : i32
        scf.for %scan3A_116 = %scan3A_111 to %scan3A_113 step %scan3A_114  : i32 {
          %mul3A_117 = arith.constant 256 : i32
          %mul3A_118 = arith.muli %scan3A_116, %mul3A_117 : i32
          %add3A_119 = arith.constant 0 : i32
          %add3A_120 = arith.addi %mul3A_118, %add3A_119 : i32
          %get3A = arith.index_cast %add3A_120 : i32 to index
          %get3A_121 = tpu.vector_load %arg6[%get3A] {strides = array<i32>} : memref<6400xi32, #tpu.memory_space<vmem>>, vector<16xi32>,
          %get3A_122 = vector.shape_cast %get3A_121 : vector<16xi32> to vector<16xi32>
          %get3A_123 = arith.index_cast %add3A_120 : i32 to index
          %get3A_124 = tpu.vector_load %arg7[%get3A_123] {strides = array<i32>} : memref<6400xi32, #tpu.memory_space<vmem>>, vector<16xi32>,
          %get3A_125 = vector.shape_cast %get3A_124 : vector<16xi32> to vector<16xi32>
          %min3A = arith.constant 6 : i32
          %min3A_126 = vector.broadcast %min3A : i32 to vector<16xi32>
          %min3A_127 = arith.minsi %get3A_125, %min3A_126 : vector<16xi32>
          %mul3A_128 = arith.constant 288 : i32
          %mul3A_129 = vector.broadcast %mul3A_128 : i32 to vector<16xi32>
          %mul3A_130 = arith.muli %mul3A_129, %min3A_127 : vector<16xi32>
          %add3A_131 = arith.addi %get3A_122, %mul3A_130 : vector<16xi32>
          %add3A_132 = arith.constant 19200 : i32
          %add3A_133 = arith.addi %add3A_132, %add3A_120 : i32
          %swap3A = arith.index_cast %add3A_133 : i32 to index
          %swap3A_134 = tpu.vector_load %arg8[%swap3A] {strides = array<i32>} : memref<25600xi32, #tpu.memory_space<vmem>>, vector<16xi32>,
          %swap3A_135 = vector.shape_cast %swap3A_134 : vector<16xi32> to vector<16xi32>
          %swap3A_136 = vector.shape_cast %add3A_131 : vector<16xi32> to vector<16xi32>
          tpu.vector_store %arg8[%swap3A], %swap3A_136 {strides = array<i32>} : memref<25600xi32, #tpu.memory_space<vmem>>, vector<16xi32>,
          %mul3A_137 = arith.constant 256 : i32
          %mul3A_138 = arith.muli %scan3A_116, %mul3A_137 : i32
          %add3A_139 = arith.constant 16 : i32
          %add3A_140 = arith.addi %mul3A_138, %add3A_139 : i32
          %get3A_141 = arith.index_cast %add3A_140 : i32 to index
          %get3A_142 = tpu.vector_load %arg6[%get3A_141] {strides = array<i32>} : memref<6400xi32, #tpu.memory_space<vmem>>, vector<16xi32>,
          %get3A_143 = vector.shape_cast %get3A_142 : vector<16xi32> to vector<16xi32>
          %get3A_144 = arith.index_cast %add3A_140 : i32 to index
          %get3A_145 = tpu.vector_load %arg7[%get3A_144] {strides = array<i32>} : memref<6400xi32, #tpu.memory_space<vmem>>, vector<16xi32>,
          %get3A_146 = vector.shape_cast %get3A_145 : vector<16xi32> to vector<16xi32>
          %min3A_147 = arith.constant 6 : i32
          %min3A_148 = vector.broadcast %min3A_147 : i32 to vector<16xi32>
          %min3A_149 = arith.minsi %get3A_146, %min3A_148 : vector<16xi32>
          %mul3A_150 = arith.constant 288 : i32
          %mul3A_151 = vector.broadcast %mul3A_150 : i32 to vector<16xi32>
          %mul3A_152 = arith.muli %mul3A_151, %min3A_149 : vector<16xi32>
          %add3A_153 = arith.addi %get3A_143, %mul3A_152 : vector<16xi32>
          %add3A_154 = arith.constant 19200 : i32
          %add3A_155 = arith.addi %add3A_154, %add3A_140 : i32
          %swap3A_156 = arith.index_cast %add3A_155 : i32 to index
          %swap3A_157 = tpu.vector_load %arg8[%swap3A_156] {strides = array<i32>} : memref<25600xi32, #tpu.memory_space<vmem>>, vector<16xi32>,
          %swap3A_158 = vector.shape_cast %swap3A_157 : vector<16xi32> to vector<16xi32>
          %swap3A_159 = vector.shape_cast %add3A_153 : vector<16xi32> to vector<16xi32>
          tpu.vector_store %arg8[%swap3A_156], %swap3A_159 {strides = array<i32>} : memref<25600xi32, #tpu.memory_space<vmem>>, vector<16xi32>,
          %mul3A_160 = arith.constant 256 : i32
          %mul3A_161 = arith.muli %scan3A_116, %mul3A_160 : i32
          %add3A_162 = arith.constant 32 : i32
          %add3A_163 = arith.addi %mul3A_161, %add3A_162 : i32
          %get3A_164 = arith.index_cast %add3A_163 : i32 to index
          %get3A_165 = tpu.vector_load %arg6[%get3A_164] {strides = array<i32>} : memref<6400xi32, #tpu.memory_space<vmem>>, vector<16xi32>,
          %get3A_166 = vector.shape_cast %get3A_165 : vector<16xi32> to vector<16xi32>
          %get3A_167 = arith.index_cast %add3A_163 : i32 to index
          %get3A_168 = tpu.vector_load %arg7[%get3A_167] {strides = array<i32>} : memref<6400xi32, #tpu.memory_space<vmem>>, vector<16xi32>,
          %get3A_169 = vector.shape_cast %get3A_168 : vector<16xi32> to vector<16xi32>
          %min3A_170 = arith.constant 6 : i32
          %min3A_171 = vector.broadcast %min3A_170 : i32 to vector<16xi32>
          %min3A_172 = arith.minsi %get3A_169, %min3A_171 : vector<16xi32>
          %mul3A_173 = arith.constant 288 : i32
          %mul3A_174 = vector.broadcast %mul3A_173 : i32 to vector<16xi32>
          %mul3A_175 = arith.muli %mul3A_174, %min3A_172 : vector<16xi32>
          %add3A_176 = arith.addi %get3A_166, %mul3A_175 : vector<16xi32>
          %add3A_177 = arith.constant 19200 : i32
          %add3A_178 = arith.addi %add3A_177, %add3A_163 : i32
          %swap3A_179 = arith.index_cast %add3A_178 : i32 to index
          %swap3A_180 = tpu.vector_load %arg8[%swap3A_179] {strides = array<i32>} : memref<25600xi32, #tpu.memory_space<vmem>>, vector<16xi32>,
          %swap3A_181 = vector.shape_cast %swap3A_180 : vector<16xi32> to vector<16xi32>
          %swap3A_182 = vector.shape_cast %add3A_176 : vector<16xi32> to vector<16xi32>
          tpu.vector_store %arg8[%swap3A_179], %swap3A_182 {strides = array<i32>} : memref<25600xi32, #tpu.memory_space<vmem>>, vector<16xi32>,
          %mul3A_183 = arith.constant 256 : i32
          %mul3A_184 = arith.muli %scan3A_116, %mul3A_183 : i32
          %add3A_185 = arith.constant 48 : i32
          %add3A_186 = arith.addi %mul3A_184, %add3A_185 : i32
          %get3A_187 = arith.index_cast %add3A_186 : i32 to index
          %get3A_188 = tpu.vector_load %arg6[%get3A_187] {strides = array<i32>} : memref<6400xi32, #tpu.memory_space<vmem>>, vector<16xi32>,
          %get3A_189 = vector.shape_cast %get3A_188 : vector<16xi32> to vector<16xi32>
          %get3A_190 = arith.index_cast %add3A_186 : i32 to index
          %get3A_191 = tpu.vector_load %arg7[%get3A_190] {strides = array<i32>} : memref<6400xi32, #tpu.memory_space<vmem>>, vector<16xi32>,
          %get3A_192 = vector.shape_cast %get3A_191 : vector<16xi32> to vector<16xi32>
          %min3A_193 = arith.constant 6 : i32
          %min3A_194 = vector.broadcast %min3A_193 : i32 to vector<16xi32>
          %min3A_195 = arith.minsi %get3A_192, %min3A_194 : vector<16xi32>
          %mul3A_196 = arith.constant 288 : i32
          %mul3A_197 = vector.broadcast %mul3A_196 : i32 to vector<16xi32>
          %mul3A_198 = arith.muli %mul3A_197, %min3A_195 : vector<16xi32>
          %add3A_199 = arith.addi %get3A_189, %mul3A_198 : vector<16xi32>
          %add3A_200 = arith.constant 19200 : i32
          %add3A_201 = arith.addi %add3A_200, %add3A_186 : i32
          %swap3A_202 = arith.index_cast %add3A_201 : i32 to index
          %swap3A_203 = tpu.vector_load %arg8[%swap3A_202] {strides = array<i32>} : memref<25600xi32, #tpu.memory_space<vmem>>, vector<16xi32>,
          %swap3A_204 = vector.shape_cast %swap3A_203 : vector<16xi32> to vector<16xi32>
          %swap3A_205 = vector.shape_cast %add3A_199 : vector<16xi32> to vector<16xi32>
          tpu.vector_store %arg8[%swap3A_202], %swap3A_205 {strides = array<i32>} : memref<25600xi32, #tpu.memory_space<vmem>>, vector<16xi32>,
          %mul3A_206 = arith.constant 256 : i32
          %mul3A_207 = arith.muli %scan3A_116, %mul3A_206 : i32
          %add3A_208 = arith.constant 64 : i32
          %add3A_209 = arith.addi %mul3A_207, %add3A_208 : i32
          %get3A_210 = arith.index_cast %add3A_209 : i32 to index
          %get3A_211 = tpu.vector_load %arg6[%get3A_210] {strides = array<i32>} : memref<6400xi32, #tpu.memory_space<vmem>>, vector<16xi32>,
          %get3A_212 = vector.shape_cast %get3A_211 : vector<16xi32> to vector<16xi32>
          %get3A_213 = arith.index_cast %add3A_209 : i32 to index
          %get3A_214 = tpu.vector_load %arg7[%get3A_213] {strides = array<i32>} : memref<6400xi32, #tpu.memory_space<vmem>>, vector<16xi32>,
          %get3A_215 = vector.shape_cast %get3A_214 : vector<16xi32> to vector<16xi32>
          %min3A_216 = arith.constant 6 : i32
          %min3A_217 = vector.broadcast %min3A_216 : i32 to vector<16xi32>
          %min3A_218 = arith.minsi %get3A_215, %min3A_217 : vector<16xi32>
          %mul3A_219 = arith.constant 288 : i32
          %mul3A_220 = vector.broadcast %mul3A_219 : i32 to vector<16xi32>
          %mul3A_221 = arith.muli %mul3A_220, %min3A_218 : vector<16xi32>
          %add3A_222 = arith.addi %get3A_212, %mul3A_221 : vector<16xi32>
          %add3A_223 = arith.constant 19200 : i32
          %add3A_224 = arith.addi %add3A_223, %add3A_209 : i32
          %swap3A_225 = arith.index_cast %add3A_224 : i32 to index
          %swap3A_226 = tpu.vector_load %arg8[%swap3A_225] {strides = array<i32>} : memref<25600xi32, #tpu.memory_space<vmem>>, vector<16xi32>,
          %swap3A_227 = vector.shape_cast %swap3A_226 : vector<16xi32> to vector<16xi32>
          %swap3A_228 = vector.shape_cast %add3A_222 : vector<16xi32> to vector<16xi32>
          tpu.vector_store %arg8[%swap3A_225], %swap3A_228 {strides = array<i32>} : memref<25600xi32, #tpu.memory_space<vmem>>, vector<16xi32>,
          %mul3A_229 = arith.constant 256 : i32
          %mul3A_230 = arith.muli %scan3A_116, %mul3A_229 : i32
          %add3A_231 = arith.constant 80 : i32
          %add3A_232 = arith.addi %mul3A_230, %add3A_231 : i32
          %get3A_233 = arith.index_cast %add3A_232 : i32 to index
          %get3A_234 = tpu.vector_load %arg6[%get3A_233] {strides = array<i32>} : memref<6400xi32, #tpu.memory_space<vmem>>, vector<16xi32>,
          %get3A_235 = vector.shape_cast %get3A_234 : vector<16xi32> to vector<16xi32>
          %get3A_236 = arith.index_cast %add3A_232 : i32 to index
          %get3A_237 = tpu.vector_load %arg7[%get3A_236] {strides = array<i32>} : memref<6400xi32, #tpu.memory_space<vmem>>, vector<16xi32>,
          %get3A_238 = vector.shape_cast %get3A_237 : vector<16xi32> to vector<16xi32>
          %min3A_239 = arith.constant 6 : i32
          %min3A_240 = vector.broadcast %min3A_239 : i32 to vector<16xi32>
          %min3A_241 = arith.minsi %get3A_238, %min3A_240 : vector<16xi32>
          %mul3A_242 = arith.constant 288 : i32
          %mul3A_243 = vector.broadcast %mul3A_242 : i32 to vector<16xi32>
          %mul3A_244 = arith.muli %mul3A_243, %min3A_241 : vector<16xi32>
          %add3A_245 = arith.addi %get3A_235, %mul3A_244 : vector<16xi32>
          %add3A_246 = arith.constant 19200 : i32
          %add3A_247 = arith.addi %add3A_246, %add3A_232 : i32
          %swap3A_248 = arith.index_cast %add3A_247 : i32 to index
          %swap3A_249 = tpu.vector_load %arg8[%swap3A_248] {strides = array<i32>} : memref<25600xi32, #tpu.memory_space<vmem>>, vector<16xi32>,
          %swap3A_250 = vector.shape_cast %swap3A_249 : vector<16xi32> to vector<16xi32>
          %swap3A_251 = vector.shape_cast %add3A_245 : vector<16xi32> to vector<16xi32>
          tpu.vector_store %arg8[%swap3A_248], %swap3A_251 {strides = array<i32>} : memref<25600xi32, #tpu.memory_space<vmem>>, vector<16xi32>,
          %mul3A_252 = arith.constant 256 : i32
          %mul3A_253 = arith.muli %scan3A_116, %mul3A_252 : i32
          %add3A_254 = arith.constant 96 : i32
          %add3A_255 = arith.addi %mul3A_253, %add3A_254 : i32
          %get3A_256 = arith.index_cast %add3A_255 : i32 to index
          %get3A_257 = tpu.vector_load %arg6[%get3A_256] {strides = array<i32>} : memref<6400xi32, #tpu.memory_space<vmem>>, vector<16xi32>,
          %get3A_258 = vector.shape_cast %get3A_257 : vector<16xi32> to vector<16xi32>
          %get3A_259 = arith.index_cast %add3A_255 : i32 to index
          %get3A_260 = tpu.vector_load %arg7[%get3A_259] {strides = array<i32>} : memref<6400xi32, #tpu.memory_space<vmem>>, vector<16xi32>,
          %get3A_261 = vector.shape_cast %get3A_260 : vector<16xi32> to vector<16xi32>
          %min3A_262 = arith.constant 6 : i32
          %min3A_263 = vector.broadcast %min3A_262 : i32 to vector<16xi32>
          %min3A_264 = arith.minsi %get3A_261, %min3A_263 : vector<16xi32>
          %mul3A_265 = arith.constant 288 : i32
          %mul3A_266 = vector.broadcast %mul3A_265 : i32 to vector<16xi32>
          %mul3A_267 = arith.muli %mul3A_266, %min3A_264 : vector<16xi32>
          %add3A_268 = arith.addi %get3A_258, %mul3A_267 : vector<16xi32>
          %add3A_269 = arith.constant 19200 : i32
          %add3A_270 = arith.addi %add3A_269, %add3A_255 : i32
          %swap3A_271 = arith.index_cast %add3A_270 : i32 to index
          %swap3A_272 = tpu.vector_load %arg8[%swap3A_271] {strides = array<i32>} : memref<25600xi32, #tpu.memory_space<vmem>>, vector<16xi32>,
          %swap3A_273 = vector.shape_cast %swap3A_272 : vector<16xi32> to vector<16xi32>
          %swap3A_274 = vector.shape_cast %add3A_268 : vector<16xi32> to vector<16xi32>
          tpu.vector_store %arg8[%swap3A_271], %swap3A_274 {strides = array<i32>} : memref<25600xi32, #tpu.memory_space<vmem>>, vector<16xi32>,
          %mul3A_275 = arith.constant 256 : i32
          %mul3A_276 = arith.muli %scan3A_116, %mul3A_275 : i32
          %add3A_277 = arith.constant 112 : i32
          %add3A_278 = arith.addi %mul3A_276, %add3A_277 : i32
          %get3A_279 = arith.index_cast %add3A_278 : i32 to index
          %get3A_280 = tpu.vector_load %arg6[%get3A_279] {strides = array<i32>} : memref<6400xi32, #tpu.memory_space<vmem>>, vector<16xi32>,
          %get3A_281 = vector.shape_cast %get3A_280 : vector<16xi32> to vector<16xi32>
          %get3A_282 = arith.index_cast %add3A_278 : i32 to index
          %get3A_283 = tpu.vector_load %arg7[%get3A_282] {strides = array<i32>} : memref<6400xi32, #tpu.memory_space<vmem>>, vector<16xi32>,
          %get3A_284 = vector.shape_cast %get3A_283 : vector<16xi32> to vector<16xi32>
          %min3A_285 = arith.constant 6 : i32
          %min3A_286 = vector.broadcast %min3A_285 : i32 to vector<16xi32>
          %min3A_287 = arith.minsi %get3A_284, %min3A_286 : vector<16xi32>
          %mul3A_288 = arith.constant 288 : i32
          %mul3A_289 = vector.broadcast %mul3A_288 : i32 to vector<16xi32>
          %mul3A_290 = arith.muli %mul3A_289, %min3A_287 : vector<16xi32>
          %add3A_291 = arith.addi %get3A_281, %mul3A_290 : vector<16xi32>
          %add3A_292 = arith.constant 19200 : i32
          %add3A_293 = arith.addi %add3A_292, %add3A_278 : i32
          %swap3A_294 = arith.index_cast %add3A_293 : i32 to index
          %swap3A_295 = tpu.vector_load %arg8[%swap3A_294] {strides = array<i32>} : memref<25600xi32, #tpu.memory_space<vmem>>, vector<16xi32>,
          %swap3A_296 = vector.shape_cast %swap3A_295 : vector<16xi32> to vector<16xi32>
          %swap3A_297 = vector.shape_cast %add3A_291 : vector<16xi32> to vector<16xi32>
          tpu.vector_store %arg8[%swap3A_294], %swap3A_297 {strides = array<i32>} : memref<25600xi32, #tpu.memory_space<vmem>>, vector<16xi32>,
          %mul3A_298 = arith.constant 256 : i32
          %mul3A_299 = arith.muli %scan3A_116, %mul3A_298 : i32
          %add3A_300 = arith.constant 128 : i32
          %add3A_301 = arith.addi %mul3A_299, %add3A_300 : i32
          %get3A_302 = arith.index_cast %add3A_301 : i32 to index
          %get3A_303 = tpu.vector_load %arg6[%get3A_302] {strides = array<i32>} : memref<6400xi32, #tpu.memory_space<vmem>>, vector<16xi32>,
          %get3A_304 = vector.shape_cast %get3A_303 : vector<16xi32> to vector<16xi32>
          %get3A_305 = arith.index_cast %add3A_301 : i32 to index
          %get3A_306 = tpu.vector_load %arg7[%get3A_305] {strides = array<i32>} : memref<6400xi32, #tpu.memory_space<vmem>>, vector<16xi32>,
          %get3A_307 = vector.shape_cast %get3A_306 : vector<16xi32> to vector<16xi32>
          %min3A_308 = arith.constant 6 : i32
          %min3A_309 = vector.broadcast %min3A_308 : i32 to vector<16xi32>
          %min3A_310 = arith.minsi %get3A_307, %min3A_309 : vector<16xi32>
          %mul3A_311 = arith.constant 288 : i32
          %mul3A_312 = vector.broadcast %mul3A_311 : i32 to vector<16xi32>
          %mul3A_313 = arith.muli %mul3A_312, %min3A_310 : vector<16xi32>
          %add3A_314 = arith.addi %get3A_304, %mul3A_313 : vector<16xi32>
          %add3A_315 = arith.constant 19200 : i32
          %add3A_316 = arith.addi %add3A_315, %add3A_301 : i32
          %swap3A_317 = arith.index_cast %add3A_316 : i32 to index
          %swap3A_318 = tpu.vector_load %arg8[%swap3A_317] {strides = array<i32>} : memref<25600xi32, #tpu.memory_space<vmem>>, vector<16xi32>,
          %swap3A_319 = vector.shape_cast %swap3A_318 : vector<16xi32> to vector<16xi32>
          %swap3A_320 = vector.shape_cast %add3A_314 : vector<16xi32> to vector<16xi32>
          tpu.vector_store %arg8[%swap3A_317], %swap3A_320 {strides = array<i32>} : memref<25600xi32, #tpu.memory_space<vmem>>, vector<16xi32>,
          %mul3A_321 = arith.constant 256 : i32
          %mul3A_322 = arith.muli %scan3A_116, %mul3A_321 : i32
          %add3A_323 = arith.constant 144 : i32
          %add3A_324 = arith.addi %mul3A_322, %add3A_323 : i32
          %get3A_325 = arith.index_cast %add3A_324 : i32 to index
          %get3A_326 = tpu.vector_load %arg6[%get3A_325] {strides = array<i32>} : memref<6400xi32, #tpu.memory_space<vmem>>, vector<16xi32>,
          %get3A_327 = vector.shape_cast %get3A_326 : vector<16xi32> to vector<16xi32>
          %get3A_328 = arith.index_cast %add3A_324 : i32 to index
          %get3A_329 = tpu.vector_load %arg7[%get3A_328] {strides = array<i32>} : memref<6400xi32, #tpu.memory_space<vmem>>, vector<16xi32>,
          %get3A_330 = vector.shape_cast %get3A_329 : vector<16xi32> to vector<16xi32>
          %min3A_331 = arith.constant 6 : i32
          %min3A_332 = vector.broadcast %min3A_331 : i32 to vector<16xi32>
          %min3A_333 = arith.minsi %get3A_330, %min3A_332 : vector<16xi32>
          %mul3A_334 = arith.constant 288 : i32
          %mul3A_335 = vector.broadcast %mul3A_334 : i32 to vector<16xi32>
          %mul3A_336 = arith.muli %mul3A_335, %min3A_333 : vector<16xi32>
          %add3A_337 = arith.addi %get3A_327, %mul3A_336 : vector<16xi32>
          %add3A_338 = arith.constant 19200 : i32
          %add3A_339 = arith.addi %add3A_338, %add3A_324 : i32
          %swap3A_340 = arith.index_cast %add3A_339 : i32 to index
          %swap3A_341 = tpu.vector_load %arg8[%swap3A_340] {strides = array<i32>} : memref<25600xi32, #tpu.memory_space<vmem>>, vector<16xi32>,
          %swap3A_342 = vector.shape_cast %swap3A_341 : vector<16xi32> to vector<16xi32>
          %swap3A_343 = vector.shape_cast %add3A_337 : vector<16xi32> to vector<16xi32>
          tpu.vector_store %arg8[%swap3A_340], %swap3A_343 {strides = array<i32>} : memref<25600xi32, #tpu.memory_space<vmem>>, vector<16xi32>,
          %mul3A_344 = arith.constant 256 : i32
          %mul3A_345 = arith.muli %scan3A_116, %mul3A_344 : i32
          %add3A_346 = arith.constant 160 : i32
          %add3A_347 = arith.addi %mul3A_345, %add3A_346 : i32
          %get3A_348 = arith.index_cast %add3A_347 : i32 to index
          %get3A_349 = tpu.vector_load %arg6[%get3A_348] {strides = array<i32>} : memref<6400xi32, #tpu.memory_space<vmem>>, vector<16xi32>,
          %get3A_350 = vector.shape_cast %get3A_349 : vector<16xi32> to vector<16xi32>
          %get3A_351 = arith.index_cast %add3A_347 : i32 to index
          %get3A_352 = tpu.vector_load %arg7[%get3A_351] {strides = array<i32>} : memref<6400xi32, #tpu.memory_space<vmem>>, vector<16xi32>,
          %get3A_353 = vector.shape_cast %get3A_352 : vector<16xi32> to vector<16xi32>
          %min3A_354 = arith.constant 6 : i32
          %min3A_355 = vector.broadcast %min3A_354 : i32 to vector<16xi32>
          %min3A_356 = arith.minsi %get3A_353, %min3A_355 : vector<16xi32>
          %mul3A_357 = arith.constant 288 : i32
          %mul3A_358 = vector.broadcast %mul3A_357 : i32 to vector<16xi32>
          %mul3A_359 = arith.muli %mul3A_358, %min3A_356 : vector<16xi32>
          %add3A_360 = arith.addi %get3A_350, %mul3A_359 : vector<16xi32>
          %add3A_361 = arith.constant 19200 : i32
          %add3A_362 = arith.addi %add3A_361, %add3A_347 : i32
          %swap3A_363 = arith.index_cast %add3A_362 : i32 to index
          %swap3A_364 = tpu.vector_load %arg8[%swap3A_363] {strides = array<i32>} : memref<25600xi32, #tpu.memory_space<vmem>>, vector<16xi32>,
          %swap3A_365 = vector.shape_cast %swap3A_364 : vector<16xi32> to vector<16xi32>
          %swap3A_366 = vector.shape_cast %add3A_360 : vector<16xi32> to vector<16xi32>
          tpu.vector_store %arg8[%swap3A_363], %swap3A_366 {strides = array<i32>} : memref<25600xi32, #tpu.memory_space<vmem>>, vector<16xi32>,
          %mul3A_367 = arith.constant 256 : i32
          %mul3A_368 = arith.muli %scan3A_116, %mul3A_367 : i32
          %add3A_369 = arith.constant 176 : i32
          %add3A_370 = arith.addi %mul3A_368, %add3A_369 : i32
          %get3A_371 = arith.index_cast %add3A_370 : i32 to index
          %get3A_372 = tpu.vector_load %arg6[%get3A_371] {strides = array<i32>} : memref<6400xi32, #tpu.memory_space<vmem>>, vector<16xi32>,
          %get3A_373 = vector.shape_cast %get3A_372 : vector<16xi32> to vector<16xi32>
          %get3A_374 = arith.index_cast %add3A_370 : i32 to index
          %get3A_375 = tpu.vector_load %arg7[%get3A_374] {strides = array<i32>} : memref<6400xi32, #tpu.memory_space<vmem>>, vector<16xi32>,
          %get3A_376 = vector.shape_cast %get3A_375 : vector<16xi32> to vector<16xi32>
          %min3A_377 = arith.constant 6 : i32
          %min3A_378 = vector.broadcast %min3A_377 : i32 to vector<16xi32>
          %min3A_379 = arith.minsi %get3A_376, %min3A_378 : vector<16xi32>
          %mul3A_380 = arith.constant 288 : i32
          %mul3A_381 = vector.broadcast %mul3A_380 : i32 to vector<16xi32>
          %mul3A_382 = arith.muli %mul3A_381, %min3A_379 : vector<16xi32>
          %add3A_383 = arith.addi %get3A_373, %mul3A_382 : vector<16xi32>
          %add3A_384 = arith.constant 19200 : i32
          %add3A_385 = arith.addi %add3A_384, %add3A_370 : i32
          %swap3A_386 = arith.index_cast %add3A_385 : i32 to index
          %swap3A_387 = tpu.vector_load %arg8[%swap3A_386] {strides = array<i32>} : memref<25600xi32, #tpu.memory_space<vmem>>, vector<16xi32>,
          %swap3A_388 = vector.shape_cast %swap3A_387 : vector<16xi32> to vector<16xi32>
          %swap3A_389 = vector.shape_cast %add3A_383 : vector<16xi32> to vector<16xi32>
          tpu.vector_store %arg8[%swap3A_386], %swap3A_389 {strides = array<i32>} : memref<25600xi32, #tpu.memory_space<vmem>>, vector<16xi32>,
          %mul3A_390 = arith.constant 256 : i32
          %mul3A_391 = arith.muli %scan3A_116, %mul3A_390 : i32
          %add3A_392 = arith.constant 192 : i32
          %add3A_393 = arith.addi %mul3A_391, %add3A_392 : i32
          %get3A_394 = arith.index_cast %add3A_393 : i32 to index
          %get3A_395 = tpu.vector_load %arg6[%get3A_394] {strides = array<i32>} : memref<6400xi32, #tpu.memory_space<vmem>>, vector<16xi32>,
          %get3A_396 = vector.shape_cast %get3A_395 : vector<16xi32> to vector<16xi32>
          %get3A_397 = arith.index_cast %add3A_393 : i32 to index
          %get3A_398 = tpu.vector_load %arg7[%get3A_397] {strides = array<i32>} : memref<6400xi32, #tpu.memory_space<vmem>>, vector<16xi32>,
          %get3A_399 = vector.shape_cast %get3A_398 : vector<16xi32> to vector<16xi32>
          %min3A_400 = arith.constant 6 : i32
          %min3A_401 = vector.broadcast %min3A_400 : i32 to vector<16xi32>
          %min3A_402 = arith.minsi %get3A_399, %min3A_401 : vector<16xi32>
          %mul3A_403 = arith.constant 288 : i32
          %mul3A_404 = vector.broadcast %mul3A_403 : i32 to vector<16xi32>
          %mul3A_405 = arith.muli %mul3A_404, %min3A_402 : vector<16xi32>
          %add3A_406 = arith.addi %get3A_396, %mul3A_405 : vector<16xi32>
          %add3A_407 = arith.constant 19200 : i32
          %add3A_408 = arith.addi %add3A_407, %add3A_393 : i32
          %swap3A_409 = arith.index_cast %add3A_408 : i32 to index
          %swap3A_410 = tpu.vector_load %arg8[%swap3A_409] {strides = array<i32>} : memref<25600xi32, #tpu.memory_space<vmem>>, vector<16xi32>,
          %swap3A_411 = vector.shape_cast %swap3A_410 : vector<16xi32> to vector<16xi32>
          %swap3A_412 = vector.shape_cast %add3A_406 : vector<16xi32> to vector<16xi32>
          tpu.vector_store %arg8[%swap3A_409], %swap3A_412 {strides = array<i32>} : memref<25600xi32, #tpu.memory_space<vmem>>, vector<16xi32>,
          %mul3A_413 = arith.constant 256 : i32
          %mul3A_414 = arith.muli %scan3A_116, %mul3A_413 : i32
          %add3A_415 = arith.constant 208 : i32
          %add3A_416 = arith.addi %mul3A_414, %add3A_415 : i32
          %get3A_417 = arith.index_cast %add3A_416 : i32 to index
          %get3A_418 = tpu.vector_load %arg6[%get3A_417] {strides = array<i32>} : memref<6400xi32, #tpu.memory_space<vmem>>, vector<16xi32>,
          %get3A_419 = vector.shape_cast %get3A_418 : vector<16xi32> to vector<16xi32>
          %get3A_420 = arith.index_cast %add3A_416 : i32 to index
          %get3A_421 = tpu.vector_load %arg7[%get3A_420] {strides = array<i32>} : memref<6400xi32, #tpu.memory_space<vmem>>, vector<16xi32>,
          %get3A_422 = vector.shape_cast %get3A_421 : vector<16xi32> to vector<16xi32>
          %min3A_423 = arith.constant 6 : i32
          %min3A_424 = vector.broadcast %min3A_423 : i32 to vector<16xi32>
          %min3A_425 = arith.minsi %get3A_422, %min3A_424 : vector<16xi32>
          %mul3A_426 = arith.constant 288 : i32
          %mul3A_427 = vector.broadcast %mul3A_426 : i32 to vector<16xi32>
          %mul3A_428 = arith.muli %mul3A_427, %min3A_425 : vector<16xi32>
          %add3A_429 = arith.addi %get3A_419, %mul3A_428 : vector<16xi32>
          %add3A_430 = arith.constant 19200 : i32
          %add3A_431 = arith.addi %add3A_430, %add3A_416 : i32
          %swap3A_432 = arith.index_cast %add3A_431 : i32 to index
          %swap3A_433 = tpu.vector_load %arg8[%swap3A_432] {strides = array<i32>} : memref<25600xi32, #tpu.memory_space<vmem>>, vector<16xi32>,
          %swap3A_434 = vector.shape_cast %swap3A_433 : vector<16xi32> to vector<16xi32>
          %swap3A_435 = vector.shape_cast %add3A_429 : vector<16xi32> to vector<16xi32>
          tpu.vector_store %arg8[%swap3A_432], %swap3A_435 {strides = array<i32>} : memref<25600xi32, #tpu.memory_space<vmem>>, vector<16xi32>,
          %mul3A_436 = arith.constant 256 : i32
          %mul3A_437 = arith.muli %scan3A_116, %mul3A_436 : i32
          %add3A_438 = arith.constant 224 : i32
          %add3A_439 = arith.addi %mul3A_437, %add3A_438 : i32
          %get3A_440 = arith.index_cast %add3A_439 : i32 to index
          %get3A_441 = tpu.vector_load %arg6[%get3A_440] {strides = array<i32>} : memref<6400xi32, #tpu.memory_space<vmem>>, vector<16xi32>,
          %get3A_442 = vector.shape_cast %get3A_441 : vector<16xi32> to vector<16xi32>
          %get3A_443 = arith.index_cast %add3A_439 : i32 to index
          %get3A_444 = tpu.vector_load %arg7[%get3A_443] {strides = array<i32>} : memref<6400xi32, #tpu.memory_space<vmem>>, vector<16xi32>,
          %get3A_445 = vector.shape_cast %get3A_444 : vector<16xi32> to vector<16xi32>
          %min3A_446 = arith.constant 6 : i32
          %min3A_447 = vector.broadcast %min3A_446 : i32 to vector<16xi32>
          %min3A_448 = arith.minsi %get3A_445, %min3A_447 : vector<16xi32>
          %mul3A_449 = arith.constant 288 : i32
          %mul3A_450 = vector.broadcast %mul3A_449 : i32 to vector<16xi32>
          %mul3A_451 = arith.muli %mul3A_450, %min3A_448 : vector<16xi32>
          %add3A_452 = arith.addi %get3A_442, %mul3A_451 : vector<16xi32>
          %add3A_453 = arith.constant 19200 : i32
          %add3A_454 = arith.addi %add3A_453, %add3A_439 : i32
          %swap3A_455 = arith.index_cast %add3A_454 : i32 to index
          %swap3A_456 = tpu.vector_load %arg8[%swap3A_455] {strides = array<i32>} : memref<25600xi32, #tpu.memory_space<vmem>>, vector<16xi32>,
          %swap3A_457 = vector.shape_cast %swap3A_456 : vector<16xi32> to vector<16xi32>
          %swap3A_458 = vector.shape_cast %add3A_452 : vector<16xi32> to vector<16xi32>
          tpu.vector_store %arg8[%swap3A_455], %swap3A_458 {strides = array<i32>} : memref<25600xi32, #tpu.memory_space<vmem>>, vector<16xi32>,
          %mul3A_459 = arith.constant 256 : i32
          %mul3A_460 = arith.muli %scan3A_116, %mul3A_459 : i32
          %add3A_461 = arith.constant 240 : i32
          %add3A_462 = arith.addi %mul3A_460, %add3A_461 : i32
          %get3A_463 = arith.index_cast %add3A_462 : i32 to index
          %get3A_464 = tpu.vector_load %arg6[%get3A_463] {strides = array<i32>} : memref<6400xi32, #tpu.memory_space<vmem>>, vector<16xi32>,
          %get3A_465 = vector.shape_cast %get3A_464 : vector<16xi32> to vector<16xi32>
          %get3A_466 = arith.index_cast %add3A_462 : i32 to index
          %get3A_467 = tpu.vector_load %arg7[%get3A_466] {strides = array<i32>} : memref<6400xi32, #tpu.memory_space<vmem>>, vector<16xi32>,
          %get3A_468 = vector.shape_cast %get3A_467 : vector<16xi32> to vector<16xi32>
          %min3A_469 = arith.constant 6 : i32
          %min3A_470 = vector.broadcast %min3A_469 : i32 to vector<16xi32>
          %min3A_471 = arith.minsi %get3A_468, %min3A_470 : vector<16xi32>
          %mul3A_472 = arith.constant 288 : i32
          %mul3A_473 = vector.broadcast %mul3A_472 : i32 to vector<16xi32>
          %mul3A_474 = arith.muli %mul3A_473, %min3A_471 : vector<16xi32>
          %add3A_475 = arith.addi %get3A_465, %mul3A_474 : vector<16xi32>
          %add3A_476 = arith.constant 19200 : i32
          %add3A_477 = arith.addi %add3A_476, %add3A_462 : i32
          %swap3A_478 = arith.index_cast %add3A_477 : i32 to index
          %swap3A_479 = tpu.vector_load %arg8[%swap3A_478] {strides = array<i32>} : memref<25600xi32, #tpu.memory_space<vmem>>, vector<16xi32>,
          %swap3A_480 = vector.shape_cast %swap3A_479 : vector<16xi32> to vector<16xi32>
          %swap3A_481 = vector.shape_cast %add3A_475 : vector<16xi32> to vector<16xi32>
          tpu.vector_store %arg8[%swap3A_478], %swap3A_481 {strides = array<i32>} : memref<25600xi32, #tpu.memory_space<vmem>>, vector<16xi32>,
        }
        %scan3A_115 = arith.constant 25 : i32
      } else {
      }
      %dma_wait3A_72 = arith.constant 0 : i32
      %dma_wait3A_73 = arith.constant 0 : i32
      %dma_wait3A_74 = tpu.memref_slice %arg4[%dma_wait3A_72, %dma_wait3A_73] : memref<2304x128xf32, #tpu.memory_space<hbm>> -> memref<200x128xf32, #tpu.memory_space<hbm>>
      %dma_wait3A_75 = arith.constant 0 : i32
      %dma_wait3A_76 = arith.constant 0 : i32
      %dma_wait3A_77 = tpu.memref_slice %arg4[%dma_wait3A_75, %dma_wait3A_76] : memref<2304x128xf32, #tpu.memory_space<hbm>> -> memref<200x128xf32, #tpu.memory_space<hbm>>
      tpu.wait_dma2 semaphore(%arg11 : memref<!tpu.dma_semaphore, #tpu.memory_space<semaphore_mem>>) src(%dma_wait3A_77 : memref<200x128xf32, #tpu.memory_space<hbm>>) dst(%arg9 : memref<200x128xf32, #tpu.memory_space<vmem>>)
      %add3A_78 = arith.addi %mul3A_4, %mul3A_47 : i32
      %dma_start3A_79 = arith.constant 0 : i32
      %dma_start3A_80 = arith.constant 0 : i32
      %dma_start3A_81 = tpu.memref_slice %arg5[%add3A_78, %dma_start3A_79, %dma_start3A_80] : memref<4096x200x128xf32, #tpu.memory_space<hbm>> -> memref<1x200x128xf32, #tpu.memory_space<hbm>>
      %dma_start3A_82 = tpu.memref_squeeze %dma_start3A_81 : memref<1x200x128xf32, #tpu.memory_space<hbm>> -> memref<200x128xf32, #tpu.memory_space<hbm>>
      %dma_start3A_83 = arith.constant 0 : i32
      %dma_start3A_84 = arith.constant 0 : i32
      %dma_start3A_85 = tpu.memref_slice %arg5[%add3A_78, %dma_start3A_83, %dma_start3A_84] : memref<4096x200x128xf32, #tpu.memory_space<hbm>> -> memref<1x200x128xf32, #tpu.memory_space<hbm>>
      %dma_start3A_86 = tpu.memref_squeeze %dma_start3A_85 : memref<1x200x128xf32, #tpu.memory_space<hbm>> -> memref<200x128xf32, #tpu.memory_space<hbm>>
      tpu.enqueue_dma source(%arg9 : memref<200x128xf32, #tpu.memory_space<vmem>>) target(%dma_start3A_86 : memref<200x128xf32, #tpu.memory_space<hbm>>) target_semaphore(%arg13 : memref<!tpu.dma_semaphore, #tpu.memory_space<semaphore_mem>>)
      %dma_wait3A_87 = arith.constant 0 : i32
      %dma_wait3A_88 = arith.constant 0 : i32
      %dma_wait3A_89 = tpu.memref_slice %arg4[%dma_wait3A_87, %dma_wait3A_88] : memref<2304x128xf32, #tpu.memory_space<hbm>> -> memref<200x128xf32, #tpu.memory_space<hbm>>
      %dma_wait3A_90 = arith.constant 0 : i32
      %dma_wait3A_91 = arith.constant 0 : i32
      %dma_wait3A_92 = tpu.memref_slice %arg4[%dma_wait3A_90, %dma_wait3A_91] : memref<2304x128xf32, #tpu.memory_space<hbm>> -> memref<200x128xf32, #tpu.memory_space<hbm>>
      tpu.wait_dma2 semaphore(%arg12 : memref<!tpu.dma_semaphore, #tpu.memory_space<semaphore_mem>>) src(%dma_wait3A_92 : memref<200x128xf32, #tpu.memory_space<hbm>>) dst(%arg10 : memref<200x128xf32, #tpu.memory_space<vmem>>)
      %add3A_93 = arith.addi %mul3A_4, %add3A_49 : i32
      %dma_start3A_94 = arith.constant 0 : i32
      %dma_start3A_95 = arith.constant 0 : i32
      %dma_start3A_96 = tpu.memref_slice %arg5[%add3A_93, %dma_start3A_94, %dma_start3A_95] : memref<4096x200x128xf32, #tpu.memory_space<hbm>> -> memref<1x200x128xf32, #tpu.memory_space<hbm>>
      %dma_start3A_97 = tpu.memref_squeeze %dma_start3A_96 : memref<1x200x128xf32, #tpu.memory_space<hbm>> -> memref<200x128xf32, #tpu.memory_space<hbm>>
      %dma_start3A_98 = arith.constant 0 : i32
      %dma_start3A_99 = arith.constant 0 : i32
      %dma_start3A_100 = tpu.memref_slice %arg5[%add3A_93, %dma_start3A_98, %dma_start3A_99] : memref<4096x200x128xf32, #tpu.memory_space<hbm>> -> memref<1x200x128xf32, #tpu.memory_space<hbm>>
      %dma_start3A_101 = tpu.memref_squeeze %dma_start3A_100 : memref<1x200x128xf32, #tpu.memory_space<hbm>> -> memref<200x128xf32, #tpu.memory_space<hbm>>
      tpu.enqueue_dma source(%arg10 : memref<200x128xf32, #tpu.memory_space<vmem>>) target(%dma_start3A_101 : memref<200x128xf32, #tpu.memory_space<hbm>>) target_semaphore(%arg14 : memref<!tpu.dma_semaphore, #tpu.memory_space<semaphore_mem>>)
      %lt3A = arith.constant 63 : i32
      %lt3A_102 = arith.cmpi slt, %scan3A_45, %lt3A : i32
      %convert_element_type3A_103 = arith.extui %lt3A_102 : i1 to i32
      %cond3A_104 = arith.constant 0 : i32
      %cond3A_105 = arith.cmpi ne, %convert_element_type3A_103, %cond3A_104 : i32
      scf.if %cond3A_105 {
        %dma_wait3A_106 = arith.constant 0 : i32
        %dma_wait3A_107 = arith.constant 0 : i32
        %dma_wait3A_108 = arith.constant 0 : i32
        %dma_wait3A_109 = tpu.memref_slice %arg5[%dma_wait3A_106, %dma_wait3A_107, %dma_wait3A_108] : memref<4096x200x128xf32, #tpu.memory_space<hbm>> -> memref<1x200x128xf32, #tpu.memory_space<hbm>>
        %dma_wait3A_110 = tpu.memref_squeeze %dma_wait3A_109 : memref<1x200x128xf32, #tpu.memory_space<hbm>> -> memref<200x128xf32, #tpu.memory_space<hbm>>
        %dma_wait3A_111 = arith.constant 0 : i32
        %dma_wait3A_112 = arith.constant 0 : i32
        %dma_wait3A_113 = tpu.memref_slice %arg5[%dma_wait3A_106, %dma_wait3A_111, %dma_wait3A_112] : memref<4096x200x128xf32, #tpu.memory_space<hbm>> -> memref<1x200x128xf32, #tpu.memory_space<hbm>>
        %dma_wait3A_114 = tpu.memref_squeeze %dma_wait3A_113 : memref<1x200x128xf32, #tpu.memory_space<hbm>> -> memref<200x128xf32, #tpu.memory_space<hbm>>
        tpu.wait_dma2 semaphore(%arg13 : memref<!tpu.dma_semaphore, #tpu.memory_space<semaphore_mem>>) src(%arg9 : memref<200x128xf32, #tpu.memory_space<vmem>>) dst(%dma_wait3A_114 : memref<200x128xf32, #tpu.memory_space<hbm>>)
        %add3A_115 = arith.constant 2 : i32
        %add3A_116 = arith.addi %mul3A_47, %add3A_115 : i32
        %mul3A_117 = arith.constant 200 : i32
        %mul3A_118 = arith.muli %add3A_116, %mul3A_117 : i32
        %dma_start3A_119 = tpu.memref_slice %arg8[%mul3A_118] : memref<25600xi32, #tpu.memory_space<vmem>> -> memref<200xi32, #tpu.memory_space<vmem>>
        %dma_start3A_120 = arith.constant 0 : i32
        %dma_start3A_121 = arith.constant 0 : i32
        %dma_start3A_122 = tpu.memref_slice %arg15[%dma_start3A_120, %dma_start3A_121] : memref<2304x128xf32, #tpu.memory_space<vmem_shared>> -> memref<2304x128xf32, #tpu.memory_space<vmem_shared>>
        tpu.enqueue_indirect_dma source(%dma_start3A_122 : memref<2304x128xf32, #tpu.memory_space<vmem_shared>>) target(%arg9 : memref<200x128xf32, #tpu.memory_space<vmem>>) offsets(%dma_start3A_119 : memref<200xi32, #tpu.memory_space<vmem>>) semaphore(%arg11 : memref<!tpu.dma_semaphore, #tpu.memory_space<semaphore_mem>>)
      } else {
      }
    }
    %scan3A_27 = arith.constant 64 : i32
    %dma_wait3A = arith.constant 0 : i32
    %dma_wait3A_28 = arith.constant 0 : i32
    %dma_wait3A_29 = arith.constant 0 : i32
    %dma_wait3A_30 = tpu.memref_slice %arg5[%dma_wait3A, %dma_wait3A_28, %dma_wait3A_29] : memref<4096x200x128xf32, #tpu.memory_space<hbm>> -> memref<1x200x128xf32, #tpu.memory_space<hbm>>
    %dma_wait3A_31 = tpu.memref_squeeze %dma_wait3A_30 : memref<1x200x128xf32, #tpu.memory_space<hbm>> -> memref<200x128xf32, #tpu.memory_space<hbm>>
    %dma_wait3A_32 = arith.constant 0 : i32
    %dma_wait3A_33 = arith.constant 0 : i32
    %dma_wait3A_34 = tpu.memref_slice %arg5[%dma_wait3A, %dma_wait3A_32, %dma_wait3A_33] : memref<4096x200x128xf32, #tpu.memory_space<hbm>> -> memref<1x200x128xf32, #tpu.memory_space<hbm>>
    %dma_wait3A_35 = tpu.memref_squeeze %dma_wait3A_34 : memref<1x200x128xf32, #tpu.memory_space<hbm>> -> memref<200x128xf32, #tpu.memory_space<hbm>>
    tpu.wait_dma2 semaphore(%arg13 : memref<!tpu.dma_semaphore, #tpu.memory_space<semaphore_mem>>) src(%arg9 : memref<200x128xf32, #tpu.memory_space<vmem>>) dst(%dma_wait3A_35 : memref<200x128xf32, #tpu.memory_space<hbm>>)
    %dma_wait3A_36 = arith.constant 0 : i32
    %dma_wait3A_37 = arith.constant 0 : i32
    %dma_wait3A_38 = arith.constant 0 : i32
    %dma_wait3A_39 = tpu.memref_slice %arg5[%dma_wait3A_36, %dma_wait3A_37, %dma_wait3A_38] : memref<4096x200x128xf32, #tpu.memory_space<hbm>> -> memref<1x200x128xf32, #tpu.memory_space<hbm>>
    %dma_wait3A_40 = tpu.memref_squeeze %dma_wait3A_39 : memref<1x200x128xf32, #tpu.memory_space<hbm>> -> memref<200x128xf32, #tpu.memory_space<hbm>>
    %dma_wait3A_41 = arith.constant 0 : i32
    %dma_wait3A_42 = arith.constant 0 : i32
    %dma_wait3A_43 = tpu.memref_slice %arg5[%dma_wait3A_36, %dma_wait3A_41, %dma_wait3A_42] : memref<4096x200x128xf32, #tpu.memory_space<hbm>> -> memref<1x200x128xf32, #tpu.memory_space<hbm>>
    %dma_wait3A_44 = tpu.memref_squeeze %dma_wait3A_43 : memref<1x200x128xf32, #tpu.memory_space<hbm>> -> memref<200x128xf32, #tpu.memory_space<hbm>>
    tpu.wait_dma2 semaphore(%arg14 : memref<!tpu.dma_semaphore, #tpu.memory_space<semaphore_mem>>) src(%arg10 : memref<200x128xf32, #tpu.memory_space<vmem>>) dst(%dma_wait3A_44 : memref<200x128xf32, #tpu.memory_space<hbm>>)
    return
  }
}

module attributes {stable_mosaic.version = 14 : i64} {
  func.func @_fused_table_body(%arg0: memref<288x64xf32, #tpu.memory_space<vmem>>, %arg1: memref<7x64xf32, #tpu.memory_space<vmem>>, %arg2: memref<8x288x128xf32, #tpu.memory_space<vmem>>) attributes {dimension_semantics = [], scalar_prefetch = 0 : i64, scratch_operands = 0 : i64, tpu.core_type = #tpu.core_type<tc>} {
    %get3A = arith.constant 0 : index
    %get3A_0 = arith.constant 0 : index
    %get3A_1 = vector.load %arg0[%get3A, %get3A_0] : memref<288x64xf32, #tpu.memory_space<vmem>>, vector<288x64xf32>
    %reshape3A = vector.shape_cast %get3A_1 : vector<288x64xf32> to vector<1x288x64xf32>
    %get3A_2 = arith.constant 0 : index
    %get3A_3 = arith.constant 0 : index
    %get3A_4 = vector.load %arg1[%get3A_2, %get3A_3] : memref<7x64xf32, #tpu.memory_space<vmem>>, vector<7x64xf32>
    %reshape3A_5 = vector.shape_cast %get3A_4 : vector<7x64xf32> to vector<7x1x64xf32>
    %add3A = vector.broadcast %reshape3A : vector<1x288x64xf32> to vector<7x288x64xf32>
    %add3A_6 = vector.broadcast %reshape3A_5 : vector<7x1x64xf32> to vector<7x288x64xf32>
    %add3A_7 = arith.addf %add3A, %add3A_6 : vector<7x288x64xf32>
    %swap3A = arith.constant 0 : index
    %swap3A_8 = arith.constant 0 : index
    %swap3A_9 = arith.constant 0 : index
    %swap3A_10 = vector.load %arg2[%swap3A, %swap3A_8, %swap3A_9] : memref<8x288x128xf32, #tpu.memory_space<vmem>>, vector<7x288x64xf32>
    tpu.vector_store %arg2[%swap3A, %swap3A_8, %swap3A_9], %add3A_7 {strides = array<i32>} : memref<8x288x128xf32, #tpu.memory_space<vmem>>, vector<7x288x64xf32>,
    %broadcast_in_dim3A = arith.constant 0.000000e+00 : f32
    %broadcast_in_dim3A_11 = vector.broadcast %broadcast_in_dim3A : f32 to vector<1x288x64xf32>
    %swap3A_12 = arith.constant 7 : index
    %swap3A_13 = arith.constant 0 : index
    %swap3A_14 = arith.constant 0 : index
    %swap3A_15 = vector.load %arg2[%swap3A_12, %swap3A_13, %swap3A_14] : memref<8x288x128xf32, #tpu.memory_space<vmem>>, vector<1x288x64xf32>
    tpu.vector_store %arg2[%swap3A_12, %swap3A_13, %swap3A_14], %broadcast_in_dim3A_11 {strides = array<i32>} : memref<8x288x128xf32, #tpu.memory_space<vmem>>, vector<1x288x64xf32>,
    %broadcast_in_dim3A_16 = arith.constant 0.000000e+00 : f32
    %broadcast_in_dim3A_17 = vector.broadcast %broadcast_in_dim3A_16 : f32 to vector<8x288x64xf32>
    %swap3A_18 = arith.constant 0 : index
    %swap3A_19 = arith.constant 0 : index
    %swap3A_20 = arith.constant 64 : index
    %swap3A_21 = vector.load %arg2[%swap3A_18, %swap3A_19, %swap3A_20] : memref<8x288x128xf32, #tpu.memory_space<vmem>>, vector<8x288x64xf32>
    tpu.vector_store %arg2[%swap3A_18, %swap3A_19, %swap3A_20], %broadcast_in_dim3A_17 {strides = array<i32>} : memref<8x288x128xf32, #tpu.memory_space<vmem>>, vector<8x288x64xf32>,
    return
  }
}

</mosaic_0001>

<sc_bundles>
// kernel: kernel.4.cloned.1.call-start
scs
__scs_entry_jumppad:
0x0: {  	(pc) =	sbr.rel $0x88, $3  }
0x1: {  	(tag) =	ssettag $0x0;
	lr =	simm.s32 $0x1  }
0x2: {  	[smem:$0x3F9E] =	sst lr;
	_ =	strace $0xD0000000  }
0x3: {  	_ = 	snop  }
0x4: {  	_ = 	snop  }
0x5: {  	_ = 	snop  }
0x6: {  	_ = 	snop  }
0x7: {  	_ = 	snop  }
__scs_overlays_trampoline_lowered:
0x8: {  	[smem:$0x3FAD] =	sst s0  }
0x9: {  	[smem:$0x3FAE] =	sst s1  }
0xa: {  	[smem:$0x3FAF] =	sst s2  }
0xb: {  	[smem:$0x3FB0] =	sst s3  }
0xc: {  	[smem:$0x3FB1] =	sst s4  }
0xd: {  	[smem:$0x3FB2] =	sst s5  }
0xe: {  	[smem:$0x3FB3] =	sst s6  }
0xf: {  	[smem:$0x3FB4] =	sst s7  }
0x10: {  	[smem:$0x3FB5] =	sst s8  }
0x11: {  	[smem:$0x3FB6] =	sst s9;
	s0 =	simm.s32 @!p0 $0x0  }
0x12: {  	s1 =	sld [smem:$0x3F9C];
	s0 =	simm.s32 @p0 $0x1  }
0x13: {  	[smem:$0x3FB7] =	sst s0;
	s0 =	simm.s32 @!p1 $0x0  }
0x14: {  	s2 =	sld [smem:$0x3F9B];
	s0 =	simm.s32 @p1 $0x1  }
0x15: {  	[smem:$0x3FB8] =	sst s0;
	s0 =	simm.s32 @!p2 $0x0  }
0x16: {  	s3 =	sld [smem:$0x3FDB];
	s0 =	simm.s32 @p2 $0x1  }
0x17: {  	s4 =	simm.s32 $0x1BF5;
	[smem:$0x3FBA] =	sst s0  }
0x18: {  	s0 =	sld [smem:$0x3F9D];
	_ =	swait.ge [sflag:s4], $0x0  }
0x19: {  	s7 =	sld [smem:$0x3F9E]  }
0x1a: {  	s8 =	sadd.s32 $0xFFFFE003, lr  }
0x1b: {  	s9 =	sadd.s32 $0xFFFFFEF7, lr;
	s5 =	simm.s32 $0xFFFFFFFF;
	p2 =	slt.u32 s8, $0xFFFFF086  }
0x1c: {  	p1 =	slt.u32 s9, $0xF7A;
	s5 =	simm.s32 @!p2 $0x0  }
0x1d: {  	s5 =	simm.s32 @p1 $0x1;
	p0 =	seq.s32 s7, s2  }
0x1e: {  	s7 =	smul.u32 @!p0 $0xF7A, s2;
	p2 =	seq.s32 @!p0 s5, $0x0  }
0x1f: {  	s9 =	smul.u32 $0xF7A, s1;
	s8 =	simm.s32 @!p0 $0x1BF5;
	p2 =	por !p2, p0  }
0x20: {  	[sflag:s8] =	ssyncset.s32 @!p0 $0xFFFFF086;
	s6 =	sadd.s32 @!p0 s3, s7;
	s7 =	simm.s32 @!p0 $0x108  }
0x21: {  	s3 =	sadd.s32 s3, s9;
	s6 =	sadd.s32 @!p0 $0x88, s6;
	s7 =	simm.s32 @p2 $0x1082  }
0x22: {  	[simem:s7], [sflag:s8] =	dma.local @!p0 [hbm:s6], $0xF7A  }
0x23: {  	s9 =	sor.u32 $0xD0000000, s2;
	s6 =	simm.s32 $0x108;
	_ =	swait.ge @!p0 [sflag:s8], $0x0  }
0x24: {  	s3 =	sadd.s32 $0x88, s3;
	s6 =	simm.s32 @!p1 $0x1082;
	[sflag:s4] =	ssyncset.s32 $0xFFFFF086  }
0x25: {  	[simem:s6], [sflag:s4] =	dma.local [hbm:s3], $0xF7A  }
0x26: {  	[smem:$0x3F9E] =	sst s1;
	(tag) =	ssettag s2;
	_ =	strace s9  }
0x27: {  	s1 =	sld [smem:$0x3FAE]  }
0x28: {  	s2 =	sld [smem:$0x3FAF]  }
0x29: {  	s4 =	sld [smem:$0x3FB1]  }
0x2a: {  	p0 =	seq.s32 s5, $0x0;
	s5 =	sld [smem:$0x3FB2]  }
0x2b: {  	s6 =	sld [smem:$0x3FB3]  }
0x2c: {  	s7 =	sld [smem:$0x3FB4]  }
0x2d: {  	s3 =	simm.s32 $0x108;
	s8 =	sld [smem:$0x3FB5]  }
0x2e: {  	s3 =	simm.s32 @!p0 $0x1082;
	s9 =	sld [smem:$0x3FB6]  }
0x2f: {  	lr =	sadd.s32 s0, s3;
	s0 =	sld [smem:$0x3FAD]  }
0x30: {  	s3 =	sld [smem:$0x3FB0]  }
0x31: {  	[smem:$0x3FB9] =	sst s10  }
0x32: {  	s10 =	sld [smem:$0x3FB7];
	_ =	sdelay $0x3  }
0x33: {  	p0 =	seq.s32 s10, $0x1;
	s10 =	sld [smem:$0x3FB9];
	_ =	sdelay $0x3  }
0x34: {  	[smem:$0x3FB9] =	sst s10  }
0x35: {  	s10 =	sld [smem:$0x3FB8];
	_ =	sdelay $0x3  }
0x36: {  	p1 =	seq.s32 s10, $0x1;
	s10 =	sld [smem:$0x3FB9];
	_ =	sdelay $0x3  }
0x37: {  	[smem:$0x3FB9] =	sst s10  }
0x38: {  	s10 =	sld [smem:$0x3FBA]  }
0x39: {  	_ = 	snop;
	(pc) =	sbr.ind lr, $3  }
0x3a: {  	_ = 	snop  }
0x3b: {  	_ = 	snop  }
0x3c: {  	p2 =	seq.s32 s10, $0x1;
	s10 =	sld [smem:$0x3FB9]  }
0x3d: {  	_ =	shalt  }
0x3e: {  	_ =	shalt  }
0x3f: {  	_ =	shalt  }
0x40: {  	_ =	shalt  }
0x41: {  	_ =	shalt  }
0x42: {  	_ =	shalt  }
0x43: {  	_ =	shalt  }
0x44: {  	_ =	shalt  }
0x45: {  	_ =	shalt  }
0x46: {  	_ =	shalt  }
0x47: {  	_ =	shalt  }
0x48: {  	_ =	shalt  }
0x49: {  	_ =	shalt  }
0x4a: {  	_ =	shalt  }
0x4b: {  	_ =	shalt  }
0x4c: {  	_ =	shalt  }
0x4d: {  	_ =	shalt  }
0x4e: {  	_ =	shalt  }
0x4f: {  	_ =	shalt  }
0x50: {  	_ =	shalt  }
0x51: {  	_ =	shalt  }
0x52: {  	_ =	shalt  }
0x53: {  	_ =	shalt  }
0x54: {  	_ =	shalt  }
0x55: {  	_ =	shalt  }
0x56: {  	_ =	shalt  }
0x57: {  	_ =	shalt  }
0x58: {  	_ =	shalt  }
0x59: {  	_ =	shalt  }
0x5a: {  	_ =	shalt  }
0x5b: {  	_ =	shalt  }
0x5c: {  	_ =	shalt  }
0x5d: {  	_ =	shalt  }
0x5e: {  	_ =	shalt  }
0x5f: {  	_ =	shalt  }
0x60: {  	_ =	shalt  }
0x61: {  	_ =	shalt  }
0x62: {  	_ =	shalt  }
0x63: {  	_ =	shalt  }
0x64: {  	_ =	shalt  }
0x65: {  	_ =	shalt  }
0x66: {  	_ =	shalt  }
0x67: {  	_ =	shalt  }
0x68: {  	_ =	shalt  }
0x69: {  	_ =	shalt  }
0x6a: {  	_ =	shalt  }
0x6b: {  	_ =	shalt  }
0x6c: {  	_ =	shalt  }
0x6d: {  	_ =	shalt  }
0x6e: {  	_ =	shalt  }
0x6f: {  	_ =	shalt  }
0x70: {  	_ =	shalt  }
0x71: {  	_ =	shalt  }
0x72: {  	_ =	shalt  }
0x73: {  	_ =	shalt  }
0x74: {  	_ =	shalt  }
0x75: {  	_ =	shalt  }
0x76: {  	_ =	shalt  }
0x77: {  	_ =	shalt  }
0x78: {  	_ =	shalt  }
0x79: {  	_ =	shalt  }
0x7a: {  	_ =	shalt  }
0x7b: {  	_ =	shalt  }
0x7c: {  	_ =	shalt  }
0x7d: {  	_ =	shalt  }
0x7e: {  	_ =	shalt  }
0x7f: {  	_ =	shalt  }
0x80: {  	_ =	shalt  }
0x81: {  	_ =	shalt  }
0x82: {  	_ =	shalt  }
0x83: {  	_ =	shalt  }
0x84: {  	_ =	shalt  }
0x85: {  	_ =	shalt  }
0x86: {  	_ =	shalt  }
0x87: {  	_ =	shalt  }
.Lfunc_end0:
.L_simem_size_0:
called_computation.1_lowered:
.L_overlay_start_0:
0x88: {  	s2 =	sld [smem:$0x3FD9]  }
0x89: {  	s3 =	sld [smem:$0x3FFE];
	_ =	sdelay $0x1  }
0x8a: {  	s1 =	srdreg.scid  }
0x8b: {  	s0 =	sand.u32 $0x1, s1  }
0x8c: {  	s17 =	sshll.u32 s0, $0xA;
	s2 =	sadd.s32 s3, s2  }
0x8d: {  	s2 =	sadd.s32 s2, s17  }
0x8e: {  	[smem:$0x3FC5] =	sst s2  }
0x8f: {  	_ = 	snop  }
0x90: {  	s2 =	sld [smem:$0x3FD0];
	(tm) =	ssettm $0x1  }
0x91: {  	s18 =	sld [smem:$0x3FFB];
	_ =	sdelay $0x3  }
0x92: {  	_ =	strace s18  }
0x93: {  	s3 =	sld [smem:$0x3FFC];
	_ =	sdelay $0x3  }
0x94: {  	_ =	strace s3  }
0x95: {  	s3 =	sld [smem:$0x3FFD];
	_ =	sdelay $0x3  }
0x96: {  	_ =	strace s3  }
0x97: {  	_ =	strace $0x8FFFFFFF  }
0x98: {  	s19 =	sld [smem:$0x3FDB];
	_ =	sdelay $0x1  }
0x99: {  	s4 =	simm.s32 $_scs_section_size  }
0x9a: {  	s5 =	simm.s32 $_size__tile_overlayer_lowered;
	s6 =	simm.s32 $_tile_overlayer_lowered  }
0x9b: {  	s22 =	simm.s32 $0x1BFF;
	s21 =	sshll.u32 s6, $0x1;
	s3 =	sadd.s32 s4, s19  }
0x9c: {  	s7 =	simm.s32 $0x0;
	s20 =	sshll.u32 s5, $0x1;
	s5 =	sadd.s32 s21, s3  }
0x9d: {  	[timem:s7], [sflag:s22] =	dma.local [hbm:s5], s20  }
0x9e: {  	_ =	swait.ge [sflag:s22], s20  }
0x9f: {  	s4 =	ssub.s32 $0x0, s20;
	[sflag:s22] =	ssyncset.done $0x0  }
0xa0: {  	[sflag:s22] =	ssyncadd.s32 s4;
	_ =	sdelay $0x1  }
0xa1: {  	s23 =	simm.s32 $0x1B8B  }
0xa2: {  	_ =	swait.ge [sflag:s23], $0x1  }
0xa3: {  	[sflag:s23] =	ssyncset.done $0x0  }
0xa4: {  	s25 =	simm.s32 $0x1B8E;
	s24 =	sld [smem:$0x3FFE];
	[sflag:s23] =	ssyncadd.s32 $0xFFFFFFFF  }
0xa5: {  	s26 =	simm.s32 $execute0_lowered;
	[smem:$0x3FD2] =	sst s25  }
0xa6: {  	s5 =	sshll.u32 s26, $0x1;
	_ =	strace $0x80000046;
	[dreg:$0x1] =	wrdreg $0xFFFFFFFF  }
0xa7: {  	s28 =	simm.s32 $_size_execute0_lowered;
	s3 =	sadd.s32 s3, s5;
	[dreg:$0x0] =	wrdreg $0x0  }
0xa8: {  	s5 =	sshll.u32 s28, $0x1;
	[dreg:$0x2] =	wrdreg s3  }
0xa9: {  	[dreg:$0x3] =	wrdreg s5  }
0xaa: {  	[dreg:$0x4] =	wrdreg $0xC0  }
0xab: {  	_ =	task [dreg:s7], $0x5FFFF  }
0xac: {  	[dreg:$0x1] =	wrdreg $0xFFFFFFFF  }
0xad: {  	[dreg:$0x0] =	wrdreg $0x60  }
0xae: {  	[dreg:$0x2] =	wrdreg s2  }
0xaf: {  	[dreg:$0x3] =	wrdreg s24  }
0xb0: {  	[dreg:$0x4] =	wrdreg $0x15E000  }
0xb1: {  	[dreg:$0x5] =	wrdreg $0x9  }
0xb2: {  	_ =	task.clear_ibuf [dreg:s7], $0x6FFFF;
	_ =	strace $0x90000046  }
0xb3: {  	s29 =	simm.s32 $0x9;
	_ =	strace $0x80000048  }
0xb4: {  	_ =	swait.ge [sflag:s29], $0x1  }
0xb5: {  	[sflag:s29] =	ssyncadd.s32 $0xFFFFFFFF  }
0xb6: {  	_ =	strace $0x90000048  }
0xb7: {  	_ =	sfence  }
0xb8: {  	s30 =	sld [smem:$0x0];
	_ =	sdelay $0x2  }
0xb9: {  	s31 =	sshll.u32 s1, $0xD;
	s1 =	sshrl.u32 s1, $0x2  }
0xba: {  	s3 =	sand.u32 $0x4000, s31;
	s1 =	sadd.s32 s1, s30  }
0xbb: {  	s0 =	sor.u32 s3, s0;
	s1 =	sshll.u32 s1, $0x11  }
0xbc: {  	s0 =	sor.u32 s1, s0  }
0xbd: {  	s0 =	sadd.s32 $0x8F2B, s0  }
0xbe: {  	[sflag:s0] =	ssyncadd.remote.s32 $0x1  }
0xbf: {  	_ =	sfence.sel $0xFFFF  }
0xc0: {  	[dreg:$0x0] =	wrdreg $0xFFFFFFFF;
	(pc) =	sbr.abs _section_cstart, $3  }
0xc1: {  	[dreg:$0x1] =	wrdreg $0xFFFFFFFF  }
0xc2: {  	_ =	task.clear_ibuf [dreg:s7], $0x2FFFF;
	_ =	strace $0x9FFFFFFF  }
0xc3: {  	(tm) =	ssettm $0x7FFFFFFF  }
tec
execute0_lowered:
.L_overlay_start_1:
0x0: {  	(tag) =	ssettag $0x1  }
0x1: {  	s0 =	rddreg [dreg:$0x0]  }
0x2: {  	s1 =	rddreg [dreg:$0x1]  }
0x3: {  	s2 =	rddreg [dreg:$0x2]  }
0x4: {  	s3 =	simm.s32 $0x0;
	s10 =	stileid.u32;
	s5 =	srdreg.scid  }
0x5: {  	s18 =	simm.s32 $0x5;
	s19 =	simm.s32 $0x1900;
	s20 =	simm.s32 $0xC8  }
0x6: {  	s22 =	simm.s32 $0x9600;
	s23 =	simm.s32 $0xFA00;
	s24 =	simm.s32 $0x1  }
0x7: {  	s25 =	simm.s32 $0x2;
	s28 =	simm.s32 $0x4;
	s29 =	simm.s32 $0x0  }
0x8: {  	[smem:$0x7FF] =	sst s3;
	s4 =	smul.u32 $0x900, s10;
	s15 =	sadd.s32 $0xE00, s1  }
0x9: {  	s5 =	sand.u32 $0x1, s5;
	s8 =	sshll.u32 s10, $0x1;
	s9 =	smul.u32 $0x12000, s10  }
0xa: {  	s31 =	sshll.u32 s10, $0x6;
	_ =	strace $0x80000047;
	s7 =	ssub.s32 $0x2, s5  }
0xb: {  	s5 =	sor.u32 s5, s8;
	s6 =	sadd.s32 s4, s1;
	s4 =	sadd.s32 $0x22E00, s1  }
0xc: {  	s26 =	sshrl.u32 s7, $0x1;
	s8 =	smul.u32 $0x6400, s5;
	s30 =	sshrl.u32 s9, $0x2  }
0xd: {  	s5 =	sshll.u32 s5, $0x7;
	s1 =	ssub.s32 s7, s26;
	s17 =	sadd.s32 s30, s2  }
0xe: {  	s6 =	sadd.s32 $0x19E00, s6;
	s7 =	sor.u32 $0x1C05, s31;
	s26 =	simm.s32 $0x3  }
.Ltmp0:
0xf: {  	s14 =	sshrl.u32 s8, $0x3;
	s17 =	sshrl.u32 s17, $0x3;
	(pc) =	sbr.rel .LBB2_1-.Ltmp0, $4  }
0x10: {  	s8 =	sadd.s32 s0, s14;
	s9 =	sadd.s32 s15, s14;
	s11 =	sadd.s32 $0x320, s14  }
0x11: {  	s13 =	sadd.s32 $0x640, s14;
	s16 =	sadd.s32 $0x960, s14;
	s10 =	sadd.s32 s0, s11  }
0x12: {  	s11 =	sadd.s32 s15, s11;
	s12 =	sadd.s32 s0, s13;
	s13 =	sadd.s32 s15, s13  }
0x13: {  	s14 =	sadd.s32 s0, s16;
	s15 =	sadd.s32 s15, s16;
	s16 =	smax.u32 s1, $0x1  }
.LBB2_20:
0x14: {  	s29 =	sadd.s32 $0x1, s29  }
0x15: {  	p0 =	sne.s32 s29, s16  }
.Ltmp1:
0x16: {  	_ = 	snop;
	(pc) =	sbr.rel @!p0 .LBB2_21-.Ltmp1, $4  }
0x17: {  	_ = 	snop  }
0x18: {  	_ =	swait.ge [sflag:s28], $0x6400  }
0x19: {  	[sflag:s28] =	ssyncset.done $0x0  }
0x1a: {  	[sflag:s28] =	ssyncadd.s32 $0xFFFF9C00  }
.LBB2_1:
0x1b: {  	[spmem:s17], [sflag:s7] =	dma.local [hbm:s6], $0x900  }
0x1c: {  	_ =	swait.ge [sflag:s18], $0x900  }
0x1d: {  	[sflag:s18] =	ssyncset.done $0x0  }
0x1e: {  	[sflag:s18] =	ssyncadd.s32 $0xFFFFF700  }
0x1f: {  	[bflag:$0x0] =	sbarrier.arrive $0xFFFF  }
0x20: {  	[tilespmem:s3], [sflag:$0x5] =	stream.linear.gather [hbm4b:s8+s3], $0x1900, $0x38;
	[tilespmem:$0x1A600] =	vst v63  }
0x21: {  	_ =	swait.ge [sflag:s18], $0x1900  }
0x22: {  	[sflag:s18] =	ssyncset.done $0x0  }
0x23: {  	[sflag:s18] =	ssyncadd.s32 $0xFFFFE700  }
0x24: {  	[tilespmem:s19], [sflag:$0x5] =	stream.linear.gather [hbm4b:s9+s3], $0x1900, $0x38;
	[tilespmem:$0x1A600] =	vst v63  }
0x25: {  	_ =	swait.ge [sflag:s18], $0x1900  }
0x26: {  	[sflag:s18] =	ssyncset.done $0x0  }
0x27: {  	s30 =	simm.s32 $0x0;
	[sflag:s18] =	ssyncadd.s32 $0xFFFFE700  }
0x28: {  	v0 =	vld [tilespmem:s30+$0x19F0]  }
0x29: {  	v1 =	vld [tilespmem:s30+$0x1900]  }
0x2a: {  	v2 =	vld [tilespmem:s30+$0x1910]  }
0x2b: {  	v3 =	vld [tilespmem:s30+$0x1920]  }
0x2c: {  	v4 =	vld [tilespmem:s30+$0xF0]  }
0x2d: {  	v5 =	vld [tilespmem:s30+$0x1930]  }
0x2e: {  	v6 =	vld [tilespmem:s30+$0x1940]  }
0x2f: {  	v7 =	vld [tilespmem:s30+$0x1950]  }
0x30: {  	v8 =	vld [tilespmem:s30+$0x1960]  }
0x31: {  	v9 =	vld [tilespmem:s30+$0x1970]  }
0x32: {  	v10 =	vld [tilespmem:s30+$0x19A0]  }
0x33: {  	v11 =	vld [tilespmem:s30+$0x19B0]  }
0x34: {  	v12 =	vld [tilespmem:s30+$0x19C0]  }
0x35: {  	v13 =	vld [tilespmem:s30+$0x19D0]  }
0x36: {  	v14 =	vld [tilespmem:s30+$0x19E0];
	vm0 =	vlt.s32 v0, $0x6;
	vm14 =	vlt.s32 v1, $0x6  }
0x37: {  	v15 =	vld [tilespmem:s30+$0x0];
	vm15 =	vlt.s32 v2, $0x6;
	vm4 =	vlt.s32 v3, $0x6;
	vm5 =	vlt.s32 v5, $0x6  }
0x38: {  	v16 =	vld [tilespmem:s30+$0x10];
	vm6 =	vlt.s32 v6, $0x6;
	vm7 =	vlt.s32 v7, $0x6;
	v0 =	vnsel vm0, $0x6, v0  }
0x39: {  	v17 =	vld [tilespmem:s30+$0x20];
	vm8 =	vlt.s32 v8, $0x6;
	v1 =	vnsel vm14, $0x6, v1;
	v0 =	vmul.u32 $0x120, v0  }
0x3a: {  	v18 =	vld [tilespmem:s30+$0x30];
	vm9 =	vlt.s32 v9, $0x6;
	v2 =	vnsel vm15, $0x6, v2;
	v1 =	vmul.u32 $0x120, v1  }
0x3b: {  	v19 =	vld [tilespmem:s30+$0x40];
	vm11 =	vlt.s32 v10, $0x6;
	v2 =	vmul.u32 $0x120, v2;
	v0 =	vadd.s32 v4, v0  }
0x3c: {  	vm12 =	vlt.s32 v11, $0x6;
	v3 =	vnsel vm4, $0x6, v3;
	v4 =	vld [tilespmem:s30+$0x1980];
	v1 =	vadd.s32 v15, v1;
	[tilespmem:s30+$0x32F0] =	vst v0  }
0x3d: {  	v60 =	vld [tilespmem:s30+$0x50];
	v5 =	vnsel vm5, $0x6, v5;
	v2 =	vadd.s32 v16, v2;
	[tilespmem:s30+$0x3200] =	vst v1;
	v1 =	vmul.u32 $0x120, v3  }
0x3e: {  	vm13 =	vlt.s32 v12, $0x6;
	vm14 =	vlt.s32 v13, $0x6;
	v0 =	vld [tilespmem:s30+$0x1990];
	[tilespmem:s30+$0x3210] =	vst v2;
	v2 =	vmul.u32 $0x120, v5  }
0x3f: {  	vm15 =	vlt.s32 v14, $0x6;
	v5 =	vnsel vm6, $0x6, v6;
	v1 =	vadd.s32 v17, v1  }
0x40: {  	v3 =	vld [tilespmem:s30+$0x60];
	v2 =	vadd.s32 v18, v2;
	[tilespmem:s30+$0x3220] =	vst v1;
	v1 =	vmul.u32 $0x120, v5;
	v5 =	vnsel vm7, $0x6, v7  }
0x41: {  	v61 =	vld [tilespmem:s30+$0x70];
	[tilespmem:s30+$0x3230] =	vst v2;
	v2 =	vmul.u32 $0x120, v5;
	v5 =	vnsel vm8, $0x6, v8;
	vm1 =	vlt.s32 v4, $0x6  }
0x42: {  	v1 =	vadd.s32 v19, v1;
	v6 =	vmul.u32 $0x120, v5;
	v4 =	vnsel vm1, $0x6, v4  }
0x43: {  	v62 =	vld [tilespmem:s30+$0x80];
	vm10 =	vlt.s32 v0, $0x6;
	[tilespmem:s30+$0x3240] =	vst v1;
	v1 =	vnsel vm9, $0x6, v9;
	v2 =	vadd.s32 v60, v2  }
0x44: {  	v63 =	vld [tilespmem:s30+$0x90];
	v4 =	vmul.u32 $0x120, v4;
	v0 =	vnsel vm10, $0x6, v0;
	v1 =	vmul.u32 $0x120, v1  }
0x45: {  	v5 =	vld [tilespmem:s30+$0xA0];
	[tilespmem:s30+$0x3250] =	vst v2;
	v2 =	vadd.s32 v3, v6;
	v9 =	vmul.u32 $0x120, v0;
	v0 =	vnsel vm11, $0x6, v10  }
0x46: {  	v6 =	vld [tilespmem:s30+$0xB0];
	v10 =	vnsel vm15, $0x6, v14;
	[tilespmem:s30+$0x3260] =	vst v2;
	v2 =	vnsel vm12, $0x6, v11;
	v3 =	vadd.s32 v61, v1  }
0x47: {  	v7 =	vld [tilespmem:s30+$0xC0];
	v1 =	vmul.u32 $0x120, v0;
	v0 =	vmul.u32 $0x120, v2;
	v2 =	vnsel vm13, $0x6, v12  }
0x48: {  	v8 =	vld [tilespmem:s30+$0xD0];
	[tilespmem:s30+$0x3270] =	vst v3;
	v3 =	vadd.s32 v62, v4;
	v2 =	vmul.u32 $0x120, v2;
	v4 =	vnsel vm14, $0x6, v13  }
0x49: {  	s0 =	simm.s32 $0x100;
	s1 =	simm.s32 $0x800;
	[tilespmem:s30+$0x3280] =	vst v3;
	v3 =	vmul.u32 $0x120, v4;
	v4 =	vmul.u32 $0x120, v10;
	v10 =	vadd.s32 v63, v9;
	v9 =	vld [tilespmem:s30+$0xE0]  }
.LBB2_2:
0x4a: {  	p0 =	sne.s32 s1, $0x6000;
	v11 =	vld [tilespmem:s0+$0x19F0];
	[tilespmem:s30+$0x3290] =	vst v10;
	v1 =	vadd.s32 v5, v1  }
0x4b: {  	v5 =	vld [tilespmem:s0+$0x1900];
	[tilespmem:s30+$0x32A0] =	vst v1;
	v0 =	vadd.s32 v6, v0  }
0x4c: {  	v1 =	vld [tilespmem:s0+$0x1910];
	[tilespmem:s30+$0x32B0] =	vst v0;
	v0 =	vadd.s32 v7, v2  }
0x4d: {  	v2 =	vld [tilespmem:s0+$0x1920];
	[tilespmem:s30+$0x32C0] =	vst v0;
	v0 =	vadd.s32 v8, v3  }
0x4e: {  	v3 =	vld [tilespmem:s0+$0xF0];
	[tilespmem:s30+$0x32D0] =	vst v0;
	v0 =	vadd.s32 v9, v4  }
0x4f: {  	v4 =	vld [tilespmem:s0+$0x1930];
	vm0 =	vlt.s32 v11, $0x6;
	[tilespmem:s30+$0x32E0] =	vst v0;
	s30 =	smov.u32 s0  }
0x50: {  	vm1 =	vlt.s32 v5, $0x6;
	v0 =	vld [tilespmem:s30+$0x1940];
	v6 =	vnsel vm0, $0x6, v11  }
0x51: {  	v5 =	vnsel vm1, $0x6, v5;
	vm0 =	vlt.s32 v1, $0x6;
	v7 =	vld [tilespmem:s30+$0x1950];
	v6 =	vmul.u32 $0x120, v6  }
0x52: {  	v5 =	vmul.u32 $0x120, v5;
	v1 =	vnsel vm0, $0x6, v1;
	vm0 =	vlt.s32 v2, $0x6;
	v8 =	vld [tilespmem:s30+$0x1960]  }
0x53: {  	v9 =	vmul.u32 $0x120, v1;
	v1 =	vnsel vm0, $0x6, v2;
	v2 =	vld [tilespmem:s30+$0x1970];
	v3 =	vadd.s32 v3, v6  }
0x54: {  	v6 =	vmul.u32 $0x120, v1;
	vm0 =	vlt.s32 v4, $0x6;
	v1 =	vld [tilespmem:s30+$0x1980];
	[tilespmem:s30+$0x32F0] =	vst v3  }
0x55: {  	v3 =	vnsel vm0, $0x6, v4;
	vm0 =	vlt.s32 v0, $0x6;
	v4 =	vld [tilespmem:s30+$0x1990]  }
0x56: {  	v10 =	vmul.u32 $0x120, v3;
	v0 =	vnsel vm0, $0x6, v0;
	vm0 =	vlt.s32 v7, $0x6;
	v3 =	vld [tilespmem:s30+$0x19A0]  }
0x57: {  	v11 =	vmul.u32 $0x120, v0;
	v0 =	vnsel vm0, $0x6, v7;
	vm0 =	vlt.s32 v8, $0x6;
	v7 =	vld [tilespmem:s30+$0x19B0]  }
0x58: {  	v12 =	vmul.u32 $0x120, v0;
	v0 =	vnsel vm0, $0x6, v8;
	vm0 =	vlt.s32 v2, $0x6;
	v8 =	vld [tilespmem:s30+$0x19C0]  }
0x59: {  	v13 =	vmul.u32 $0x120, v0;
	v0 =	vnsel vm0, $0x6, v2;
	vm0 =	vlt.s32 v1, $0x6;
	v14 =	vld [tilespmem:s30+$0x19D0]  }
0x5a: {  	v15 =	vmul.u32 $0x120, v0;
	v0 =	vnsel vm0, $0x6, v1;
	vm0 =	vlt.s32 v4, $0x6;
	v16 =	vld [tilespmem:s30+$0x19E0]  }
0x5b: {  	v17 =	vld [tilespmem:s30+$0x0];
	v18 =	vmul.u32 $0x120, v0;
	v0 =	vnsel vm0, $0x6, v4;
	vm0 =	vlt.s32 v3, $0x6  }
0x5c: {  	v4 =	vld [tilespmem:s30+$0x10];
	v19 =	vmul.u32 $0x120, v0;
	v0 =	vnsel vm0, $0x6, v3;
	vm0 =	vlt.s32 v7, $0x6  }
0x5d: {  	v20 =	vld [tilespmem:s30+$0x20];
	v1 =	vmul.u32 $0x120, v0;
	v0 =	vnsel vm0, $0x6, v7;
	vm0 =	vlt.s32 v8, $0x6  }
0x5e: {  	v7 =	vld [tilespmem:s30+$0x30];
	v0 =	vmul.u32 $0x120, v0;
	v2 =	vnsel vm0, $0x6, v8;
	vm0 =	vlt.s32 v14, $0x6  }
0x5f: {  	v8 =	vld [tilespmem:s30+$0x40];
	v2 =	vmul.u32 $0x120, v2;
	v3 =	vnsel vm0, $0x6, v14;
	vm0 =	vlt.s32 v16, $0x6  }
0x60: {  	v5 =	vadd.s32 v17, v5;
	v14 =	vld [tilespmem:s30+$0x50];
	v3 =	vmul.u32 $0x120, v3;
	v16 =	vnsel vm0, $0x6, v16  }
0x61: {  	[tilespmem:s30+$0x3200] =	vst v5;
	v5 =	vadd.s32 v4, v9;
	v9 =	vld [tilespmem:s30+$0x60];
	v4 =	vmul.u32 $0x120, v16  }
0x62: {  	[tilespmem:s30+$0x3210] =	vst v5;
	v5 =	vadd.s32 v20, v6;
	v16 =	vld [tilespmem:s30+$0x70]  }
0x63: {  	[tilespmem:s30+$0x3220] =	vst v5;
	v5 =	vadd.s32 v7, v10;
	v10 =	vld [tilespmem:s30+$0x80]  }
0x64: {  	[tilespmem:s30+$0x3230] =	vst v5;
	v5 =	vadd.s32 v8, v11;
	v11 =	vld [tilespmem:s30+$0x90]  }
.Ltmp2:
0x65: {  	[tilespmem:s30+$0x3240] =	vst v5;
	v6 =	vadd.s32 v14, v12;
	v5 =	vld [tilespmem:s30+$0xA0];
	(pc) =	sbr.rel @p0 .LBB2_2-.Ltmp2, $4  }
0x66: {  	[tilespmem:s30+$0x3250] =	vst v6;
	v7 =	vadd.s32 v9, v13;
	v6 =	vld [tilespmem:s30+$0xB0]  }
0x67: {  	[tilespmem:s30+$0x3260] =	vst v7;
	v8 =	vadd.s32 v16, v15;
	v7 =	vld [tilespmem:s30+$0xC0]  }
0x68: {  	[tilespmem:s30+$0x3270] =	vst v8;
	v9 =	vadd.s32 v10, v18;
	v8 =	vld [tilespmem:s30+$0xD0]  }
0x69: {  	s0 =	sshra.s32 s1, $0x2;
	s1 =	sadd.s32 $0x400, s1;
	[tilespmem:s30+$0x3280] =	vst v9;
	v10 =	vadd.s32 v11, v19;
	v9 =	vld [tilespmem:s30+$0xE0]  }
0x6a: {  	v11 =	vld [tilespmem:s0+$0x19F0];
	[tilespmem:s30+$0x3290] =	vst v10;
	v1 =	vadd.s32 v5, v1  }
0x6b: {  	v22 =	vld [tilespmem:s0+$0x1900];
	[tilespmem:s30+$0x32A0] =	vst v1;
	v0 =	vadd.s32 v6, v0  }
0x6c: {  	v1 =	vld [tilespmem:s0+$0x1910];
	[tilespmem:s30+$0x32B0] =	vst v0;
	v23 =	vadd.s32 v7, v2  }
0x6d: {  	v24 =	vld [tilespmem:s0+$0x1920];
	[tilespmem:s30+$0x32C0] =	vst v23;
	v25 =	vadd.s32 v8, v3  }
0x6e: {  	v26 =	vld [tilespmem:s0+$0xF0];
	[tilespmem:s30+$0x32D0] =	vst v25;
	v27 =	vadd.s32 v9, v4  }
0x6f: {  	v28 =	vld [tilespmem:s0+$0x1930];
	[tilespmem:s30+$0x32E0] =	vst v27  }
0x70: {  	v0 =	vld [tilespmem:s0+$0x1940]  }
0x71: {  	v30 =	vld [tilespmem:s0+$0x1950]  }
0x72: {  	v31 =	vld [tilespmem:s0+$0x1960]  }
0x73: {  	v32 =	vld [tilespmem:s0+$0x1970]  }
0x74: {  	v33 =	vld [tilespmem:s0+$0x1980]  }
0x75: {  	v34 =	vld [tilespmem:s0+$0x1990]  }
0x76: {  	v10 =	vld [tilespmem:s0+$0x19A0]  }
0x77: {  	vm0 =	vlt.s32 v11, $0x6;
	v15 =	vld [tilespmem:s0+$0x0]  }
0x78: {  	v29 =	vnsel vm0, $0x6, v11;
	vm13 =	vlt.s32 v22, $0x6;
	v16 =	vld [tilespmem:s0+$0x10]  }
0x79: {  	v35 =	vld [tilespmem:s0+$0x19B0];
	v6 =	vmul.u32 $0x120, v29;
	v5 =	vnsel vm13, $0x6, v22;
	vm14 =	vlt.s32 v1, $0x6  }
0x7a: {  	v12 =	vld [tilespmem:s0+$0x19C0];
	v5 =	vmul.u32 $0x120, v5;
	v1 =	vnsel vm14, $0x6, v1;
	vm15 =	vlt.s32 v24, $0x6  }
0x7b: {  	v13 =	vld [tilespmem:s0+$0x19D0];
	v3 =	vadd.s32 v26, v6;
	v1 =	vmul.u32 $0x120, v1;
	v2 =	vnsel vm15, $0x6, v24  }
0x7c: {  	v14 =	vld [tilespmem:s0+$0x19E0];
	v2 =	vmul.u32 $0x120, v2;
	vm4 =	vlt.s32 v28, $0x6;
	v5 =	vadd.s32 v15, v5  }
0x7d: {  	v17 =	vld [tilespmem:s0+$0x20];
	v1 =	vadd.s32 v16, v1;
	v4 =	vnsel vm4, $0x6, v28;
	vm5 =	vlt.s32 v0, $0x6  }
0x7e: {  	v18 =	vld [tilespmem:s0+$0x30];
	vm6 =	vlt.s32 v30, $0x6;
	vm7 =	vlt.s32 v31, $0x6;
	vm8 =	vlt.s32 v32, $0x6  }
0x7f: {  	v19 =	vld [tilespmem:s0+$0x40];
	vm9 =	vlt.s32 v33, $0x6;
	vm10 =	vlt.s32 v34, $0x6;
	vm11 =	vlt.s32 v10, $0x6  }
0x80: {  	v36 =	vld [tilespmem:s0+$0x50];
	[tilespmem:s0+$0x32F0] =	vst v3;
	vm12 =	vlt.s32 v35, $0x6;
	vm13 =	vlt.s32 v12, $0x6;
	vm14 =	vlt.s32 v13, $0x6  }
0x81: {  	v40 =	vld [tilespmem:s0+$0x80];
	vm15 =	vlt.s32 v14, $0x6;
	[tilespmem:s0+$0x3200] =	vst v5;
	v38 =	vmul.u32 $0x120, v4;
	v0 =	vnsel vm5, $0x6, v0  }
0x82: {  	v44 =	vld [tilespmem:s0+$0xA0];
	[tilespmem:s0+$0x3210] =	vst v1;
	v2 =	vadd.s32 v17, v2;
	v7 =	vnsel vm6, $0x6, v30;
	v0 =	vmul.u32 $0x120, v0  }
0x83: {  	v48 =	vld [tilespmem:s0+$0xC0];
	v6 =	vnsel vm9, $0x6, v33;
	[tilespmem:s0+$0x3220] =	vst v2;
	v41 =	vmul.u32 $0x120, v7;
	v1 =	vadd.s32 v18, v38  }
0x84: {  	v51 =	vld [tilespmem:s0+$0xD0];
	v49 =	vnsel vm11, $0x6, v10;
	v6 =	vmul.u32 $0x120, v6;
	[tilespmem:s0+$0x3230] =	vst v1;
	v0 =	vadd.s32 v19, v0  }
0x85: {  	v37 =	vld [tilespmem:s0+$0x60];
	v52 =	vnsel vm13, $0x6, v12;
	v4 =	vmul.u32 $0x120, v49;
	v1 =	vadd.s32 v36, v41;
	[tilespmem:s0+$0x3240] =	vst v0  }
0x86: {  	v39 =	vld [tilespmem:s0+$0x70];
	v55 =	vnsel vm14, $0x6, v13;
	v53 =	vmul.u32 $0x120, v52;
	v2 =	vadd.s32 v40, v6;
	[tilespmem:s0+$0x3250] =	vst v1  }
0x87: {  	v54 =	vld [tilespmem:s0+$0xE0];
	v8 =	vnsel vm7, $0x6, v31;
	v57 =	vmul.u32 $0x120, v55;
	v56 =	vadd.s32 v44, v4;
	[tilespmem:s0+$0x3280] =	vst v2  }
0x88: {  	v42 =	vld [tilespmem:s0+$0x90];
	v9 =	vnsel vm8, $0x6, v32;
	v43 =	vmul.u32 $0x120, v8;
	v61 =	vadd.s32 v48, v53;
	[tilespmem:s0+$0x32A0] =	vst v56  }
0x89: {  	v46 =	vld [tilespmem:s0+$0xB0];
	v58 =	vnsel vm15, $0x6, v14;
	v45 =	vmul.u32 $0x120, v9;
	v62 =	vadd.s32 v51, v57;
	[tilespmem:s0+$0x32C0] =	vst v61  }
0x8a: {  	v47 =	vnsel vm10, $0x6, v34;
	v60 =	vmul.u32 $0x120, v58;
	v0 =	vadd.s32 v37, v43;
	[tilespmem:s0+$0x32D0] =	vst v62  }
0x8b: {  	v50 =	vnsel vm12, $0x6, v35;
	v1 =	vadd.s32 v39, v45;
	[tilespmem:s0+$0x3260] =	vst v0;
	v0 =	vmul.u32 $0x120, v47  }
0x8c: {  	v63 =	vadd.s32 v54, v60;
	[tilespmem:s0+$0x3270] =	vst v1;
	v1 =	vmul.u32 $0x120, v50  }
0x8d: {  	[tilespmem:s0+$0x32E0] =	vst v63;
	v0 =	vadd.s32 v42, v0  }
0x8e: {  	v59 =	vadd.s32 v46, v1;
	[tilespmem:s0+$0x3290] =	vst v0  }
0x8f: {  	s31 =	simm.s32 $0x3200;
	s30 =	simm.s32 $0x0;
	[tilespmem:s0+$0x32B0] =	vst v59  }
0x90: {  	[tilespmem:s22], [sflag:$0x1] =	stream.indirect.gather [spmem:s2], $0x80, s31, s20, $0xb8;
	[tilespmem:$0x1A600] =	vst v63  }
.LBB2_4:
0x91: {  	p0 =	sne.s32 s30, $0x0  }
.Ltmp3:
0x92: {  	_ = 	snop;
	(pc) =	sbr.rel @!p0 .LBB2_5-.Ltmp3, $3  }
0x93: {  	s31 =	sshllo.u32 s30, $0x1  }
0x94: {  	s0 =	smul.u32 $0x320, s31;
	_ =	sdelay $0x1  }
0x95: {  	s0 =	sshra.s32 s0, $0x2  }
0x96: {  	p0 =	seq.s32 s30, $0x2A  }
.Ltmp4:
0x97: {  	_ = 	snop;
	(pc) =	sbr.rel @p0 .LBB2_15-.Ltmp4, $4  }
0x98: {  	_ =	swait.ge [sflag:s28], $0x6400  }
0x99: {  	[sflag:s28] =	ssyncset.done $0x0  }
0x9a: {  	s0 =	sadd.s32 $0x3200, s0;
	[sflag:s28] =	ssyncadd.s32 $0xFFFF9C00  }
0x9b: {  	[tilespmem:s23], [sflag:$0x2] =	stream.indirect.gather [spmem:s2], $0x80, s0, s20, $0xb8;
	[tilespmem:$0x1A600] =	vst v63  }
0x9c: {  	p0 =	seq.s32 s30, $0x1A  }
.Ltmp5:
0x9d: {  	_ = 	snop;
	(pc) =	sbr.rel @p0 .LBB2_12-.Ltmp5, $1  }
0x9e: {  	_ =	sdelay $0x3  }
0x9f: {  	p0 =	sne.s32 s30, $0xA  }
.Ltmp6:
0xa0: {  	_ = 	snop;
	(pc) =	sbr.rel @p0 .LBB2_18-.Ltmp6, $1  }
0xa1: {  	_ =	sdelay $0x3  }
0xa2: {  	s0 =	simm.s32 $0x0  }
0xa3: {  	[tilespmem:s0], [sflag:$0x5] =	stream.linear.gather [hbm4b:s10+s0], $0x1900, $0x38;
	[tilespmem:$0x1A600] =	vst v63  }
0xa4: {  	_ =	swait.ge [sflag:s18], $0x1900  }
0xa5: {  	[sflag:s18] =	ssyncset.done $0x0  }
0xa6: {  	[sflag:s18] =	ssyncadd.s32 $0xFFFFE700  }
0xa7: {  	[tilespmem:s19], [sflag:$0x5] =	stream.linear.gather [hbm4b:s11+s0], $0x1900, $0x38;
	[tilespmem:$0x1A600] =	vst v63  }
0xa8: {  	_ =	swait.ge [sflag:s18], $0x1900  }
0xa9: {  	[sflag:s18] =	ssyncset.done $0x0  }
0xaa: {  	s0 =	simm.s32 $0x0;
	[sflag:s18] =	ssyncadd.s32 $0xFFFFE700  }
0xab: {  	v0 =	vld [tilespmem:s0+$0x19F0]  }
0xac: {  	v1 =	vld [tilespmem:s0+$0x1900]  }
0xad: {  	v2 =	vld [tilespmem:s0+$0x1910]  }
0xae: {  	v3 =	vld [tilespmem:s0+$0x1920]  }
0xaf: {  	v4 =	vld [tilespmem:s0+$0xF0]  }
0xb0: {  	v5 =	vld [tilespmem:s0+$0x1930]  }
0xb1: {  	v6 =	vld [tilespmem:s0+$0x1940]  }
0xb2: {  	v7 =	vld [tilespmem:s0+$0x1950]  }
0xb3: {  	v8 =	vld [tilespmem:s0+$0x1960]  }
0xb4: {  	v9 =	vld [tilespmem:s0+$0x1970]  }
0xb5: {  	v10 =	vld [tilespmem:s0+$0x19A0]  }
0xb6: {  	v11 =	vld [tilespmem:s0+$0x19B0]  }
0xb7: {  	v12 =	vld [tilespmem:s0+$0x19C0]  }
0xb8: {  	v13 =	vld [tilespmem:s0+$0x19D0]  }
0xb9: {  	v14 =	vld [tilespmem:s0+$0x19E0];
	vm0 =	vlt.s32 v0, $0x6;
	vm14 =	vlt.s32 v1, $0x6  }
0xba: {  	v15 =	vld [tilespmem:s0+$0x0];
	vm15 =	vlt.s32 v2, $0x6;
	vm4 =	vlt.s32 v3, $0x6;
	vm5 =	vlt.s32 v5, $0x6  }
0xbb: {  	v16 =	vld [tilespmem:s0+$0x10];
	vm6 =	vlt.s32 v6, $0x6;
	vm7 =	vlt.s32 v7, $0x6;
	v0 =	vnsel vm0, $0x6, v0  }
0xbc: {  	v17 =	vld [tilespmem:s0+$0x20];
	vm8 =	vlt.s32 v8, $0x6;
	v1 =	vnsel vm14, $0x6, v1;
	v0 =	vmul.u32 $0x120, v0  }
0xbd: {  	v18 =	vld [tilespmem:s0+$0x30];
	vm9 =	vlt.s32 v9, $0x6;
	v2 =	vnsel vm15, $0x6, v2;
	v1 =	vmul.u32 $0x120, v1  }
0xbe: {  	v19 =	vld [tilespmem:s0+$0x40];
	vm11 =	vlt.s32 v10, $0x6;
	v2 =	vmul.u32 $0x120, v2;
	v0 =	vadd.s32 v4, v0  }
0xbf: {  	vm12 =	vlt.s32 v11, $0x6;
	v3 =	vnsel vm4, $0x6, v3;
	v4 =	vld [tilespmem:s0+$0x1980];
	v1 =	vadd.s32 v15, v1;
	[tilespmem:s0+$0x4BF0] =	vst v0  }
0xc0: {  	v60 =	vld [tilespmem:s0+$0x50];
	v5 =	vnsel vm5, $0x6, v5;
	v2 =	vadd.s32 v16, v2;
	[tilespmem:s0+$0x4B00] =	vst v1;
	v1 =	vmul.u32 $0x120, v3  }
0xc1: {  	vm13 =	vlt.s32 v12, $0x6;
	vm14 =	vlt.s32 v13, $0x6;
	v0 =	vld [tilespmem:s0+$0x1990];
	[tilespmem:s0+$0x4B10] =	vst v2;
	v2 =	vmul.u32 $0x120, v5  }
0xc2: {  	vm15 =	vlt.s32 v14, $0x6;
	v5 =	vnsel vm6, $0x6, v6;
	v1 =	vadd.s32 v17, v1  }
0xc3: {  	v3 =	vld [tilespmem:s0+$0x60];
	v2 =	vadd.s32 v18, v2;
	[tilespmem:s0+$0x4B20] =	vst v1;
	v1 =	vmul.u32 $0x120, v5;
	v5 =	vnsel vm7, $0x6, v7  }
0xc4: {  	v61 =	vld [tilespmem:s0+$0x70];
	[tilespmem:s0+$0x4B30] =	vst v2;
	v2 =	vmul.u32 $0x120, v5;
	v5 =	vnsel vm8, $0x6, v8;
	vm1 =	vlt.s32 v4, $0x6  }
0xc5: {  	v1 =	vadd.s32 v19, v1;
	v6 =	vmul.u32 $0x120, v5;
	v4 =	vnsel vm1, $0x6, v4  }
0xc6: {  	v62 =	vld [tilespmem:s0+$0x80];
	vm10 =	vlt.s32 v0, $0x6;
	[tilespmem:s0+$0x4B40] =	vst v1;
	v1 =	vnsel vm9, $0x6, v9;
	v2 =	vadd.s32 v60, v2  }
0xc7: {  	v63 =	vld [tilespmem:s0+$0x90];
	v4 =	vmul.u32 $0x120, v4;
	v0 =	vnsel vm10, $0x6, v0;
	v1 =	vmul.u32 $0x120, v1  }
0xc8: {  	v5 =	vld [tilespmem:s0+$0xA0];
	[tilespmem:s0+$0x4B50] =	vst v2;
	v2 =	vadd.s32 v3, v6;
	v9 =	vmul.u32 $0x120, v0;
	v0 =	vnsel vm11, $0x6, v10  }
0xc9: {  	v6 =	vld [tilespmem:s0+$0xB0];
	v10 =	vnsel vm15, $0x6, v14;
	[tilespmem:s0+$0x4B60] =	vst v2;
	v2 =	vnsel vm12, $0x6, v11;
	v3 =	vadd.s32 v61, v1  }
0xca: {  	v7 =	vld [tilespmem:s0+$0xC0];
	v1 =	vmul.u32 $0x120, v0;
	v0 =	vmul.u32 $0x120, v2;
	v2 =	vnsel vm13, $0x6, v12  }
0xcb: {  	v8 =	vld [tilespmem:s0+$0xD0];
	[tilespmem:s0+$0x4B70] =	vst v3;
	v3 =	vadd.s32 v62, v4;
	v2 =	vmul.u32 $0x120, v2;
	v4 =	vnsel vm14, $0x6, v13  }
0xcc: {  	s1 =	simm.s32 $0x100;
	s21 =	simm.s32 $0x800;
	[tilespmem:s0+$0x4B80] =	vst v3;
	v3 =	vmul.u32 $0x120, v4;
	v4 =	vmul.u32 $0x120, v10;
	v10 =	vadd.s32 v63, v9;
	v9 =	vld [tilespmem:s0+$0xE0]  }
.LBB2_10:
0xcd: {  	p0 =	seq.s32 s21, $0x6000;
	v11 =	vld [tilespmem:s1+$0x19F0];
	[tilespmem:s0+$0x4B90] =	vst v10;
	v1 =	vadd.s32 v5, v1  }
0xce: {  	v5 =	vld [tilespmem:s1+$0x1900];
	[tilespmem:s0+$0x4BA0] =	vst v1;
	v0 =	vadd.s32 v6, v0  }
0xcf: {  	v1 =	vld [tilespmem:s1+$0x1910];
	[tilespmem:s0+$0x4BB0] =	vst v0;
	v0 =	vadd.s32 v7, v2  }
0xd0: {  	v2 =	vld [tilespmem:s1+$0x1920];
	[tilespmem:s0+$0x4BC0] =	vst v0;
	v0 =	vadd.s32 v8, v3  }
0xd1: {  	v3 =	vld [tilespmem:s1+$0xF0];
	[tilespmem:s0+$0x4BD0] =	vst v0;
	v0 =	vadd.s32 v9, v4  }
0xd2: {  	v4 =	vld [tilespmem:s1+$0x1930];
	vm0 =	vlt.s32 v11, $0x6;
	[tilespmem:s0+$0x4BE0] =	vst v0;
	s0 =	smov.u32 s1  }
0xd3: {  	vm1 =	vlt.s32 v5, $0x6;
	v0 =	vld [tilespmem:s0+$0x1940];
	v6 =	vnsel vm0, $0x6, v11  }
0xd4: {  	v5 =	vnsel vm1, $0x6, v5;
	vm0 =	vlt.s32 v1, $0x6;
	v7 =	vld [tilespmem:s0+$0x1950];
	v6 =	vmul.u32 $0x120, v6  }
0xd5: {  	v5 =	vmul.u32 $0x120, v5;
	v1 =	vnsel vm0, $0x6, v1;
	vm0 =	vlt.s32 v2, $0x6;
	v8 =	vld [tilespmem:s0+$0x1960]  }
0xd6: {  	v9 =	vmul.u32 $0x120, v1;
	v1 =	vnsel vm0, $0x6, v2;
	v2 =	vld [tilespmem:s0+$0x1970];
	v3 =	vadd.s32 v3, v6  }
0xd7: {  	v6 =	vmul.u32 $0x120, v1;
	vm0 =	vlt.s32 v4, $0x6;
	v1 =	vld [tilespmem:s0+$0x1980];
	[tilespmem:s0+$0x4BF0] =	vst v3  }
0xd8: {  	v3 =	vnsel vm0, $0x6, v4;
	vm0 =	vlt.s32 v0, $0x6;
	v4 =	vld [tilespmem:s0+$0x1990]  }
0xd9: {  	v10 =	vmul.u32 $0x120, v3;
	v0 =	vnsel vm0, $0x6, v0;
	vm0 =	vlt.s32 v7, $0x6;
	v3 =	vld [tilespmem:s0+$0x19A0]  }
0xda: {  	v11 =	vmul.u32 $0x120, v0;
	v0 =	vnsel vm0, $0x6, v7;
	vm0 =	vlt.s32 v8, $0x6;
	v7 =	vld [tilespmem:s0+$0x19B0]  }
0xdb: {  	v12 =	vmul.u32 $0x120, v0;
	v0 =	vnsel vm0, $0x6, v8;
	vm0 =	vlt.s32 v2, $0x6;
	v8 =	vld [tilespmem:s0+$0x19C0]  }
0xdc: {  	v13 =	vmul.u32 $0x120, v0;
	v0 =	vnsel vm0, $0x6, v2;
	vm0 =	vlt.s32 v1, $0x6;
	v14 =	vld [tilespmem:s0+$0x19D0]  }
0xdd: {  	v15 =	vmul.u32 $0x120, v0;
	v0 =	vnsel vm0, $0x6, v1;
	vm0 =	vlt.s32 v4, $0x6;
	v16 =	vld [tilespmem:s0+$0x19E0]  }
0xde: {  	v17 =	vld [tilespmem:s0+$0x0];
	v18 =	vmul.u32 $0x120, v0;
	v0 =	vnsel vm0, $0x6, v4;
	vm0 =	vlt.s32 v3, $0x6  }
0xdf: {  	v4 =	vld [tilespmem:s0+$0x10];
	v19 =	vmul.u32 $0x120, v0;
	v0 =	vnsel vm0, $0x6, v3;
	vm0 =	vlt.s32 v7, $0x6  }
0xe0: {  	v20 =	vld [tilespmem:s0+$0x20];
	v1 =	vmul.u32 $0x120, v0;
	v0 =	vnsel vm0, $0x6, v7;
	vm0 =	vlt.s32 v8, $0x6  }
0xe1: {  	v7 =	vld [tilespmem:s0+$0x30];
	v0 =	vmul.u32 $0x120, v0;
	v2 =	vnsel vm0, $0x6, v8;
	vm0 =	vlt.s32 v14, $0x6  }
0xe2: {  	v8 =	vld [tilespmem:s0+$0x40];
	v2 =	vmul.u32 $0x120, v2;
	v3 =	vnsel vm0, $0x6, v14;
	vm0 =	vlt.s32 v16, $0x6  }
0xe3: {  	v5 =	vadd.s32 v17, v5;
	v14 =	vld [tilespmem:s0+$0x50];
	v3 =	vmul.u32 $0x120, v3;
	v16 =	vnsel vm0, $0x6, v16  }
0xe4: {  	[tilespmem:s0+$0x4B00] =	vst v5;
	v5 =	vadd.s32 v4, v9;
	v9 =	vld [tilespmem:s0+$0x60];
	v4 =	vmul.u32 $0x120, v16  }
0xe5: {  	[tilespmem:s0+$0x4B10] =	vst v5;
	v5 =	vadd.s32 v20, v6;
	v16 =	vld [tilespmem:s0+$0x70]  }
0xe6: {  	[tilespmem:s0+$0x4B20] =	vst v5;
	v5 =	vadd.s32 v7, v10;
	v10 =	vld [tilespmem:s0+$0x80]  }
0xe7: {  	[tilespmem:s0+$0x4B30] =	vst v5;
	v5 =	vadd.s32 v8, v11;
	v11 =	vld [tilespmem:s0+$0x90]  }
.Ltmp7:
0xe8: {  	[tilespmem:s0+$0x4B40] =	vst v5;
	v6 =	vadd.s32 v14, v12;
	v5 =	vld [tilespmem:s0+$0xA0];
	(pc) =	sbr.rel @!p0 .LBB2_10-.Ltmp7, $4  }
0xe9: {  	[tilespmem:s0+$0x4B50] =	vst v6;
	v7 =	vadd.s32 v9, v13;
	v6 =	vld [tilespmem:s0+$0xB0]  }
0xea: {  	[tilespmem:s0+$0x4B60] =	vst v7;
	v8 =	vadd.s32 v16, v15;
	v7 =	vld [tilespmem:s0+$0xC0]  }
0xeb: {  	[tilespmem:s0+$0x4B70] =	vst v8;
	v9 =	vadd.s32 v10, v18;
	v8 =	vld [tilespmem:s0+$0xD0]  }
0xec: {  	s1 =	sshra.s32 s21, $0x2;
	s21 =	sadd.s32 $0x400, s21;
	[tilespmem:s0+$0x4B80] =	vst v9;
	v10 =	vadd.s32 v11, v19;
	v9 =	vld [tilespmem:s0+$0xE0]  }
0xed: {  	v11 =	vld [tilespmem:s1+$0x19F0];
	[tilespmem:s0+$0x4B90] =	vst v10;
	v1 =	vadd.s32 v5, v1  }
0xee: {  	v22 =	vld [tilespmem:s1+$0x1900];
	[tilespmem:s0+$0x4BA0] =	vst v1;
	v0 =	vadd.s32 v6, v0  }
0xef: {  	v1 =	vld [tilespmem:s1+$0x1910];
	[tilespmem:s0+$0x4BB0] =	vst v0;
	v23 =	vadd.s32 v7, v2  }
0xf0: {  	v24 =	vld [tilespmem:s1+$0x1920];
	[tilespmem:s0+$0x4BC0] =	vst v23;
	v25 =	vadd.s32 v8, v3  }
0xf1: {  	v26 =	vld [tilespmem:s1+$0xF0];
	[tilespmem:s0+$0x4BD0] =	vst v25;
	v27 =	vadd.s32 v9, v4  }
0xf2: {  	v28 =	vld [tilespmem:s1+$0x1930];
	[tilespmem:s0+$0x4BE0] =	vst v27  }
0xf3: {  	v0 =	vld [tilespmem:s1+$0x1940]  }
0xf4: {  	v30 =	vld [tilespmem:s1+$0x1950]  }
0xf5: {  	v31 =	vld [tilespmem:s1+$0x1960]  }
0xf6: {  	v32 =	vld [tilespmem:s1+$0x1970]  }
0xf7: {  	v33 =	vld [tilespmem:s1+$0x1980]  }
0xf8: {  	v34 =	vld [tilespmem:s1+$0x1990]  }
0xf9: {  	v10 =	vld [tilespmem:s1+$0x19A0]  }
0xfa: {  	vm0 =	vlt.s32 v11, $0x6;
	v15 =	vld [tilespmem:s1+$0x0]  }
0xfb: {  	v29 =	vnsel vm0, $0x6, v11;
	vm13 =	vlt.s32 v22, $0x6;
	v16 =	vld [tilespmem:s1+$0x10]  }
0xfc: {  	v35 =	vld [tilespmem:s1+$0x19B0];
	v6 =	vmul.u32 $0x120, v29;
	v5 =	vnsel vm13, $0x6, v22;
	vm14 =	vlt.s32 v1, $0x6  }
0xfd: {  	v12 =	vld [tilespmem:s1+$0x19C0];
	v5 =	vmul.u32 $0x120, v5;
	v1 =	vnsel vm14, $0x6, v1;
	vm15 =	vlt.s32 v24, $0x6  }
0xfe: {  	v13 =	vld [tilespmem:s1+$0x19D0];
	v3 =	vadd.s32 v26, v6;
	v1 =	vmul.u32 $0x120, v1;
	v2 =	vnsel vm15, $0x6, v24  }
0xff: {  	v14 =	vld [tilespmem:s1+$0x19E0];
	v2 =	vmul.u32 $0x120, v2;
	vm4 =	vlt.s32 v28, $0x6;
	v5 =	vadd.s32 v15, v5  }
0x100: {  	v17 =	vld [tilespmem:s1+$0x20];
	v1 =	vadd.s32 v16, v1;
	v4 =	vnsel vm4, $0x6, v28;
	vm5 =	vlt.s32 v0, $0x6  }
0x101: {  	v18 =	vld [tilespmem:s1+$0x30];
	vm6 =	vlt.s32 v30, $0x6;
	vm7 =	vlt.s32 v31, $0x6;
	vm8 =	vlt.s32 v32, $0x6  }
0x102: {  	v19 =	vld [tilespmem:s1+$0x40];
	vm9 =	vlt.s32 v33, $0x6;
	vm10 =	vlt.s32 v34, $0x6;
	vm11 =	vlt.s32 v10, $0x6  }
0x103: {  	v36 =	vld [tilespmem:s1+$0x50];
	[tilespmem:s1+$0x4BF0] =	vst v3;
	vm12 =	vlt.s32 v35, $0x6;
	vm13 =	vlt.s32 v12, $0x6;
	vm14 =	vlt.s32 v13, $0x6  }
0x104: {  	v40 =	vld [tilespmem:s1+$0x80];
	vm15 =	vlt.s32 v14, $0x6;
	[tilespmem:s1+$0x4B00] =	vst v5;
	v38 =	vmul.u32 $0x120, v4;
	v0 =	vnsel vm5, $0x6, v0  }
0x105: {  	v44 =	vld [tilespmem:s1+$0xA0];
	[tilespmem:s1+$0x4B10] =	vst v1;
	v2 =	vadd.s32 v17, v2;
	v7 =	vnsel vm6, $0x6, v30;
	v0 =	vmul.u32 $0x120, v0  }
0x106: {  	v48 =	vld [tilespmem:s1+$0xC0];
	v6 =	vnsel vm9, $0x6, v33;
	[tilespmem:s1+$0x4B20] =	vst v2;
	v41 =	vmul.u32 $0x120, v7;
	v1 =	vadd.s32 v18, v38  }
0x107: {  	v51 =	vld [tilespmem:s1+$0xD0];
	v49 =	vnsel vm11, $0x6, v10;
	v6 =	vmul.u32 $0x120, v6;
	[tilespmem:s1+$0x4B30] =	vst v1;
	v0 =	vadd.s32 v19, v0  }
0x108: {  	v37 =	vld [tilespmem:s1+$0x60];
	v52 =	vnsel vm13, $0x6, v12;
	v4 =	vmul.u32 $0x120, v49;
	v1 =	vadd.s32 v36, v41;
	[tilespmem:s1+$0x4B40] =	vst v0  }
0x109: {  	v39 =	vld [tilespmem:s1+$0x70];
	v55 =	vnsel vm14, $0x6, v13;
	v53 =	vmul.u32 $0x120, v52;
	v2 =	vadd.s32 v40, v6;
	[tilespmem:s1+$0x4B50] =	vst v1  }
0x10a: {  	v54 =	vld [tilespmem:s1+$0xE0];
	v8 =	vnsel vm7, $0x6, v31;
	v57 =	vmul.u32 $0x120, v55;
	v56 =	vadd.s32 v44, v4;
	[tilespmem:s1+$0x4B80] =	vst v2  }
0x10b: {  	v42 =	vld [tilespmem:s1+$0x90];
	v9 =	vnsel vm8, $0x6, v32;
	v43 =	vmul.u32 $0x120, v8;
	v61 =	vadd.s32 v48, v53;
	[tilespmem:s1+$0x4BA0] =	vst v56  }
0x10c: {  	v46 =	vld [tilespmem:s1+$0xB0];
	v58 =	vnsel vm15, $0x6, v14;
	v45 =	vmul.u32 $0x120, v9;
	v62 =	vadd.s32 v51, v57;
	[tilespmem:s1+$0x4BC0] =	vst v61  }
0x10d: {  	v47 =	vnsel vm10, $0x6, v34;
	v60 =	vmul.u32 $0x120, v58;
	v0 =	vadd.s32 v37, v43;
	[tilespmem:s1+$0x4BD0] =	vst v62  }
.Ltmp8:
0x10e: {  	v50 =	vnsel vm12, $0x6, v35;
	v1 =	vadd.s32 v39, v45;
	[tilespmem:s1+$0x4B60] =	vst v0;
	v0 =	vmul.u32 $0x120, v47;
	(pc) =	sbr.rel .LBB2_18-.Ltmp8, $4  }
0x10f: {  	v63 =	vadd.s32 v54, v60;
	[tilespmem:s1+$0x4B70] =	vst v1;
	v1 =	vmul.u32 $0x120, v50  }
0x110: {  	[tilespmem:s1+$0x4BE0] =	vst v63;
	v0 =	vadd.s32 v42, v0  }
0x111: {  	v59 =	vadd.s32 v46, v1;
	[tilespmem:s1+$0x4B90] =	vst v0  }
0x112: {  	[tilespmem:s1+$0x4BB0] =	vst v59  }
.LBB2_5:
.Ltmp9:
0x113: {  	(pc) =	sbr.rel .LBB2_18-.Ltmp9, $3  }
0x114: {  	_ =	sdelay $0x1  }
0x115: {  	s0 =	sadd.s32 $0x3200, s0  }
0x116: {  	[tilespmem:s23], [sflag:$0x2] =	stream.indirect.gather [spmem:s2], $0x80, s0, s20, $0xb8;
	[tilespmem:$0x1A600] =	vst v63  }
.LBB2_12:
0x117: {  	s0 =	simm.s32 $0x0  }
0x118: {  	[tilespmem:s0], [sflag:$0x5] =	stream.linear.gather [hbm4b:s12+s0], $0x1900, $0x38;
	[tilespmem:$0x1A600] =	vst v63  }
0x119: {  	_ =	swait.ge [sflag:s18], $0x1900  }
0x11a: {  	[sflag:s18] =	ssyncset.done $0x0  }
0x11b: {  	[sflag:s18] =	ssyncadd.s32 $0xFFFFE700  }
0x11c: {  	[tilespmem:s19], [sflag:$0x5] =	stream.linear.gather [hbm4b:s13+s0], $0x1900, $0x38;
	[tilespmem:$0x1A600] =	vst v63  }
0x11d: {  	_ =	swait.ge [sflag:s18], $0x1900  }
0x11e: {  	[sflag:s18] =	ssyncset.done $0x0  }
0x11f: {  	s0 =	simm.s32 $0x0;
	[sflag:s18] =	ssyncadd.s32 $0xFFFFE700  }
0x120: {  	v0 =	vld [tilespmem:s0+$0x19F0]  }
0x121: {  	v1 =	vld [tilespmem:s0+$0x1900]  }
0x122: {  	v2 =	vld [tilespmem:s0+$0x1910]  }
0x123: {  	v3 =	vld [tilespmem:s0+$0x1920]  }
0x124: {  	v4 =	vld [tilespmem:s0+$0xF0]  }
0x125: {  	v5 =	vld [tilespmem:s0+$0x1930]  }
0x126: {  	v6 =	vld [tilespmem:s0+$0x1940]  }
0x127: {  	v7 =	vld [tilespmem:s0+$0x1950]  }
0x128: {  	v8 =	vld [tilespmem:s0+$0x1960]  }
0x129: {  	v9 =	vld [tilespmem:s0+$0x1970]  }
0x12a: {  	v10 =	vld [tilespmem:s0+$0x19A0]  }
0x12b: {  	v11 =	vld [tilespmem:s0+$0x19B0]  }
0x12c: {  	v12 =	vld [tilespmem:s0+$0x19C0]  }
0x12d: {  	v13 =	vld [tilespmem:s0+$0x19D0]  }
0x12e: {  	v14 =	vld [tilespmem:s0+$0x19E0];
	vm0 =	vlt.s32 v0, $0x6;
	vm14 =	vlt.s32 v1, $0x6  }
0x12f: {  	v15 =	vld [tilespmem:s0+$0x0];
	vm15 =	vlt.s32 v2, $0x6;
	vm4 =	vlt.s32 v3, $0x6;
	vm5 =	vlt.s32 v5, $0x6  }
0x130: {  	v16 =	vld [tilespmem:s0+$0x10];
	vm6 =	vlt.s32 v6, $0x6;
	vm7 =	vlt.s32 v7, $0x6;
	v0 =	vnsel vm0, $0x6, v0  }
0x131: {  	v17 =	vld [tilespmem:s0+$0x20];
	vm8 =	vlt.s32 v8, $0x6;
	v1 =	vnsel vm14, $0x6, v1;
	v0 =	vmul.u32 $0x120, v0  }
0x132: {  	v18 =	vld [tilespmem:s0+$0x30];
	vm9 =	vlt.s32 v9, $0x6;
	v2 =	vnsel vm15, $0x6, v2;
	v1 =	vmul.u32 $0x120, v1  }
0x133: {  	v19 =	vld [tilespmem:s0+$0x40];
	vm11 =	vlt.s32 v10, $0x6;
	v2 =	vmul.u32 $0x120, v2;
	v0 =	vadd.s32 v4, v0  }
0x134: {  	vm12 =	vlt.s32 v11, $0x6;
	v3 =	vnsel vm4, $0x6, v3;
	v4 =	vld [tilespmem:s0+$0x1980];
	v1 =	vadd.s32 v15, v1;
	[tilespmem:s0+$0x64F0] =	vst v0  }
0x135: {  	v60 =	vld [tilespmem:s0+$0x50];
	v5 =	vnsel vm5, $0x6, v5;
	v2 =	vadd.s32 v16, v2;
	[tilespmem:s0+$0x6400] =	vst v1;
	v1 =	vmul.u32 $0x120, v3  }
0x136: {  	vm13 =	vlt.s32 v12, $0x6;
	vm14 =	vlt.s32 v13, $0x6;
	v0 =	vld [tilespmem:s0+$0x1990];
	[tilespmem:s0+$0x6410] =	vst v2;
	v2 =	vmul.u32 $0x120, v5  }
0x137: {  	vm15 =	vlt.s32 v14, $0x6;
	v5 =	vnsel vm6, $0x6, v6;
	v1 =	vadd.s32 v17, v1  }
0x138: {  	v3 =	vld [tilespmem:s0+$0x60];
	v2 =	vadd.s32 v18, v2;
	[tilespmem:s0+$0x6420] =	vst v1;
	v1 =	vmul.u32 $0x120, v5;
	v5 =	vnsel vm7, $0x6, v7  }
0x139: {  	v61 =	vld [tilespmem:s0+$0x70];
	[tilespmem:s0+$0x6430] =	vst v2;
	v2 =	vmul.u32 $0x120, v5;
	v5 =	vnsel vm8, $0x6, v8;
	vm1 =	vlt.s32 v4, $0x6  }
0x13a: {  	v1 =	vadd.s32 v19, v1;
	v6 =	vmul.u32 $0x120, v5;
	v4 =	vnsel vm1, $0x6, v4  }
0x13b: {  	v62 =	vld [tilespmem:s0+$0x80];
	vm10 =	vlt.s32 v0, $0x6;
	[tilespmem:s0+$0x6440] =	vst v1;
	v1 =	vnsel vm9, $0x6, v9;
	v2 =	vadd.s32 v60, v2  }
0x13c: {  	v63 =	vld [tilespmem:s0+$0x90];
	v4 =	vmul.u32 $0x120, v4;
	v0 =	vnsel vm10, $0x6, v0;
	v1 =	vmul.u32 $0x120, v1  }
0x13d: {  	v5 =	vld [tilespmem:s0+$0xA0];
	[tilespmem:s0+$0x6450] =	vst v2;
	v2 =	vadd.s32 v3, v6;
	v9 =	vmul.u32 $0x120, v0;
	v0 =	vnsel vm11, $0x6, v10  }
0x13e: {  	v6 =	vld [tilespmem:s0+$0xB0];
	v10 =	vnsel vm15, $0x6, v14;
	[tilespmem:s0+$0x6460] =	vst v2;
	v2 =	vnsel vm12, $0x6, v11;
	v3 =	vadd.s32 v61, v1  }
0x13f: {  	v7 =	vld [tilespmem:s0+$0xC0];
	v1 =	vmul.u32 $0x120, v0;
	v0 =	vmul.u32 $0x120, v2;
	v2 =	vnsel vm13, $0x6, v12  }
0x140: {  	v8 =	vld [tilespmem:s0+$0xD0];
	[tilespmem:s0+$0x6470] =	vst v3;
	v3 =	vadd.s32 v62, v4;
	v2 =	vmul.u32 $0x120, v2;
	v4 =	vnsel vm14, $0x6, v13  }
0x141: {  	s1 =	simm.s32 $0x100;
	s21 =	simm.s32 $0x800;
	[tilespmem:s0+$0x6480] =	vst v3;
	v3 =	vmul.u32 $0x120, v4;
	v4 =	vmul.u32 $0x120, v10;
	v10 =	vadd.s32 v63, v9;
	v9 =	vld [tilespmem:s0+$0xE0]  }
.LBB2_13:
0x142: {  	p0 =	seq.s32 s21, $0x6000;
	v11 =	vld [tilespmem:s1+$0x19F0];
	[tilespmem:s0+$0x6490] =	vst v10;
	v1 =	vadd.s32 v5, v1  }
0x143: {  	v5 =	vld [tilespmem:s1+$0x1900];
	[tilespmem:s0+$0x64A0] =	vst v1;
	v0 =	vadd.s32 v6, v0  }
0x144: {  	v1 =	vld [tilespmem:s1+$0x1910];
	[tilespmem:s0+$0x64B0] =	vst v0;
	v0 =	vadd.s32 v7, v2  }
0x145: {  	v2 =	vld [tilespmem:s1+$0x1920];
	[tilespmem:s0+$0x64C0] =	vst v0;
	v0 =	vadd.s32 v8, v3  }
0x146: {  	v3 =	vld [tilespmem:s1+$0xF0];
	[tilespmem:s0+$0x64D0] =	vst v0;
	v0 =	vadd.s32 v9, v4  }
0x147: {  	v4 =	vld [tilespmem:s1+$0x1930];
	vm0 =	vlt.s32 v11, $0x6;
	[tilespmem:s0+$0x64E0] =	vst v0;
	s0 =	smov.u32 s1  }
0x148: {  	vm1 =	vlt.s32 v5, $0x6;
	v0 =	vld [tilespmem:s0+$0x1940];
	v6 =	vnsel vm0, $0x6, v11  }
0x149: {  	v5 =	vnsel vm1, $0x6, v5;
	vm0 =	vlt.s32 v1, $0x6;
	v7 =	vld [tilespmem:s0+$0x1950];
	v6 =	vmul.u32 $0x120, v6  }
0x14a: {  	v5 =	vmul.u32 $0x120, v5;
	v1 =	vnsel vm0, $0x6, v1;
	vm0 =	vlt.s32 v2, $0x6;
	v8 =	vld [tilespmem:s0+$0x1960]  }
0x14b: {  	v9 =	vmul.u32 $0x120, v1;
	v1 =	vnsel vm0, $0x6, v2;
	v2 =	vld [tilespmem:s0+$0x1970];
	v3 =	vadd.s32 v3, v6  }
0x14c: {  	v6 =	vmul.u32 $0x120, v1;
	vm0 =	vlt.s32 v4, $0x6;
	v1 =	vld [tilespmem:s0+$0x1980];
	[tilespmem:s0+$0x64F0] =	vst v3  }
0x14d: {  	v3 =	vnsel vm0, $0x6, v4;
	vm0 =	vlt.s32 v0, $0x6;
	v4 =	vld [tilespmem:s0+$0x1990]  }
0x14e: {  	v10 =	vmul.u32 $0x120, v3;
	v0 =	vnsel vm0, $0x6, v0;
	vm0 =	vlt.s32 v7, $0x6;
	v3 =	vld [tilespmem:s0+$0x19A0]  }
0x14f: {  	v11 =	vmul.u32 $0x120, v0;
	v0 =	vnsel vm0, $0x6, v7;
	vm0 =	vlt.s32 v8, $0x6;
	v7 =	vld [tilespmem:s0+$0x19B0]  }
0x150: {  	v12 =	vmul.u32 $0x120, v0;
	v0 =	vnsel vm0, $0x6, v8;
	vm0 =	vlt.s32 v2, $0x6;
	v8 =	vld [tilespmem:s0+$0x19C0]  }
0x151: {  	v13 =	vmul.u32 $0x120, v0;
	v0 =	vnsel vm0, $0x6, v2;
	vm0 =	vlt.s32 v1, $0x6;
	v14 =	vld [tilespmem:s0+$0x19D0]  }
0x152: {  	v15 =	vmul.u32 $0x120, v0;
	v0 =	vnsel vm0, $0x6, v1;
	vm0 =	vlt.s32 v4, $0x6;
	v16 =	vld [tilespmem:s0+$0x19E0]  }
0x153: {  	v17 =	vld [tilespmem:s0+$0x0];
	v18 =	vmul.u32 $0x120, v0;
	v0 =	vnsel vm0, $0x6, v4;
	vm0 =	vlt.s32 v3, $0x6  }
0x154: {  	v4 =	vld [tilespmem:s0+$0x10];
	v19 =	vmul.u32 $0x120, v0;
	v0 =	vnsel vm0, $0x6, v3;
	vm0 =	vlt.s32 v7, $0x6  }
0x155: {  	v20 =	vld [tilespmem:s0+$0x20];
	v1 =	vmul.u32 $0x120, v0;
	v0 =	vnsel vm0, $0x6, v7;
	vm0 =	vlt.s32 v8, $0x6  }
0x156: {  	v7 =	vld [tilespmem:s0+$0x30];
	v0 =	vmul.u32 $0x120, v0;
	v2 =	vnsel vm0, $0x6, v8;
	vm0 =	vlt.s32 v14, $0x6  }
0x157: {  	v8 =	vld [tilespmem:s0+$0x40];
	v2 =	vmul.u32 $0x120, v2;
	v3 =	vnsel vm0, $0x6, v14;
	vm0 =	vlt.s32 v16, $0x6  }
0x158: {  	v5 =	vadd.s32 v17, v5;
	v14 =	vld [tilespmem:s0+$0x50];
	v3 =	vmul.u32 $0x120, v3;
	v16 =	vnsel vm0, $0x6, v16  }
0x159: {  	[tilespmem:s0+$0x6400] =	vst v5;
	v5 =	vadd.s32 v4, v9;
	v9 =	vld [tilespmem:s0+$0x60];
	v4 =	vmul.u32 $0x120, v16  }
0x15a: {  	[tilespmem:s0+$0x6410] =	vst v5;
	v5 =	vadd.s32 v20, v6;
	v16 =	vld [tilespmem:s0+$0x70]  }
0x15b: {  	[tilespmem:s0+$0x6420] =	vst v5;
	v5 =	vadd.s32 v7, v10;
	v10 =	vld [tilespmem:s0+$0x80]  }
0x15c: {  	[tilespmem:s0+$0x6430] =	vst v5;
	v5 =	vadd.s32 v8, v11;
	v11 =	vld [tilespmem:s0+$0x90]  }
.Ltmp10:
0x15d: {  	[tilespmem:s0+$0x6440] =	vst v5;
	v6 =	vadd.s32 v14, v12;
	v5 =	vld [tilespmem:s0+$0xA0];
	(pc) =	sbr.rel @!p0 .LBB2_13-.Ltmp10, $4  }
0x15e: {  	[tilespmem:s0+$0x6450] =	vst v6;
	v7 =	vadd.s32 v9, v13;
	v6 =	vld [tilespmem:s0+$0xB0]  }
0x15f: {  	[tilespmem:s0+$0x6460] =	vst v7;
	v8 =	vadd.s32 v16, v15;
	v7 =	vld [tilespmem:s0+$0xC0]  }
0x160: {  	[tilespmem:s0+$0x6470] =	vst v8;
	v9 =	vadd.s32 v10, v18;
	v8 =	vld [tilespmem:s0+$0xD0]  }
0x161: {  	s1 =	sshra.s32 s21, $0x2;
	s21 =	sadd.s32 $0x400, s21;
	[tilespmem:s0+$0x6480] =	vst v9;
	v10 =	vadd.s32 v11, v19;
	v9 =	vld [tilespmem:s0+$0xE0]  }
0x162: {  	v11 =	vld [tilespmem:s1+$0x19F0];
	[tilespmem:s0+$0x6490] =	vst v10;
	v1 =	vadd.s32 v5, v1  }
0x163: {  	v22 =	vld [tilespmem:s1+$0x1900];
	[tilespmem:s0+$0x64A0] =	vst v1;
	v0 =	vadd.s32 v6, v0  }
0x164: {  	v1 =	vld [tilespmem:s1+$0x1910];
	[tilespmem:s0+$0x64B0] =	vst v0;
	v23 =	vadd.s32 v7, v2  }
0x165: {  	v24 =	vld [tilespmem:s1+$0x1920];
	[tilespmem:s0+$0x64C0] =	vst v23;
	v25 =	vadd.s32 v8, v3  }
0x166: {  	v26 =	vld [tilespmem:s1+$0xF0];
	[tilespmem:s0+$0x64D0] =	vst v25;
	v27 =	vadd.s32 v9, v4  }
0x167: {  	v28 =	vld [tilespmem:s1+$0x1930];
	[tilespmem:s0+$0x64E0] =	vst v27  }
0x168: {  	v0 =	vld [tilespmem:s1+$0x1940]  }
0x169: {  	v30 =	vld [tilespmem:s1+$0x1950]  }
0x16a: {  	v31 =	vld [tilespmem:s1+$0x1960]  }
0x16b: {  	v32 =	vld [tilespmem:s1+$0x1970]  }
0x16c: {  	v33 =	vld [tilespmem:s1+$0x1980]  }
0x16d: {  	v34 =	vld [tilespmem:s1+$0x1990]  }
0x16e: {  	v10 =	vld [tilespmem:s1+$0x19A0]  }
0x16f: {  	vm0 =	vlt.s32 v11, $0x6;
	v15 =	vld [tilespmem:s1+$0x0]  }
0x170: {  	v29 =	vnsel vm0, $0x6, v11;
	vm13 =	vlt.s32 v22, $0x6;
	v16 =	vld [tilespmem:s1+$0x10]  }
0x171: {  	v35 =	vld [tilespmem:s1+$0x19B0];
	v6 =	vmul.u32 $0x120, v29;
	v5 =	vnsel vm13, $0x6, v22;
	vm14 =	vlt.s32 v1, $0x6  }
0x172: {  	v12 =	vld [tilespmem:s1+$0x19C0];
	v5 =	vmul.u32 $0x120, v5;
	v1 =	vnsel vm14, $0x6, v1;
	vm15 =	vlt.s32 v24, $0x6  }
0x173: {  	v13 =	vld [tilespmem:s1+$0x19D0];
	v3 =	vadd.s32 v26, v6;
	v1 =	vmul.u32 $0x120, v1;
	v2 =	vnsel vm15, $0x6, v24  }
0x174: {  	v14 =	vld [tilespmem:s1+$0x19E0];
	v2 =	vmul.u32 $0x120, v2;
	vm4 =	vlt.s32 v28, $0x6;
	v5 =	vadd.s32 v15, v5  }
0x175: {  	v17 =	vld [tilespmem:s1+$0x20];
	v1 =	vadd.s32 v16, v1;
	v4 =	vnsel vm4, $0x6, v28;
	vm5 =	vlt.s32 v0, $0x6  }
0x176: {  	v18 =	vld [tilespmem:s1+$0x30];
	vm6 =	vlt.s32 v30, $0x6;
	vm7 =	vlt.s32 v31, $0x6;
	vm8 =	vlt.s32 v32, $0x6  }
0x177: {  	v19 =	vld [tilespmem:s1+$0x40];
	vm9 =	vlt.s32 v33, $0x6;
	vm10 =	vlt.s32 v34, $0x6;
	vm11 =	vlt.s32 v10, $0x6  }
0x178: {  	v36 =	vld [tilespmem:s1+$0x50];
	[tilespmem:s1+$0x64F0] =	vst v3;
	vm12 =	vlt.s32 v35, $0x6;
	vm13 =	vlt.s32 v12, $0x6;
	vm14 =	vlt.s32 v13, $0x6  }
0x179: {  	v40 =	vld [tilespmem:s1+$0x80];
	vm15 =	vlt.s32 v14, $0x6;
	[tilespmem:s1+$0x6400] =	vst v5;
	v38 =	vmul.u32 $0x120, v4;
	v0 =	vnsel vm5, $0x6, v0  }
0x17a: {  	v44 =	vld [tilespmem:s1+$0xA0];
	[tilespmem:s1+$0x6410] =	vst v1;
	v2 =	vadd.s32 v17, v2;
	v7 =	vnsel vm6, $0x6, v30;
	v0 =	vmul.u32 $0x120, v0  }
0x17b: {  	v48 =	vld [tilespmem:s1+$0xC0];
	v6 =	vnsel vm9, $0x6, v33;
	[tilespmem:s1+$0x6420] =	vst v2;
	v41 =	vmul.u32 $0x120, v7;
	v1 =	vadd.s32 v18, v38  }
0x17c: {  	v51 =	vld [tilespmem:s1+$0xD0];
	v49 =	vnsel vm11, $0x6, v10;
	v6 =	vmul.u32 $0x120, v6;
	[tilespmem:s1+$0x6430] =	vst v1;
	v0 =	vadd.s32 v19, v0  }
0x17d: {  	v37 =	vld [tilespmem:s1+$0x60];
	v52 =	vnsel vm13, $0x6, v12;
	v4 =	vmul.u32 $0x120, v49;
	v1 =	vadd.s32 v36, v41;
	[tilespmem:s1+$0x6440] =	vst v0  }
0x17e: {  	v39 =	vld [tilespmem:s1+$0x70];
	v55 =	vnsel vm14, $0x6, v13;
	v53 =	vmul.u32 $0x120, v52;
	v2 =	vadd.s32 v40, v6;
	[tilespmem:s1+$0x6450] =	vst v1  }
0x17f: {  	v54 =	vld [tilespmem:s1+$0xE0];
	v8 =	vnsel vm7, $0x6, v31;
	v57 =	vmul.u32 $0x120, v55;
	v56 =	vadd.s32 v44, v4;
	[tilespmem:s1+$0x6480] =	vst v2  }
0x180: {  	v42 =	vld [tilespmem:s1+$0x90];
	v9 =	vnsel vm8, $0x6, v32;
	v43 =	vmul.u32 $0x120, v8;
	v61 =	vadd.s32 v48, v53;
	[tilespmem:s1+$0x64A0] =	vst v56  }
0x181: {  	v46 =	vld [tilespmem:s1+$0xB0];
	v58 =	vnsel vm15, $0x6, v14;
	v45 =	vmul.u32 $0x120, v9;
	v62 =	vadd.s32 v51, v57;
	[tilespmem:s1+$0x64C0] =	vst v61  }
0x182: {  	v47 =	vnsel vm10, $0x6, v34;
	v60 =	vmul.u32 $0x120, v58;
	v0 =	vadd.s32 v37, v43;
	[tilespmem:s1+$0x64D0] =	vst v62  }
.Ltmp11:
0x183: {  	v50 =	vnsel vm12, $0x6, v35;
	v1 =	vadd.s32 v39, v45;
	[tilespmem:s1+$0x6460] =	vst v0;
	v0 =	vmul.u32 $0x120, v47;
	(pc) =	sbr.rel .LBB2_18-.Ltmp11, $4  }
0x184: {  	v63 =	vadd.s32 v54, v60;
	[tilespmem:s1+$0x6470] =	vst v1;
	v1 =	vmul.u32 $0x120, v50  }
0x185: {  	[tilespmem:s1+$0x64E0] =	vst v63;
	v0 =	vadd.s32 v42, v0  }
0x186: {  	v59 =	vadd.s32 v46, v1;
	[tilespmem:s1+$0x6490] =	vst v0  }
0x187: {  	[tilespmem:s1+$0x64B0] =	vst v59  }
.LBB2_15:
0x188: {  	s0 =	simm.s32 $0x0  }
0x189: {  	[tilespmem:s0], [sflag:$0x5] =	stream.linear.gather [hbm4b:s14+s0], $0x1900, $0x38;
	[tilespmem:$0x1A600] =	vst v63  }
0x18a: {  	_ =	swait.ge [sflag:s18], $0x1900  }
0x18b: {  	[sflag:s18] =	ssyncset.done $0x0  }
0x18c: {  	[sflag:s18] =	ssyncadd.s32 $0xFFFFE700  }
0x18d: {  	[tilespmem:s19], [sflag:$0x5] =	stream.linear.gather [hbm4b:s15+s0], $0x1900, $0x38;
	[tilespmem:$0x1A600] =	vst v63  }
0x18e: {  	_ =	swait.ge [sflag:s18], $0x1900  }
0x18f: {  	[sflag:s18] =	ssyncset.done $0x0  }
0x190: {  	s0 =	simm.s32 $0x0;
	[sflag:s18] =	ssyncadd.s32 $0xFFFFE700  }
0x191: {  	v0 =	vld [tilespmem:s0+$0x19F0]  }
0x192: {  	v1 =	vld [tilespmem:s0+$0x1900]  }
0x193: {  	v2 =	vld [tilespmem:s0+$0x1910]  }
0x194: {  	v3 =	vld [tilespmem:s0+$0x1920]  }
0x195: {  	v4 =	vld [tilespmem:s0+$0xF0]  }
0x196: {  	v5 =	vld [tilespmem:s0+$0x1930]  }
0x197: {  	v6 =	vld [tilespmem:s0+$0x1940]  }
0x198: {  	v7 =	vld [tilespmem:s0+$0x1950]  }
0x199: {  	v8 =	vld [tilespmem:s0+$0x1960]  }
0x19a: {  	v9 =	vld [tilespmem:s0+$0x1970]  }
0x19b: {  	v10 =	vld [tilespmem:s0+$0x19A0]  }
0x19c: {  	v11 =	vld [tilespmem:s0+$0x19B0]  }
0x19d: {  	v12 =	vld [tilespmem:s0+$0x19C0]  }
0x19e: {  	v13 =	vld [tilespmem:s0+$0x19D0]  }
0x19f: {  	v14 =	vld [tilespmem:s0+$0x19E0];
	vm0 =	vlt.s32 v0, $0x6;
	vm14 =	vlt.s32 v1, $0x6  }
0x1a0: {  	v15 =	vld [tilespmem:s0+$0x0];
	vm15 =	vlt.s32 v2, $0x6;
	vm4 =	vlt.s32 v3, $0x6;
	vm5 =	vlt.s32 v5, $0x6  }
0x1a1: {  	v16 =	vld [tilespmem:s0+$0x10];
	vm6 =	vlt.s32 v6, $0x6;
	vm7 =	vlt.s32 v7, $0x6;
	v0 =	vnsel vm0, $0x6, v0  }
0x1a2: {  	v17 =	vld [tilespmem:s0+$0x20];
	vm8 =	vlt.s32 v8, $0x6;
	v1 =	vnsel vm14, $0x6, v1;
	v0 =	vmul.u32 $0x120, v0  }
0x1a3: {  	v18 =	vld [tilespmem:s0+$0x30];
	vm9 =	vlt.s32 v9, $0x6;
	v2 =	vnsel vm15, $0x6, v2;
	v1 =	vmul.u32 $0x120, v1  }
0x1a4: {  	v19 =	vld [tilespmem:s0+$0x40];
	vm11 =	vlt.s32 v10, $0x6;
	v2 =	vmul.u32 $0x120, v2;
	v0 =	vadd.s32 v4, v0  }
0x1a5: {  	vm12 =	vlt.s32 v11, $0x6;
	v3 =	vnsel vm4, $0x6, v3;
	v4 =	vld [tilespmem:s0+$0x1980];
	v1 =	vadd.s32 v15, v1;
	[tilespmem:s0+$0x7DF0] =	vst v0  }
0x1a6: {  	v60 =	vld [tilespmem:s0+$0x50];
	v5 =	vnsel vm5, $0x6, v5;
	v2 =	vadd.s32 v16, v2;
	[tilespmem:s0+$0x7D00] =	vst v1;
	v1 =	vmul.u32 $0x120, v3  }
0x1a7: {  	vm13 =	vlt.s32 v12, $0x6;
	vm14 =	vlt.s32 v13, $0x6;
	v0 =	vld [tilespmem:s0+$0x1990];
	[tilespmem:s0+$0x7D10] =	vst v2;
	v2 =	vmul.u32 $0x120, v5  }
0x1a8: {  	vm15 =	vlt.s32 v14, $0x6;
	v5 =	vnsel vm6, $0x6, v6;
	v1 =	vadd.s32 v17, v1  }
0x1a9: {  	v3 =	vld [tilespmem:s0+$0x60];
	v2 =	vadd.s32 v18, v2;
	[tilespmem:s0+$0x7D20] =	vst v1;
	v1 =	vmul.u32 $0x120, v5;
	v5 =	vnsel vm7, $0x6, v7  }
0x1aa: {  	v61 =	vld [tilespmem:s0+$0x70];
	[tilespmem:s0+$0x7D30] =	vst v2;
	v2 =	vmul.u32 $0x120, v5;
	v5 =	vnsel vm8, $0x6, v8;
	vm1 =	vlt.s32 v4, $0x6  }
0x1ab: {  	v1 =	vadd.s32 v19, v1;
	v6 =	vmul.u32 $0x120, v5;
	v4 =	vnsel vm1, $0x6, v4  }
0x1ac: {  	v62 =	vld [tilespmem:s0+$0x80];
	vm10 =	vlt.s32 v0, $0x6;
	[tilespmem:s0+$0x7D40] =	vst v1;
	v1 =	vnsel vm9, $0x6, v9;
	v2 =	vadd.s32 v60, v2  }
0x1ad: {  	v63 =	vld [tilespmem:s0+$0x90];
	v4 =	vmul.u32 $0x120, v4;
	v0 =	vnsel vm10, $0x6, v0;
	v1 =	vmul.u32 $0x120, v1  }
0x1ae: {  	v5 =	vld [tilespmem:s0+$0xA0];
	[tilespmem:s0+$0x7D50] =	vst v2;
	v2 =	vadd.s32 v3, v6;
	v9 =	vmul.u32 $0x120, v0;
	v0 =	vnsel vm11, $0x6, v10  }
0x1af: {  	v6 =	vld [tilespmem:s0+$0xB0];
	v10 =	vnsel vm15, $0x6, v14;
	[tilespmem:s0+$0x7D60] =	vst v2;
	v2 =	vnsel vm12, $0x6, v11;
	v3 =	vadd.s32 v61, v1  }
0x1b0: {  	v7 =	vld [tilespmem:s0+$0xC0];
	v1 =	vmul.u32 $0x120, v0;
	v0 =	vmul.u32 $0x120, v2;
	v2 =	vnsel vm13, $0x6, v12  }
0x1b1: {  	v8 =	vld [tilespmem:s0+$0xD0];
	[tilespmem:s0+$0x7D70] =	vst v3;
	v3 =	vadd.s32 v62, v4;
	v2 =	vmul.u32 $0x120, v2;
	v4 =	vnsel vm14, $0x6, v13  }
0x1b2: {  	s1 =	simm.s32 $0x100;
	s21 =	simm.s32 $0x800;
	[tilespmem:s0+$0x7D80] =	vst v3;
	v3 =	vmul.u32 $0x120, v4;
	v4 =	vmul.u32 $0x120, v10;
	v10 =	vadd.s32 v63, v9;
	v9 =	vld [tilespmem:s0+$0xE0]  }
.LBB2_16:
0x1b3: {  	p0 =	sne.s32 s21, $0x6000;
	v11 =	vld [tilespmem:s1+$0x19F0];
	[tilespmem:s0+$0x7D90] =	vst v10;
	v1 =	vadd.s32 v5, v1  }
0x1b4: {  	v5 =	vld [tilespmem:s1+$0x1900];
	[tilespmem:s0+$0x7DA0] =	vst v1;
	v0 =	vadd.s32 v6, v0  }
0x1b5: {  	v1 =	vld [tilespmem:s1+$0x1910];
	[tilespmem:s0+$0x7DB0] =	vst v0;
	v0 =	vadd.s32 v7, v2  }
0x1b6: {  	v2 =	vld [tilespmem:s1+$0x1920];
	[tilespmem:s0+$0x7DC0] =	vst v0;
	v0 =	vadd.s32 v8, v3  }
0x1b7: {  	v3 =	vld [tilespmem:s1+$0xF0];
	[tilespmem:s0+$0x7DD0] =	vst v0;
	v0 =	vadd.s32 v9, v4  }
0x1b8: {  	v4 =	vld [tilespmem:s1+$0x1930];
	vm0 =	vlt.s32 v11, $0x6;
	[tilespmem:s0+$0x7DE0] =	vst v0;
	s0 =	smov.u32 s1  }
0x1b9: {  	vm1 =	vlt.s32 v5, $0x6;
	v0 =	vld [tilespmem:s0+$0x1940];
	v6 =	vnsel vm0, $0x6, v11  }
0x1ba: {  	v5 =	vnsel vm1, $0x6, v5;
	vm0 =	vlt.s32 v1, $0x6;
	v7 =	vld [tilespmem:s0+$0x1950];
	v6 =	vmul.u32 $0x120, v6  }
0x1bb: {  	v5 =	vmul.u32 $0x120, v5;
	v1 =	vnsel vm0, $0x6, v1;
	vm0 =	vlt.s32 v2, $0x6;
	v8 =	vld [tilespmem:s0+$0x1960]  }
0x1bc: {  	v9 =	vmul.u32 $0x120, v1;
	v1 =	vnsel vm0, $0x6, v2;
	v2 =	vld [tilespmem:s0+$0x1970];
	v3 =	vadd.s32 v3, v6  }
0x1bd: {  	v6 =	vmul.u32 $0x120, v1;
	vm0 =	vlt.s32 v4, $0x6;
	v1 =	vld [tilespmem:s0+$0x1980];
	[tilespmem:s0+$0x7DF0] =	vst v3  }
0x1be: {  	v3 =	vnsel vm0, $0x6, v4;
	vm0 =	vlt.s32 v0, $0x6;
	v4 =	vld [tilespmem:s0+$0x1990]  }
0x1bf: {  	v10 =	vmul.u32 $0x120, v3;
	v0 =	vnsel vm0, $0x6, v0;
	vm0 =	vlt.s32 v7, $0x6;
	v3 =	vld [tilespmem:s0+$0x19A0]  }
0x1c0: {  	v11 =	vmul.u32 $0x120, v0;
	v0 =	vnsel vm0, $0x6, v7;
	vm0 =	vlt.s32 v8, $0x6;
	v7 =	vld [tilespmem:s0+$0x19B0]  }
0x1c1: {  	v12 =	vmul.u32 $0x120, v0;
	v0 =	vnsel vm0, $0x6, v8;
	vm0 =	vlt.s32 v2, $0x6;
	v8 =	vld [tilespmem:s0+$0x19C0]  }
0x1c2: {  	v13 =	vmul.u32 $0x120, v0;
	v0 =	vnsel vm0, $0x6, v2;
	vm0 =	vlt.s32 v1, $0x6;
	v14 =	vld [tilespmem:s0+$0x19D0]  }
0x1c3: {  	v15 =	vmul.u32 $0x120, v0;
	v0 =	vnsel vm0, $0x6, v1;
	vm0 =	vlt.s32 v4, $0x6;
	v16 =	vld [tilespmem:s0+$0x19E0]  }
0x1c4: {  	v17 =	vld [tilespmem:s0+$0x0];
	v18 =	vmul.u32 $0x120, v0;
	v0 =	vnsel vm0, $0x6, v4;
	vm0 =	vlt.s32 v3, $0x6  }
0x1c5: {  	v4 =	vld [tilespmem:s0+$0x10];
	v19 =	vmul.u32 $0x120, v0;
	v0 =	vnsel vm0, $0x6, v3;
	vm0 =	vlt.s32 v7, $0x6  }
0x1c6: {  	v20 =	vld [tilespmem:s0+$0x20];
	v1 =	vmul.u32 $0x120, v0;
	v0 =	vnsel vm0, $0x6, v7;
	vm0 =	vlt.s32 v8, $0x6  }
0x1c7: {  	v7 =	vld [tilespmem:s0+$0x30];
	v0 =	vmul.u32 $0x120, v0;
	v2 =	vnsel vm0, $0x6, v8;
	vm0 =	vlt.s32 v14, $0x6  }
0x1c8: {  	v8 =	vld [tilespmem:s0+$0x40];
	v2 =	vmul.u32 $0x120, v2;
	v3 =	vnsel vm0, $0x6, v14;
	vm0 =	vlt.s32 v16, $0x6  }
0x1c9: {  	v5 =	vadd.s32 v17, v5;
	v14 =	vld [tilespmem:s0+$0x50];
	v3 =	vmul.u32 $0x120, v3;
	v16 =	vnsel vm0, $0x6, v16  }
0x1ca: {  	[tilespmem:s0+$0x7D00] =	vst v5;
	v5 =	vadd.s32 v4, v9;
	v9 =	vld [tilespmem:s0+$0x60];
	v4 =	vmul.u32 $0x120, v16  }
0x1cb: {  	[tilespmem:s0+$0x7D10] =	vst v5;
	v5 =	vadd.s32 v20, v6;
	v16 =	vld [tilespmem:s0+$0x70]  }
0x1cc: {  	[tilespmem:s0+$0x7D20] =	vst v5;
	v5 =	vadd.s32 v7, v10;
	v10 =	vld [tilespmem:s0+$0x80]  }
0x1cd: {  	[tilespmem:s0+$0x7D30] =	vst v5;
	v5 =	vadd.s32 v8, v11;
	v11 =	vld [tilespmem:s0+$0x90]  }
.Ltmp12:
0x1ce: {  	[tilespmem:s0+$0x7D40] =	vst v5;
	v6 =	vadd.s32 v14, v12;
	v5 =	vld [tilespmem:s0+$0xA0];
	(pc) =	sbr.rel @p0 .LBB2_16-.Ltmp12, $4  }
0x1cf: {  	[tilespmem:s0+$0x7D50] =	vst v6;
	v7 =	vadd.s32 v9, v13;
	v6 =	vld [tilespmem:s0+$0xB0]  }
0x1d0: {  	[tilespmem:s0+$0x7D60] =	vst v7;
	v8 =	vadd.s32 v16, v15;
	v7 =	vld [tilespmem:s0+$0xC0]  }
0x1d1: {  	[tilespmem:s0+$0x7D70] =	vst v8;
	v9 =	vadd.s32 v10, v18;
	v8 =	vld [tilespmem:s0+$0xD0]  }
0x1d2: {  	s1 =	sshra.s32 s21, $0x2;
	s21 =	sadd.s32 $0x400, s21;
	[tilespmem:s0+$0x7D80] =	vst v9;
	v10 =	vadd.s32 v11, v19;
	v9 =	vld [tilespmem:s0+$0xE0]  }
0x1d3: {  	v11 =	vld [tilespmem:s1+$0x19F0];
	[tilespmem:s0+$0x7D90] =	vst v10;
	v1 =	vadd.s32 v5, v1  }
0x1d4: {  	v22 =	vld [tilespmem:s1+$0x1900];
	[tilespmem:s0+$0x7DA0] =	vst v1;
	v0 =	vadd.s32 v6, v0  }
0x1d5: {  	v1 =	vld [tilespmem:s1+$0x1910];
	[tilespmem:s0+$0x7DB0] =	vst v0;
	v23 =	vadd.s32 v7, v2  }
0x1d6: {  	v24 =	vld [tilespmem:s1+$0x1920];
	[tilespmem:s0+$0x7DC0] =	vst v23;
	v25 =	vadd.s32 v8, v3  }
0x1d7: {  	v26 =	vld [tilespmem:s1+$0xF0];
	[tilespmem:s0+$0x7DD0] =	vst v25;
	v27 =	vadd.s32 v9, v4  }
0x1d8: {  	v28 =	vld [tilespmem:s1+$0x1930];
	[tilespmem:s0+$0x7DE0] =	vst v27  }
0x1d9: {  	v0 =	vld [tilespmem:s1+$0x1940]  }
0x1da: {  	v30 =	vld [tilespmem:s1+$0x1950]  }
0x1db: {  	v31 =	vld [tilespmem:s1+$0x1960]  }
0x1dc: {  	v32 =	vld [tilespmem:s1+$0x1970]  }
0x1dd: {  	v33 =	vld [tilespmem:s1+$0x1980]  }
0x1de: {  	v34 =	vld [tilespmem:s1+$0x1990]  }
0x1df: {  	v10 =	vld [tilespmem:s1+$0x19A0]  }
0x1e0: {  	vm0 =	vlt.s32 v11, $0x6;
	v15 =	vld [tilespmem:s1+$0x0]  }
0x1e1: {  	v29 =	vnsel vm0, $0x6, v11;
	vm13 =	vlt.s32 v22, $0x6;
	v16 =	vld [tilespmem:s1+$0x10]  }
0x1e2: {  	v35 =	vld [tilespmem:s1+$0x19B0];
	v6 =	vmul.u32 $0x120, v29;
	v5 =	vnsel vm13, $0x6, v22;
	vm14 =	vlt.s32 v1, $0x6  }
0x1e3: {  	v12 =	vld [tilespmem:s1+$0x19C0];
	v5 =	vmul.u32 $0x120, v5;
	v1 =	vnsel vm14, $0x6, v1;
	vm15 =	vlt.s32 v24, $0x6  }
0x1e4: {  	v13 =	vld [tilespmem:s1+$0x19D0];
	v3 =	vadd.s32 v26, v6;
	v1 =	vmul.u32 $0x120, v1;
	v2 =	vnsel vm15, $0x6, v24  }
0x1e5: {  	v14 =	vld [tilespmem:s1+$0x19E0];
	v2 =	vmul.u32 $0x120, v2;
	vm4 =	vlt.s32 v28, $0x6;
	v5 =	vadd.s32 v15, v5  }
0x1e6: {  	v17 =	vld [tilespmem:s1+$0x20];
	v1 =	vadd.s32 v16, v1;
	v4 =	vnsel vm4, $0x6, v28;
	vm5 =	vlt.s32 v0, $0x6  }
0x1e7: {  	v18 =	vld [tilespmem:s1+$0x30];
	vm6 =	vlt.s32 v30, $0x6;
	vm7 =	vlt.s32 v31, $0x6;
	vm8 =	vlt.s32 v32, $0x6  }
0x1e8: {  	v19 =	vld [tilespmem:s1+$0x40];
	vm9 =	vlt.s32 v33, $0x6;
	vm10 =	vlt.s32 v34, $0x6;
	vm11 =	vlt.s32 v10, $0x6  }
0x1e9: {  	v36 =	vld [tilespmem:s1+$0x50];
	[tilespmem:s1+$0x7DF0] =	vst v3;
	vm12 =	vlt.s32 v35, $0x6;
	vm13 =	vlt.s32 v12, $0x6;
	vm14 =	vlt.s32 v13, $0x6  }
0x1ea: {  	v40 =	vld [tilespmem:s1+$0x80];
	vm15 =	vlt.s32 v14, $0x6;
	[tilespmem:s1+$0x7D00] =	vst v5;
	v38 =	vmul.u32 $0x120, v4;
	v0 =	vnsel vm5, $0x6, v0  }
0x1eb: {  	v44 =	vld [tilespmem:s1+$0xA0];
	[tilespmem:s1+$0x7D10] =	vst v1;
	v2 =	vadd.s32 v17, v2;
	v7 =	vnsel vm6, $0x6, v30;
	v0 =	vmul.u32 $0x120, v0  }
0x1ec: {  	v48 =	vld [tilespmem:s1+$0xC0];
	v6 =	vnsel vm9, $0x6, v33;
	[tilespmem:s1+$0x7D20] =	vst v2;
	v41 =	vmul.u32 $0x120, v7;
	v1 =	vadd.s32 v18, v38  }
0x1ed: {  	v51 =	vld [tilespmem:s1+$0xD0];
	v49 =	vnsel vm11, $0x6, v10;
	v6 =	vmul.u32 $0x120, v6;
	[tilespmem:s1+$0x7D30] =	vst v1;
	v0 =	vadd.s32 v19, v0  }
0x1ee: {  	v37 =	vld [tilespmem:s1+$0x60];
	v52 =	vnsel vm13, $0x6, v12;
	v4 =	vmul.u32 $0x120, v49;
	v1 =	vadd.s32 v36, v41;
	[tilespmem:s1+$0x7D40] =	vst v0  }
0x1ef: {  	v39 =	vld [tilespmem:s1+$0x70];
	v55 =	vnsel vm14, $0x6, v13;
	v53 =	vmul.u32 $0x120, v52;
	v2 =	vadd.s32 v40, v6;
	[tilespmem:s1+$0x7D50] =	vst v1  }
0x1f0: {  	v54 =	vld [tilespmem:s1+$0xE0];
	v8 =	vnsel vm7, $0x6, v31;
	v57 =	vmul.u32 $0x120, v55;
	v56 =	vadd.s32 v44, v4;
	[tilespmem:s1+$0x7D80] =	vst v2  }
0x1f1: {  	v42 =	vld [tilespmem:s1+$0x90];
	v9 =	vnsel vm8, $0x6, v32;
	v43 =	vmul.u32 $0x120, v8;
	v61 =	vadd.s32 v48, v53;
	[tilespmem:s1+$0x7DA0] =	vst v56  }
0x1f2: {  	v46 =	vld [tilespmem:s1+$0xB0];
	v58 =	vnsel vm15, $0x6, v14;
	v45 =	vmul.u32 $0x120, v9;
	v62 =	vadd.s32 v51, v57;
	[tilespmem:s1+$0x7DC0] =	vst v61  }
0x1f3: {  	v47 =	vnsel vm10, $0x6, v34;
	v60 =	vmul.u32 $0x120, v58;
	v0 =	vadd.s32 v37, v43;
	[tilespmem:s1+$0x7DD0] =	vst v62  }
0x1f4: {  	v50 =	vnsel vm12, $0x6, v35;
	v1 =	vadd.s32 v39, v45;
	[tilespmem:s1+$0x7D60] =	vst v0;
	v0 =	vmul.u32 $0x120, v47  }
0x1f5: {  	v63 =	vadd.s32 v54, v60;
	[tilespmem:s1+$0x7D70] =	vst v1;
	v1 =	vmul.u32 $0x120, v50  }
0x1f6: {  	[tilespmem:s1+$0x7DE0] =	vst v63;
	v0 =	vadd.s32 v42, v0  }
0x1f7: {  	v59 =	vadd.s32 v46, v1;
	[tilespmem:s1+$0x7D90] =	vst v0  }
0x1f8: {  	[tilespmem:s1+$0x7DB0] =	vst v59  }
.LBB2_18:
0x1f9: {  	s0 =	sshll.u32 s30, $0x1  }
0x1fa: {  	s0 =	sadd.s32 s5, s0  }
0x1fb: {  	_ =	swait.ge [sflag:s24], $0x6400;
	s0 =	smul.u32 $0xC80, s0  }
0x1fc: {  	[sflag:s24] =	ssyncset.done $0x0  }
0x1fd: {  	s31 =	sadd.s32 s5, s31;
	[sflag:s24] =	ssyncadd.s32 $0xFFFF9C00;
	s0 =	sadd.s32 s4, s0  }
0x1fe: {  	[hbm4b:s0+s3] =	stream.linear.scatter [tilespmem:s22], [sflag:$0x3], $0x6400, $0x38;
	[tilespmem:$0x1A600] =	vst v63  }
0x1ff: {  	s0 =	smul.u32 $0xC80, s31;
	_ =	swait.ge [sflag:s25], $0x6400  }
0x200: {  	p0 =	seq.s32 s30, $0x3F;
	[sflag:s25] =	ssyncset.done $0x0  }
.Ltmp13:
0x201: {  	s0 =	sadd.s32 s4, s0;
	[sflag:s25] =	ssyncadd.s32 $0xFFFF9C00;
	(pc) =	sbr.rel @p0 .LBB2_20-.Ltmp13, $4  }
0x202: {  	[hbm4b:s0+s3] =	stream.linear.scatter [tilespmem:s23], [sflag:$0x4], $0x6400, $0x38;
	[tilespmem:$0x1A600] =	vst v63  }
0x203: {  	_ =	swait.ge [sflag:s26], $0x6400  }
0x204: {  	[sflag:s26] =	ssyncset.done $0x0  }
0x205: {  	[sflag:s26] =	ssyncadd.s32 $0xFFFF9C00  }
0x206: {  	s0 =	smul.u32 $0x640, s30  }
.Ltmp14:
0x207: {  	_ = 	snop;
	(pc) =	sbr.rel .LBB2_4-.Ltmp14, $4  }
0x208: {  	_ = 	snop  }
0x209: {  	s0 =	sshra.s32 s0, $0x2  }
0x20a: {  	s30 =	sadd.s32 $0x1, s30;
	s0 =	sadd.s32 $0x3390, s0  }
0x20b: {  	[tilespmem:s22], [sflag:$0x1] =	stream.indirect.gather [spmem:s2], $0x80, s0, s20, $0xb8;
	[tilespmem:$0x1A600] =	vst v63  }
.LBB2_21:
0x20c: {  	_ =	sfence.sel $0x180000  }
0x20d: {  	[bflag:$0x0] =	sbarrier.arrive $0xFFFF  }
0x20e: {  	_ =	strace $0x90000047  }
0x20f: {  	s0 =	stileid.u32;
	[bflag:$0x2] =	sbarrier.arrive $0xFFFF  }
0x210: {  	p0 =	sne.s32 s0, $0x0;
	s0 =	rddreg [dreg:$0x3]  }
0x211: {  	s0 =	sadd.s32 @!p0 $0x100000, s0  }
0x212: {  	[sflag:s0] =	ssyncadd.tile.s32 @!p0 $0x1;
	_ =	shalt  }
.Lfunc_end2:
_tile_overlayer_lowered:
.L_overlay_start_2:
0x213: {  	(tag) =	ssettag $0x2  }
0x214: {  	s0 =	rddreg [dreg:$0x0];
	s2 =	stileid.u32  }
0x215: {  	s1 =	rddreg [dreg:$0x1];
	p0 =	sne.s32 s2, $0x0  }
0x216: {  	s3 =	rddreg [dreg:$0x2];
	[bflag:$0x3] =	sbarrier.arrive $0xFFFF;
	s2 =	simm.s32 @!p0 $0x1C05  }
0x217: {  	[timem:s3], [sflag:s2] =	dma.local @!p0 [hbm:s0], s1  }
0x218: {  	s0 =	simm.s32 @!p0 $0x5  }
0x219: {  	_ =	swait.ge @!p0 [sflag:s0], s1  }
0x21a: {  	s1 =	ssub.s32 @!p0 $0x0, s1;
	[sflag:s0] =	ssyncset.done @!p0 $0x0  }
0x21b: {  	[sflag:s0] =	ssyncadd.s32 @!p0 s1  }
0x21c: {  	[bflag:$0x3] =	sbarrier.arrive $0xFFFF  }
0x21d: {  	_ =	shalt  }

// kernel: sparse-core-data-format-call.cloned.1.call-start
scs
called_computation_lowered:
.L_overlay_start_0:
0x0: {  	s2 =	sld [smem:$0x3FD9]  }
0x1: {  	s3 =	sld [smem:$0x3FFE];
	_ =	sdelay $0x1  }
0x2: {  	s1 =	srdreg.scid  }
0x3: {  	s0 =	sand.u32 $0x1, s1  }
0x4: {  	s18 =	sshll.u32 s0, $0xA;
	s2 =	sadd.s32 s3, s2  }
0x5: {  	s2 =	sadd.s32 s2, s18  }
0x6: {  	[smem:$0x3FC5] =	sst s2  }
0x7: {  	_ = 	snop  }
0x8: {  	s2 =	sld [smem:$0x3FD0];
	(tm) =	ssettm $0x1  }
0x9: {  	s19 =	sld [smem:$0x3FFB];
	_ =	sdelay $0x3  }
0xa: {  	_ =	strace s19  }
0xb: {  	s3 =	sld [smem:$0x3FFC];
	_ =	sdelay $0x3  }
0xc: {  	_ =	strace s3  }
0xd: {  	s3 =	sld [smem:$0x3FFD];
	_ =	sdelay $0x3  }
0xe: {  	_ =	strace s3  }
0xf: {  	_ =	strace $0x8FFFFFFF  }
0x10: {  	s20 =	sld [smem:$0x3FDB];
	_ =	sdelay $0x1  }
0x11: {  	s4 =	simm.s32 $_scs_section_size  }
0x12: {  	s5 =	simm.s32 $_size__tile_overlayer_lowered;
	s6 =	simm.s32 $_tile_overlayer_lowered  }
0x13: {  	s23 =	simm.s32 $0x1BFF;
	s22 =	sshll.u32 s6, $0x1;
	s3 =	sadd.s32 s4, s20  }
0x14: {  	s7 =	simm.s32 $0x0;
	s21 =	sshll.u32 s5, $0x1;
	s5 =	sadd.s32 s22, s3  }
0x15: {  	[timem:s7], [sflag:s23] =	dma.local [hbm:s5], s21  }
0x16: {  	_ =	swait.ge [sflag:s23], s21  }
0x17: {  	s4 =	ssub.s32 $0x0, s21;
	[sflag:s23] =	ssyncset.done $0x0  }
0x18: {  	[sflag:s23] =	ssyncadd.s32 s4;
	_ =	sdelay $0x1  }
0x19: {  	s24 =	simm.s32 $0x1B8B  }
0x1a: {  	_ =	swait.ge [sflag:s24], $0x1  }
0x1b: {  	[sflag:s24] =	ssyncset.done $0x0  }
0x1c: {  	s26 =	simm.s32 $0x1B8E;
	s25 =	sld [smem:$0x3FFE];
	[sflag:s24] =	ssyncadd.s32 $0xFFFFFFFF  }
0x1d: {  	s27 =	simm.s32 $execute0_lowered;
	[smem:$0x3FD2] =	sst s26  }
0x1e: {  	s5 =	sshll.u32 s27, $0x1;
	_ =	strace $0x80000049;
	[dreg:$0x1] =	wrdreg $0xFFFFFFFF  }
0x1f: {  	s28 =	simm.s32 $_size_execute0_lowered;
	s3 =	sadd.s32 s3, s5;
	[dreg:$0x0] =	wrdreg $0x0  }
0x20: {  	s5 =	sshll.u32 s28, $0x1;
	[dreg:$0x2] =	wrdreg s3  }
0x21: {  	[dreg:$0x3] =	wrdreg s5  }
0x22: {  	[dreg:$0x4] =	wrdreg $0xC0  }
0x23: {  	_ =	task [dreg:s7], $0x5FFFF  }
0x24: {  	[dreg:$0x1] =	wrdreg $0xFFFFFFFF  }
0x25: {  	[dreg:$0x0] =	wrdreg $0x60  }
0x26: {  	[dreg:$0x2] =	wrdreg s25  }
0x27: {  	[dreg:$0x3] =	wrdreg s2  }
0x28: {  	[dreg:$0x4] =	wrdreg $0x9  }
0x29: {  	_ =	task.clear_ibuf [dreg:s7], $0x5FFFF;
	_ =	strace $0x90000049  }
0x2a: {  	s29 =	simm.s32 $0x9;
	_ =	strace $0x8000004B  }
0x2b: {  	_ =	swait.ge [sflag:s29], $0x1  }
0x2c: {  	[sflag:s29] =	ssyncadd.s32 $0xFFFFFFFF  }
0x2d: {  	_ =	strace $0x9000004B  }
0x2e: {  	_ =	sfence  }
0x2f: {  	s30 =	sld [smem:$0x0];
	_ =	sdelay $0x2  }
0x30: {  	s31 =	sshll.u32 s1, $0xD;
	s1 =	sshrl.u32 s1, $0x2  }
0x31: {  	s3 =	sand.u32 $0x4000, s31;
	s1 =	sadd.s32 s1, s30  }
0x32: {  	s0 =	sor.u32 s3, s0;
	s1 =	sshll.u32 s1, $0x11  }
0x33: {  	s0 =	sor.u32 s1, s0  }
0x34: {  	s0 =	sadd.s32 $0x8F2B, s0  }
0x35: {  	[sflag:s0] =	ssyncadd.remote.s32 $0x1  }
0x36: {  	_ =	sfence.sel $0xFFFF  }
0x37: {  	[dreg:$0x0] =	wrdreg $0xFFFFFFFF;
	(pc) =	sbr.abs _section_cstart, $3  }
0x38: {  	[dreg:$0x1] =	wrdreg $0xFFFFFFFF  }
0x39: {  	_ =	task.clear_ibuf [dreg:s7], $0x2FFFF;
	_ =	strace $0x9FFFFFFF  }
0x3a: {  	(tm) =	ssettm $0x7FFFFFFF  }
0x3b: {  	_ =	shalt  }
tec
execute0_lowered:
.L_overlay_start_1:
0x0: {  	(tag) =	ssettag $0x1  }
0x1: {  	s0 =	srdreg.scid  }
0x2: {  	s1 =	sshll.u32 s0, $0x4  }
0x3: {  	s0 =	stileid.u32;
	s1 =	sand.u32 $0x10, s1  }
0x4: {  	s1 =	sor.u32 s0, s1  }
0x5: {  	s6 =	rddreg [dreg:$0x0];
	s4 =	simm.s32 $0x1;
	s2 =	sshll.u32 s1, $0x7  }
0x6: {  	s7 =	simm.s32 $0x2;
	s12 =	simm.s32 $0x0;
	s1 =	ssub.s32 $0x1000, s2  }
0x7: {  	s8 =	simm.s32 $0x8000;
	s13 =	simm.s32 $0x0;
	s3 =	sand.u32 $0xF80, s1  }
0x8: {  	s9 =	simm.s32 $0x0;
	s5 =	sshrl.u32 s1, $0xC;
	p0 =	sne.s32 s3, $0x0  }
.Ltmp0:
0x9: {  	s1 =	rddreg [dreg:$0x2];
	s4 =	simm.s32 @!p0 $0x0;
	(pc) =	sbr.rel .LBB1_1-.Ltmp0, $4  }
0xa: {  	s11 =	simm.s32 $0x0;
	s3 =	rddreg [dreg:$0x1];
	s5 =	sadd.s32 s4, s5  }
0xb: {  	_ =	strace $0x8000004A;
	s4 =	simm.s32 $0x1;
	s5 =	smul.u32 $0xC8, s5  }
0xc: {  	s6 =	sadd.s32 $0x22E00, s6;
	s10 =	smov.u32 s2;
	[sflag:s4] =	ssyncpa.u1 $0x0  }
0xd: {  	p0 =	por $0x0, $0x0;
	[sflag:s7] =	ssyncpa.u1 $0x0;
	s7 =	sor.u32 $0x1, s5  }
.LBB1_4:
0xe: {  	s16 =	sshll.u32 s13, $0x3;
	s17 =	sand.u32 $0x78, s13  }
0xf: {  	s30 =	sand.u32 $0x7E00, s13;
	s12 =	sshll.u32 s12, $0xF;
	s16 =	sand.u32 $0xC00, s16  }
0x10: {  	[tilespmem:s15+$0x810 ss:$0x81] =	vst.msk $0xffff, v2;
	s31 =	sand.u32 $0x7, s13;
	s16 =	sor.u32 s17, s16;
	s17 =	sadd.s32 s3, s30  }
0x11: {  	[tilespmem:s15+$0x1020 ss:$0x81] =	vst.msk $0xffff, v0;
	s13 =	sshll.u32 s31, $0x12;
	s12 =	sadd.s32 s12, s17;
	s16 =	sshrl.u32 s16, $0x3  }
0x12: {  	[tilespmem:s15+$0x0 ss:$0x81] =	vst.msk $0xffff, v1;
	s13 =	sor.u32 $0x400, s13;
	s12 =	sadd.s32 s16, s12  }
0x13: {  	[hbm4b:s12+s13] =	stream.strided.scatter [tilespmem:s14], [sflag:$0x2], $0x2000, s8, s13, $0x20;
	[tilespmem:$0x8080] =	vst v63  }
.LBB1_5:
0x14: {  	s14 =	sadd.s32 $0x1, s9  }
0x15: {  	s12 =	sadd.s32 $0x1000, s10;
	s16 =	smov.u32 s10;
	p2 =	sgt.s32 s14, $0xC7  }
0x16: {  	s16 =	smov.u32 @p2 s12  }
0x17: {  	s14 =	simm.s32 @p2 $0x0;
	p2 =	sgt.s32 s16, $0xFFF  }
0x18: {  	s16 =	smov.u32 @p2 s2;
	p2 =	sne.s32 s11, s7  }
.Ltmp1:
0x19: {  	p1 =	slt.u32 s11, $0x2;
	(pc) =	sbr.rel @!p2 .LBB1_6-.Ltmp1, $4  }
0x1a: {  	s15 =	simm.s32 @!p1 $0x2  }
0x1b: {  	s13 =	smov.u32 s10;
	p0 =	por !p0, !p0;
	_ =	swait.ge @!p1 [sflag:s15], $0x2000  }
0x1c: {  	s12 =	smov.u32 s9;
	[sflag:s15] =	ssyncset.done @!p1 $0x0;
	s9 =	smov.u32 s14  }
0x1d: {  	s11 =	sadd.s32 $0x1, s11;
	[sflag:s15] =	ssyncadd.s32 @!p1 $0xFFFFE000;
	s10 =	smov.u32 s16  }
.LBB1_1:
0x1e: {  	p1 =	sge.u32 s11, s5  }
0x1f: {  	s14 =	sand.u32 @!p1 $0x1FFFFFF, s9  }
0x20: {  	s15 =	smulhi.u32 @!p1 $0x147AE15, s14;
	_ =	sdelay $0x1  }
0x21: {  	s15 =	smul.u32 @!p1 $0xC8, s15  }
0x22: {  	s16 =	sxor.u32 @!p1 $0xFFFFFFFF, s11;
	s17 =	smul.u32 @!p1 $0xC80, s10  }
0x23: {  	s31 =	sadd.s32 $0xFFFFFFFF, s11;
	s16 =	sshll.u32 @!p1 s16, $0xD;
	s14 =	ssub.s32 @!p1 s14, s15  }
0x24: {  	s15 =	sand.u32 @!p1 $0x2000, s16;
	s16 =	sadd.s32 @!p1 s6, s17;
	s14 =	sshll.u32 @!p1 s14, $0x4  }
0x25: {  	s17 =	simm.s32 @!p1 $0x6400;
	s14 =	sadd.s32 @!p1 s14, s16;
	s16 =	simm.s32 @!p1 $0x40  }
0x26: {  	[tilespmem:s15], [sflag:$0x1] =	stream.strided.gather @!p1 [hbm4b:s14+s16], $0x2000, s17, s16, $0x38;
	[tilespmem:$0x8080] =	vst v63  }
0x27: {  	p1 =	sge.u32 s31, s5  }
.Ltmp2:
0x28: {  	_ = 	snop;
	(pc) =	sbr.rel @p1 .LBB1_5-.Ltmp2, $1  }
0x29: {  	_ =	sdelay $0x3  }
0x2a: {  	s14 =	simm.s32 $0x1  }
0x2b: {  	_ =	swait.ge [sflag:s4], $0x2000;
	s14 =	simm.s32 @!p0 $0x0  }
0x2c: {  	[sflag:s4] =	ssyncset.done $0x0;
	s15 =	sshll.u32 s14, $0xD  }
0x2d: {  	[sflag:s4] =	ssyncadd.s32 $0xFFFFE000;
	s18 =	sor.u32 $0x20, s15  }
0x2e: {  	s14 =	smul.u32 $0x8100, s14;
	v3 =	vld [tilespmem:s18+$0x10]  }
0x2f: {  	s30 =	sand.u32 $0x1, s11;
	v2 =	vld [tilespmem:s18+$0xFFFFFFF0]  }
0x30: {  	s15 =	smul.u32 $0x8100, s30;
	s14 =	sshrl.u32 s14, $0x2;
	v0 =	vld [tilespmem:s18+$0x0]  }
0x31: {  	v1 =	vld [tilespmem:s18+$0xFFFFFFE0];
	s16 =	sor.u32 $0x4000, s14  }
0x32: {  	s31 =	sshrl.u32 s15, $0x2;
	s15 =	sadd.s32 $0x0, s16  }
0x33: {  	s17 =	simm.s32 $0x4;
	s18 =	sadd.s32 $0x40, s18;
	s14 =	sor.u32 $0x4000, s31;
	[tilespmem:s15+$0x1830 ss:$0x81] =	vst.msk $0xffff, v3  }
.LBB1_3:
0x34: {  	v3 =	vld [tilespmem:s18+$0x10];
	p1 =	sne.s32 s17, $0x1FC;
	[tilespmem:s15+$0x810 ss:$0x81] =	vst.msk $0xffff, v2;
	s19 =	smov.u32 s17;
	s17 =	sadd.s32 $0x4, s17  }
.Ltmp3:
0x35: {  	v2 =	vld [tilespmem:s18+$0xFFFFFFF0];
	[tilespmem:s15+$0x1020 ss:$0x81] =	vst.msk $0xffff, v0;
	(pc) =	sbr.rel @p1 .LBB1_3-.Ltmp3, $4  }
0x36: {  	v0 =	vld [tilespmem:s18+$0x0];
	[tilespmem:s15+$0x0 ss:$0x81] =	vst.msk $0xffff, v1  }
0x37: {  	s15 =	sshra.s32 s19, $0x2;
	v1 =	vld [tilespmem:s18+$0xFFFFFFE0]  }
0x38: {  	s15 =	sadd.s32 s15, s16  }
0x39: {  	s18 =	sadd.s32 $0x40, s18;
	[tilespmem:s15+$0x1830 ss:$0x81] =	vst.msk $0xffff, v3  }
.Ltmp4:
0x3a: {  	_ = 	snop;
	(pc) =	sbr.rel .LBB1_4-.Ltmp4, $1  }
0x3b: {  	_ =	sdelay $0x3  }
.LBB1_6:
0x3c: {  	_ =	sfence.sel $0x180000  }
0x3d: {  	s2 =	simm.s32 $0x1;
	[bflag:$0x0] =	sbarrier.arrive $0xFFFF  }
0x3e: {  	s31 =	simm.s32 $0x2;
	[sflag:s2] =	ssyncpa.u1 $0x1  }
0x3f: {  	[sflag:s31] =	ssyncpa.u1 $0x1  }
0x40: {  	p0 =	sne.s32 s0, $0x0;
	_ =	strace $0x9000004A  }
0x41: {  	s0 =	sadd.s32 @!p0 $0x100000, s1;
	[bflag:$0x2] =	sbarrier.arrive $0xFFFF  }
0x42: {  	[sflag:s0] =	ssyncadd.tile.s32 @!p0 $0x1;
	_ =	shalt  }
.Lfunc_end1:
_tile_overlayer_lowered:
.L_overlay_start_2:
0x43: {  	(tag) =	ssettag $0x2  }
0x44: {  	s0 =	rddreg [dreg:$0x0];
	s2 =	stileid.u32  }
0x45: {  	s1 =	rddreg [dreg:$0x1];
	p0 =	sne.s32 s2, $0x0  }
0x46: {  	s3 =	rddreg [dreg:$0x2];
	[bflag:$0x3] =	sbarrier.arrive $0xFFFF;
	s2 =	simm.s32 @!p0 $0x1C01  }
0x47: {  	[timem:s3], [sflag:s2] =	dma.local @!p0 [hbm:s0], s1  }
0x48: {  	s0 =	simm.s32 @!p0 $0x1  }
0x49: {  	_ =	swait.ge @!p0 [sflag:s0], s1  }
0x4a: {  	s1 =	ssub.s32 @!p0 $0x0, s1;
	[sflag:s0] =	ssyncset.done @!p0 $0x0  }
0x4b: {  	[sflag:s0] =	ssyncadd.s32 @!p0 s1  }
0x4c: {  	[bflag:$0x3] =	sbarrier.arrive $0xFFFF  }
0x4d: {  	_ =	shalt  }

</sc_bundles>
